<compile_context>
chip_gen: v7x
topology: tpu7x:2x2x1
jax: 0.10.2.dev20260603
libtpu: 0.0.44.dev20260713+nightly
codegen_flags: <defaults>
</compile_context>

<pallas_src>
import functools

import jax
import jax.numpy as jnp
from jax import lax
from jax.experimental import pallas as pl
from jax.experimental.pallas import tpu as pltpu
from jax.experimental.pallas import tpu_sc as plsc

_N = 10000
_E = 320000
_D_IN = 128
_CH = 16
_FCN = 64

_CHUNK = 128
_NCHUNKS = _E // _CHUNK
_ZB = 128
_NBUF = 8


def _chunk_range(wid, nw):
    c0 = (wid * _NCHUNKS) // nw
    c1 = ((wid + 1) * _NCHUNKS) // nw
    return c0, c1 - c0


def _deg_body(npad, ns, nc, rows_per_tile, k_tile, n_main,
              dst_hbm, out_hbm, didx, ones, zbuf, dacc,
              semi, *sems):
    cid = lax.axis_index("c")
    sid = lax.axis_index("s")
    wid = sid * nc + cid
    nw = nc * ns
    c0, n_w = _chunk_range(wid, nw)

    idx_desc = pltpu.async_copy(dst_hbm.at[1, pl.ds(c0, k_tile)], didx, semi)

    one = jnp.ones((16,), jnp.float32)
    zero = jnp.zeros((16,), jnp.float32)

    @pl.loop(0, _CHUNK)
    def _(r):
        ones[r, :] = one
        zbuf[r, :] = zero

    base_r = sid * rows_per_tile

    @pl.loop(0, rows_per_tile // _ZB)
    def _(i):
        pltpu.sync_copy(zbuf, dacc.at[pl.ds(base_r + i * _ZB, _ZB)])

    plsc.subcore_barrier()
    idx_desc.wait()

    @pl.loop(0, n_main // _NBUF)
    def _(t):
        for b in range(_NBUF):
            j = t * _NBUF + b

            @pl.when(t > 0)
            def _():
                pltpu.make_async_copy(ones, dacc.at[didx.at[j]],
                                      sems[b]).wait()

            pltpu.async_copy(ones, dacc.at[didx.at[j]], sems[b], add=True)

    for i in range(k_tile - n_main):
        j = n_main + i

        @pl.when(j < n_w)
        def _():
            pltpu.make_async_copy(ones, dacc.at[didx.at[j]],
                                  sems[i]).wait()
            pltpu.async_copy(ones, dacc.at[didx.at[j]], sems[i], add=True)

    for b in range(_NBUF):
        pltpu.make_async_copy(ones, dacc.at[didx.at[b]], sems[b]).wait()

    plsc.subcore_barrier()

    @pl.loop(0, rows_per_tile // _ZB)
    def _(i):
        r0 = base_r + i * _ZB
        pltpu.sync_copy(dacc.at[pl.ds(r0, _ZB)],
                        out_hbm.at[pl.ds(cid * npad + r0, _ZB)])


def _agg_body(npad, ns, nc, rows_per_tile, k_tile, n_main,
              ys_hbm, edge_hbm, out_hbm,
              sidx, didx, *scratch):
    cid = lax.axis_index("c")
    sid = lax.axis_index("s")
    wid = sid * nc + cid
    nw = nc * ns
    c0, n_w = _chunk_range(wid, nw)
    rows = scratch[:_NBUF]
    zbuf, acc, ysh, semi, semj, semy = scratch[_NBUF:_NBUF + 6]
    semg = scratch[_NBUF + 6:2 * _NBUF + 6]
    sems = scratch[2 * _NBUF + 6:]

    sdesc = pltpu.async_copy(edge_hbm.at[0, pl.ds(c0, k_tile)], sidx, semi)
    ddesc = pltpu.async_copy(edge_hbm.at[1, pl.ds(c0, k_tile)], didx, semj)

    base_r = sid * rows_per_tile
    ydesc = pltpu.async_copy(
        ys_hbm.at[pl.ds(base_r, rows_per_tile)],
        ysh.at[pl.ds(base_r, rows_per_tile)], semy)

    @pl.when(cid == 0)
    def _():
        pltpu.sync_copy(ys_hbm.at[pl.ds(base_r, rows_per_tile)],
                        acc.at[pl.ds(base_r, rows_per_tile)])

    @pl.when(cid != 0)
    def _():
        zero = jnp.zeros((16,), jnp.float32)

        @pl.loop(0, _ZB)
        def _(r):
            zbuf[r, :] = zero

        @pl.loop(0, rows_per_tile // _ZB)
        def _(i):
            pltpu.sync_copy(zbuf, acc.at[pl.ds(base_r + i * _ZB, _ZB)])

    ydesc.wait()
    plsc.subcore_barrier()
    sdesc.wait()
    ddesc.wait()

    def _gsrc(b):
        return ysh

    @pl.loop(0, n_main // _NBUF)
    def _(t):
        for b in range(_NBUF):
            j = t * _NBUF + b

            @pl.when(t > 0)
            def _():
                pltpu.make_async_copy(rows[b], acc.at[didx.at[j]],
                                      sems[b]).wait()

            pltpu.async_copy(_gsrc(b).at[sidx.at[j]], rows[b], semg[b])

        for b in range(_NBUF):
            j = t * _NBUF + b
            pltpu.make_async_copy(_gsrc(b).at[sidx.at[j]], rows[b],
                                  semg[b]).wait()
            pltpu.async_copy(rows[b], acc.at[didx.at[j]], sems[b], add=True)

    for i in range(k_tile - n_main):
        j = n_main + i

        @pl.when(j < n_w)
        def _():
            pltpu.make_async_copy(rows[i], acc.at[didx.at[j]],
                                  sems[i]).wait()
            pltpu.async_copy(ysh.at[sidx.at[j]], rows[i], semg[i])

    for i in range(k_tile - n_main):
        j = n_main + i

        @pl.when(j < n_w)
        def _():
            pltpu.make_async_copy(ysh.at[sidx.at[j]], rows[i],
                                  semg[i]).wait()
            pltpu.async_copy(rows[i], acc.at[didx.at[j]], sems[i], add=True)

    for b in range(_NBUF):
        pltpu.make_async_copy(rows[b], acc.at[didx.at[b]], sems[b]).wait()

    plsc.subcore_barrier()

    @pl.loop(0, rows_per_tile // _ZB)
    def _(i):
        r0 = base_r + i * _ZB
        pltpu.sync_copy(acc.at[pl.ds(r0, _ZB)],
                        out_hbm.at[pl.ds(cid * npad + r0, _ZB)])


def _packed_dinv(npad, degp_ref):
    p = npad * _CH // 128
    d = degp_ref[0:p, :] + degp_ref[p:2 * p, :] + 1.0
    return lax.rsqrt(d)


def _mm_body(npad, x3_ref, wb_ref, o_ref):
    pr = _N * _CH // 128
    acc = jnp.zeros((pr, 128), jnp.float32)
    for i in range(8):
        acc = acc + jnp.dot(x3_ref[:, i, :], wb_ref[i],
                            preferred_element_type=jnp.float32)
    o_ref[0:pr, :] = acc
    o_ref[pr:npad * _CH // 128, :] = jnp.zeros(
        ((npad - _N) * _CH // 128, 128), jnp.float32)


def _scale_body(npad, degp_ref, xwp_ref, ysp_ref):
    ysp_ref[...] = xwp_ref[...] * _packed_dinv(npad, degp_ref)


def _head_body(npad, degp_ref, q_ref, w0_ref, b0_ref, w1_ref, b1_ref, o_ref):
    p = npad * _CH // 128
    h = jnp.maximum((q_ref[0:p, :] + q_ref[p:2 * p, :])
                    * _packed_dinv(npad, degp_ref), 0.0)
    o1 = jnp.dot(h, w0_ref[...], preferred_element_type=jnp.float32)
    o1 = jnp.maximum(o1 + b0_ref[...], 0.0)
    o_ref[...] = jnp.dot(o1, w1_ref[...],
                         preferred_element_type=jnp.float32) + b1_ref[...]


def kernel(x, edge_index, W_gcn, W0, b0, W1, b1):
    info = plsc.get_sparse_core_info()
    nc, ns = info.num_cores, info.num_subcores
    nw = nc * ns

    rows_per_tile = -(-_N // (ns * _ZB)) * _ZB
    npad = rows_per_tile * ns
    k_tile = -(-_NCHUNKS // nw)
    n_main = ((_NCHUNKS // nw) // _NBUF) * _NBUF
    assert k_tile - n_main <= _NBUF
    p = npad * _CH // 128

    edge3 = edge_index.astype(jnp.int32).reshape(2, _NCHUNKS, _CHUNK)

    mesh = plsc.VectorSubcoreMesh(core_axis_name="c", subcore_axis_name="s")
    sc_params = pltpu.CompilerParams(use_tc_tiling_on_sc=False)

    deg_kernel = functools.partial(
        pl.kernel,
        out_type=jax.ShapeDtypeStruct((nc * npad, _CH), jnp.float32),
        mesh=mesh,
        scratch_types=[
            pltpu.VMEM((k_tile, _CHUNK), jnp.int32),
            pltpu.VMEM((_CHUNK, _CH), jnp.float32),
            pltpu.VMEM((_ZB, _CH), jnp.float32),
            pltpu.VMEM_SHARED((npad, _CH), jnp.float32),
        ] + [pltpu.SemaphoreType.DMA] * (1 + _NBUF),
        compiler_params=sc_params,
    )(functools.partial(_deg_body, npad, ns, nc, rows_per_tile,
                        k_tile, n_main))

    agg_kernel = functools.partial(
        pl.kernel,
        out_type=jax.ShapeDtypeStruct((nc * npad, _CH), jnp.float32),
        mesh=mesh,
        scratch_types=[
            pltpu.VMEM((k_tile, _CHUNK), jnp.int32),
            pltpu.VMEM((k_tile, _CHUNK), jnp.int32),
        ] + [pltpu.VMEM((_CHUNK, _CH), jnp.float32)] * (_NBUF + 1) + [
            pltpu.VMEM_SHARED((npad, _CH), jnp.float32),
            pltpu.VMEM_SHARED((npad, _CH), jnp.float32),
        ] + [pltpu.SemaphoreType.DMA] * (3 + 2 * _NBUF),
        compiler_params=sc_params,
    )(functools.partial(_agg_body, npad, ns, nc, rows_per_tile,
                        k_tile, n_main))

    deg2 = deg_kernel(edge3)

    x3 = x.reshape(_N // 8, 8, _D_IN)
    wb = jnp.stack([jnp.pad(W_gcn, ((0, 0), (_CH * i, 128 - _CH * (i + 1))))
                    for i in range(8)])

    xwp = pl.pallas_call(
        functools.partial(_mm_body, npad),
        out_shape=jax.ShapeDtypeStruct((p, 128), jnp.float32),
    )(x3, wb)

    degp_v = deg2.reshape(nc * p, 128)

    ysp = pl.pallas_call(
        functools.partial(_scale_body, npad),
        out_shape=jax.ShapeDtypeStruct((p, 128), jnp.float32),
    )(degp_v, xwp)

    ys_lin = ysp.reshape(npad, _CH)
    agg2 = agg_kernel(ys_lin, edge3)

    q_v = agg2.reshape(nc * p, 128)
    w0blk = jnp.kron(jnp.eye(8, dtype=jnp.float32), W0)
    b0blk = jnp.tile(b0, 8).reshape(1, 8 * _FCN)
    w1blk = jnp.kron(jnp.eye(8, dtype=jnp.float32), W1)

    o2p = pl.pallas_call(
        functools.partial(_head_body, npad),
        out_shape=jax.ShapeDtypeStruct((p, 8), jnp.float32),
    )(degp_v, q_v, w0blk, b0blk, w1blk, b1.reshape(1, 1))

    return o2p.reshape(npad, 1)[:_N]

# --- scband reference (transcript-rebuilt; emitter-appended) ---
"""Pipeline reference for scband-gcn-33363305955328 (READ-ONLY COPY).

The authoritative reference and input builder live on the scoring server;
editing this copy changes nothing except your own understanding.
"""

import jax, jax.numpy as jnp
import numpy as np

N = 10000
E = 320000
D_IN = 128
CH = 16
FCN = 64

def setup_inputs(seed: int = 0):
    key = jax.random.key(seed)
    k1, k2, k3, k4, k5 = jax.random.split(key, 5)
    x = jax.random.normal(k1, (N, D_IN), dtype=jnp.float32)
    edge_index = jax.random.randint(k2, (2, E), 0, N)
    W_gcn = jax.random.normal(k3, (D_IN, CH), dtype=jnp.float32) * 0.05
    W0 = jax.random.normal(k4, (CH, FCN), dtype=jnp.float32) * 0.05
    b0 = jnp.zeros((FCN,), dtype=jnp.float32)
    W1 = jax.random.normal(k5, (FCN, 1), dtype=jnp.float32) * 0.05
    b1 = jnp.zeros((1,), dtype=jnp.float32)
    return {"x": x, "edge_index": edge_index, "W_gcn": W_gcn, "W0": W0, "b0": b0, "W1": W1, "b1": b1}

def reference(x, edge_index, W_gcn, W0, b0, W1, b1):
    # GCNConv with symmetric normalization: A_hat = D^-1/2 (A + I) D^-1/2
    src = edge_index[0]
    dst = edge_index[1]
    loop = jnp.arange(N, dtype=src.dtype)
    src = jnp.concatenate([src, loop])
    dst = jnp.concatenate([dst, loop])
    ones = jnp.ones(src.shape[0], dtype=jnp.float32)
    deg = jnp.zeros((N,), jnp.float32).at[dst].add(ones)
    dinv = jnp.where(deg > 0, 1.0 / jnp.sqrt(deg), 0.0)
    norm = dinv[src] * dinv[dst]
    # dropout _d0 is identity at inference
    xw = x @ W_gcn
    msg = xw[src] * norm[:, None]
    h = jnp.zeros((N, CH), jnp.float32).at[dst].add(msg)
    h = jax.nn.relu(h)  # gcn0 activation='relu', use_bias=False
    # dropout _d1 identity at inference; Flatten is identity on [N, CH]
    o1 = jax.nn.relu(h @ W0 + b0)  # den0, relu
    o2 = o1 @ W1 + b1              # den1, linear
    return o2

if __name__ == "__main__":
    import jax
    _d = setup_inputs()
    print(jax.jit(kernel)(*tuple(_d.values())))

</pallas_src>

<mosaic_0001>
#map = affine_map<(d0, d1) -> (0, 0, 0)>
#map1 = affine_map<(d0, d1) -> (0, 0)>
module attributes {stable_mosaic.version = 14 : i64} {
  func.func @_deg_body(%arg0: i32, %arg1: i32, %arg2: memref<2x2500x128xi32, #tpu.memory_space<hbm>>, %arg3: memref<20480x16xf32, #tpu.memory_space<hbm>>, %arg4: memref<79x128xi32, #tpu.memory_space<vmem>>, %arg5: memref<128x16xf32, #tpu.memory_space<vmem>>, %arg6: memref<128x16xf32, #tpu.memory_space<vmem>>, %arg7: memref<10240x16xf32, #tpu.memory_space<vmem_shared>>, %arg8: memref<!tpu.dma_semaphore, #tpu.memory_space<semaphore_mem>>, %arg9: memref<!tpu.dma_semaphore, #tpu.memory_space<semaphore_mem>>, %arg10: memref<!tpu.dma_semaphore, #tpu.memory_space<semaphore_mem>>, %arg11: memref<!tpu.dma_semaphore, #tpu.memory_space<semaphore_mem>>, %arg12: memref<!tpu.dma_semaphore, #tpu.memory_space<semaphore_mem>>, %arg13: memref<!tpu.dma_semaphore, #tpu.memory_space<semaphore_mem>>, %arg14: memref<!tpu.dma_semaphore, #tpu.memory_space<semaphore_mem>>, %arg15: memref<!tpu.dma_semaphore, #tpu.memory_space<semaphore_mem>>, %arg16: memref<!tpu.dma_semaphore, #tpu.memory_space<semaphore_mem>>) attributes {dimension_semantics = [#tpu.dimension_semantics<core_parallel>, #tpu.dimension_semantics<subcore_parallel>], iteration_bounds = array<i64: 2, 16>, scalar_prefetch = 0 : i64, scratch_operands = 13 : i64, tpu.core_type = #tpu.core_type<sc_vector_subcore>, window_params = [{transform_indices = #map}, {transform_indices = #map1}]} {
    %mul3A = arith.constant 2 : i32
    %mul3A_0 = arith.muli %arg1, %mul3A : i32
    %add3A = arith.addi %mul3A_0, %arg0 : i32
    %mul3A_1 = arith.constant 2500 : i32
    %mul3A_2 = arith.muli %add3A, %mul3A_1 : i32
    %jit3A = arith.constant 32 : i32
    %div3A = arith.divsi %mul3A_2, %jit3A : i32
    %sign3A = arith.constant 0 : i32
    %sign3A_3 = arith.cmpi sgt, %mul3A_2, %sign3A : i32
    %sign3A_4 = arith.extui %sign3A_3 : i1 to i32
    %sign3A_5 = arith.constant 0 : i32
    %sign3A_6 = arith.cmpi slt, %mul3A_2, %sign3A_5 : i32
    %sign3A_7 = arith.extui %sign3A_6 : i1 to i32
    %sign3A_8 = arith.subi %sign3A_4, %sign3A_7 : i32
    %sign3A_9 = arith.constant 0 : i32
    %sign3A_10 = arith.cmpi sgt, %jit3A, %sign3A_9 : i32
    %sign3A_11 = arith.extui %sign3A_10 : i1 to i32
    %sign3A_12 = arith.constant 0 : i32
    %sign3A_13 = arith.cmpi slt, %jit3A, %sign3A_12 : i32
    %sign3A_14 = arith.extui %sign3A_13 : i1 to i32
    %sign3A_15 = arith.subi %sign3A_11, %sign3A_14 : i32
    %ne3A = arith.cmpi ne, %sign3A_8, %sign3A_15 : i32
    %rem3A = arith.remsi %mul3A_2, %jit3A : i32
    %ne3A_16 = arith.constant 0 : i32
    %ne3A_17 = arith.cmpi ne, %rem3A, %ne3A_16 : i32
    %and3A = arith.andi %ne3A, %ne3A_17 : i1
    %sub3A = arith.constant 1 : i32
    %sub3A_18 = arith.subi %div3A, %sub3A : i32
    %select_n3A = arith.select %and3A, %sub3A_18, %div3A : i32
    %add3A_19 = arith.constant 1 : i32
    %add3A_20 = arith.addi %add3A, %add3A_19 : i32
    %mul3A_21 = arith.constant 2500 : i32
    %mul3A_22 = arith.muli %add3A_20, %mul3A_21 : i32
    %jit3A_23 = arith.constant 32 : i32
    %div3A_24 = arith.divsi %mul3A_22, %jit3A_23 : i32
    %sign3A_25 = arith.constant 0 : i32
    %sign3A_26 = arith.cmpi sgt, %mul3A_22, %sign3A_25 : i32
    %sign3A_27 = arith.extui %sign3A_26 : i1 to i32
    %sign3A_28 = arith.constant 0 : i32
    %sign3A_29 = arith.cmpi slt, %mul3A_22, %sign3A_28 : i32
    %sign3A_30 = arith.extui %sign3A_29 : i1 to i32
    %sign3A_31 = arith.subi %sign3A_27, %sign3A_30 : i32
    %sign3A_32 = arith.constant 0 : i32
    %sign3A_33 = arith.cmpi sgt, %jit3A_23, %sign3A_32 : i32
    %sign3A_34 = arith.extui %sign3A_33 : i1 to i32
    %sign3A_35 = arith.constant 0 : i32
    %sign3A_36 = arith.cmpi slt, %jit3A_23, %sign3A_35 : i32
    %sign3A_37 = arith.extui %sign3A_36 : i1 to i32
    %sign3A_38 = arith.subi %sign3A_34, %sign3A_37 : i32
    %ne3A_39 = arith.cmpi ne, %sign3A_31, %sign3A_38 : i32
    %rem3A_40 = arith.remsi %mul3A_22, %jit3A_23 : i32
    %ne3A_41 = arith.constant 0 : i32
    %ne3A_42 = arith.cmpi ne, %rem3A_40, %ne3A_41 : i32
    %and3A_43 = arith.andi %ne3A_39, %ne3A_42 : i1
    %sub3A_44 = arith.constant 1 : i32
    %sub3A_45 = arith.subi %div3A_24, %sub3A_44 : i32
    %select_n3A_46 = arith.select %and3A_43, %sub3A_45, %div3A_24 : i32
    %sub3A_47 = arith.subi %select_n3A_46, %select_n3A : i32
    %dma_start3A = arith.constant 1 : i32
    %dma_start3A_48 = arith.constant 0 : i32
    %dma_start3A_49 = tpu.memref_slice %arg2[%dma_start3A, %select_n3A, %dma_start3A_48] : memref<2x2500x128xi32, #tpu.memory_space<hbm>> -> memref<1x79x128xi32, #tpu.memory_space<hbm>>
    %dma_start3A_50 = tpu.memref_squeeze %dma_start3A_49 : memref<1x79x128xi32, #tpu.memory_space<hbm>> -> memref<79x128xi32, #tpu.memory_space<hbm>>
    %dma_start3A_51 = arith.constant 0 : i32
    %dma_start3A_52 = tpu.memref_slice %arg2[%dma_start3A, %select_n3A, %dma_start3A_51] : memref<2x2500x128xi32, #tpu.memory_space<hbm>> -> memref<1x79x128xi32, #tpu.memory_space<hbm>>
    %dma_start3A_53 = tpu.memref_squeeze %dma_start3A_52 : memref<1x79x128xi32, #tpu.memory_space<hbm>> -> memref<79x128xi32, #tpu.memory_space<hbm>>
    tpu.enqueue_dma source(%dma_start3A_53 : memref<79x128xi32, #tpu.memory_space<hbm>>) target(%arg4 : memref<79x128xi32, #tpu.memory_space<vmem>>) target_semaphore(%arg8 : memref<!tpu.dma_semaphore, #tpu.memory_space<semaphore_mem>>)
    %broadcast_in_dim3A = arith.constant 1.000000e+00 : f32
    %broadcast_in_dim3A_54 = vector.broadcast %broadcast_in_dim3A : f32 to vector<16xf32>
    %broadcast_in_dim3A_55 = arith.constant 0.000000e+00 : f32
    %broadcast_in_dim3A_56 = vector.broadcast %broadcast_in_dim3A_55 : f32 to vector<16xf32>
    %scan3A = arith.constant 0 : i32
    %scan3A_57 = arith.constant 128 : i32
    %scan3A_58 = arith.addi %scan3A, %scan3A_57 : i32
    %scan3A_59 = arith.constant 1 : i32
    scf.for %scan3A_173 = %scan3A to %scan3A_58 step %scan3A_59  : i32 {
      %mul3A_174 = arith.constant 1 : i32
      %mul3A_175 = arith.muli %scan3A_173, %mul3A_174 : i32
      %add3A_176 = arith.constant 0 : i32
      %add3A_177 = arith.addi %add3A_176, %mul3A_175 : i32
      %swap3A = arith.index_cast %add3A_177 : i32 to index
      %swap3A_178 = arith.constant 0 : index
      %swap3A_179 = tpu.vector_load %arg5[%swap3A, %swap3A_178] {strides = array<i32>} : memref<128x16xf32, #tpu.memory_space<vmem>>, vector<1x16xf32>,
      %swap3A_180 = vector.shape_cast %swap3A_179 : vector<1x16xf32> to vector<16xf32>
      %swap3A_181 = vector.shape_cast %broadcast_in_dim3A_54 : vector<16xf32> to vector<1x16xf32>
      tpu.vector_store %arg5[%swap3A, %swap3A_178], %swap3A_181 {strides = array<i32>} : memref<128x16xf32, #tpu.memory_space<vmem>>, vector<1x16xf32>,
      %swap3A_182 = arith.index_cast %add3A_177 : i32 to index
      %swap3A_183 = arith.constant 0 : index
      %swap3A_184 = tpu.vector_load %arg6[%swap3A_182, %swap3A_183] {strides = array<i32>} : memref<128x16xf32, #tpu.memory_space<vmem>>, vector<1x16xf32>,
      %swap3A_185 = vector.shape_cast %swap3A_184 : vector<1x16xf32> to vector<16xf32>
      %swap3A_186 = vector.shape_cast %broadcast_in_dim3A_56 : vector<16xf32> to vector<1x16xf32>
      tpu.vector_store %arg6[%swap3A_182, %swap3A_183], %swap3A_186 {strides = array<i32>} : memref<128x16xf32, #tpu.memory_space<vmem>>, vector<1x16xf32>,
    }
    %scan3A_60 = arith.constant 128 : i32
    %mul3A_61 = arith.constant 640 : i32
    %mul3A_62 = arith.muli %arg1, %mul3A_61 : i32
    %scan3A_63 = arith.constant 0 : i32
    %scan3A_64 = arith.constant 5 : i32
    %scan3A_65 = arith.addi %scan3A_63, %scan3A_64 : i32
    %scan3A_66 = arith.constant 1 : i32
    scf.for %scan3A_173 = %scan3A_63 to %scan3A_65 step %scan3A_66  : i32 {
      %mul3A_174 = arith.constant 1 : i32
      %mul3A_175 = arith.muli %scan3A_173, %mul3A_174 : i32
      %add3A_176 = arith.constant 0 : i32
      %add3A_177 = arith.addi %add3A_176, %mul3A_175 : i32
      %mul3A_178 = arith.constant 128 : i32
      %mul3A_179 = arith.muli %add3A_177, %mul3A_178 : i32
      %add3A_180 = arith.addi %mul3A_62, %mul3A_179 : i32
      "tpu.region"() ({
        %run_scoped3A = tpu.sem_alloc : memref<!tpu.dma_semaphore, #tpu.memory_space<semaphore_mem>>
        %dma_start3A_181 = arith.constant 0 : i32
        %dma_start3A_182 = tpu.memref_slice %arg7[%add3A_180, %dma_start3A_181] : memref<10240x16xf32, #tpu.memory_space<vmem_shared>> -> memref<128x16xf32, #tpu.memory_space<vmem_shared>>
        %dma_start3A_183 = arith.constant 0 : i32
        %dma_start3A_184 = tpu.memref_slice %arg7[%add3A_180, %dma_start3A_183] : memref<10240x16xf32, #tpu.memory_space<vmem_shared>> -> memref<128x16xf32, #tpu.memory_space<vmem_shared>>
        tpu.enqueue_dma source(%arg6 : memref<128x16xf32, #tpu.memory_space<vmem>>) target(%dma_start3A_184 : memref<128x16xf32, #tpu.memory_space<vmem_shared>>) target_semaphore(%run_scoped3A : memref<!tpu.dma_semaphore, #tpu.memory_space<semaphore_mem>>)
        %dma_wait3A_185 = arith.constant 0 : i32
        %dma_wait3A_186 = tpu.memref_slice %arg7[%add3A_180, %dma_wait3A_185] : memref<10240x16xf32, #tpu.memory_space<vmem_shared>> -> memref<128x16xf32, #tpu.memory_space<vmem_shared>>
        %dma_wait3A_187 = arith.constant 0 : i32
        %dma_wait3A_188 = tpu.memref_slice %arg7[%add3A_180, %dma_wait3A_187] : memref<10240x16xf32, #tpu.memory_space<vmem_shared>> -> memref<128x16xf32, #tpu.memory_space<vmem_shared>>
        tpu.wait_dma2 semaphore(%run_scoped3A : memref<!tpu.dma_semaphore, #tpu.memory_space<semaphore_mem>>) src(%arg6 : memref<128x16xf32, #tpu.memory_space<vmem>>) dst(%dma_wait3A_188 : memref<128x16xf32, #tpu.memory_space<vmem_shared>>)
        tpu.yield
      }) : () -> ()
    }
    %scan3A_67 = arith.constant 5 : i32
    %barrier3A = arith.constant 0 : index
    tpu.barrier barrier_id(%barrier3A)
    %dma_wait3A = arith.constant 1 : i32
    %dma_wait3A_68 = arith.constant 0 : i32
    %dma_wait3A_69 = tpu.memref_slice %arg2[%dma_wait3A, %select_n3A, %dma_wait3A_68] : memref<2x2500x128xi32, #tpu.memory_space<hbm>> -> memref<1x79x128xi32, #tpu.memory_space<hbm>>
    %dma_wait3A_70 = tpu.memref_squeeze %dma_wait3A_69 : memref<1x79x128xi32, #tpu.memory_space<hbm>> -> memref<79x128xi32, #tpu.memory_space<hbm>>
    %dma_wait3A_71 = arith.constant 0 : i32
    %dma_wait3A_72 = tpu.memref_slice %arg2[%dma_wait3A, %select_n3A, %dma_wait3A_71] : memref<2x2500x128xi32, #tpu.memory_space<hbm>> -> memref<1x79x128xi32, #tpu.memory_space<hbm>>
    %dma_wait3A_73 = tpu.memref_squeeze %dma_wait3A_72 : memref<1x79x128xi32, #tpu.memory_space<hbm>> -> memref<79x128xi32, #tpu.memory_space<hbm>>
    tpu.wait_dma2 semaphore(%arg8 : memref<!tpu.dma_semaphore, #tpu.memory_space<semaphore_mem>>) src(%dma_wait3A_73 : memref<79x128xi32, #tpu.memory_space<hbm>>) dst(%arg4 : memref<79x128xi32, #tpu.memory_space<vmem>>)
    %scan3A_74 = arith.constant 0 : i32
    %scan3A_75 = arith.constant 9 : i32
    %scan3A_76 = arith.addi %scan3A_74, %scan3A_75 : i32
    %scan3A_77 = arith.constant 1 : i32
    scf.for %scan3A_173 = %scan3A_74 to %scan3A_76 step %scan3A_77  : i32 {
      %mul3A_174 = arith.constant 1 : i32
      %mul3A_175 = arith.muli %scan3A_173, %mul3A_174 : i32
      %add3A_176 = arith.constant 0 : i32
      %add3A_177 = arith.addi %add3A_176, %mul3A_175 : i32
      %mul3A_178 = arith.constant 8 : i32
      %mul3A_179 = arith.muli %add3A_177, %mul3A_178 : i32
      %add3A_180 = arith.constant 0 : i32
      %add3A_181 = arith.addi %mul3A_179, %add3A_180 : i32
      %gt3A_182 = arith.constant 0 : i32
      %gt3A_183 = arith.cmpi sgt, %add3A_177, %gt3A_182 : i32
      %convert_element_type3A_184 = arith.extui %gt3A_183 : i1 to i32
      %cond3A_185 = arith.constant 0 : i32
      %cond3A_186 = arith.cmpi ne, %convert_element_type3A_184, %cond3A_185 : i32
      scf.if %cond3A_186 {
        %dma_wait3A_298 = arith.constant 0 : i32
        %dma_wait3A_299 = tpu.memref_slice %arg4[%add3A_181, %dma_wait3A_298] : memref<79x128xi32, #tpu.memory_space<vmem>> -> memref<1x128xi32, #tpu.memory_space<vmem>>
        %dma_wait3A_300 = tpu.memref_squeeze %dma_wait3A_299 : memref<1x128xi32, #tpu.memory_space<vmem>> -> memref<128xi32, #tpu.memory_space<vmem>>
        %dma_wait3A_301 = arith.constant 0 : i32
        %dma_wait3A_302 = arith.constant 0 : i32
        %dma_wait3A_303 = tpu.memref_slice %arg7[%dma_wait3A_301, %dma_wait3A_302] : memref<10240x16xf32, #tpu.memory_space<vmem_shared>> -> memref<10240x16xf32, #tpu.memory_space<vmem_shared>>
        tpu.wait_indirect_dma semaphore(%arg9 : memref<!tpu.dma_semaphore, #tpu.memory_space<semaphore_mem>>) src(%arg5 : memref<128x16xf32, #tpu.memory_space<vmem>>) dst(%dma_wait3A_303 : memref<10240x16xf32, #tpu.memory_space<vmem_shared>>)
      } else {
      }
      %dma_start3A_187 = arith.constant 0 : i32
      %dma_start3A_188 = tpu.memref_slice %arg4[%add3A_181, %dma_start3A_187] : memref<79x128xi32, #tpu.memory_space<vmem>> -> memref<1x128xi32, #tpu.memory_space<vmem>>
      %dma_start3A_189 = tpu.memref_squeeze %dma_start3A_188 : memref<1x128xi32, #tpu.memory_space<vmem>> -> memref<128xi32, #tpu.memory_space<vmem>>
      %dma_start3A_190 = arith.constant 0 : i32
      %dma_start3A_191 = arith.constant 0 : i32
      %dma_start3A_192 = tpu.memref_slice %arg7[%dma_start3A_190, %dma_start3A_191] : memref<10240x16xf32, #tpu.memory_space<vmem_shared>> -> memref<10240x16xf32, #tpu.memory_space<vmem_shared>>
      tpu.enqueue_indirect_dma source(%arg5 : memref<128x16xf32, #tpu.memory_space<vmem>>) target(%dma_start3A_192 : memref<10240x16xf32, #tpu.memory_space<vmem_shared>>) offsets(%dma_start3A_189 : memref<128xi32, #tpu.memory_space<vmem>>) semaphore(%arg9 : memref<!tpu.dma_semaphore, #tpu.memory_space<semaphore_mem>>) {add = true}
      %mul3A_193 = arith.constant 8 : i32
      %mul3A_194 = arith.muli %add3A_177, %mul3A_193 : i32
      %add3A_195 = arith.constant 1 : i32
      %add3A_196 = arith.addi %mul3A_194, %add3A_195 : i32
      %gt3A_197 = arith.constant 0 : i32
      %gt3A_198 = arith.cmpi sgt, %add3A_177, %gt3A_197 : i32
      %convert_element_type3A_199 = arith.extui %gt3A_198 : i1 to i32
      %cond3A_200 = arith.constant 0 : i32
      %cond3A_201 = arith.cmpi ne, %convert_element_type3A_199, %cond3A_200 : i32
      scf.if %cond3A_201 {
        %dma_wait3A_298 = arith.constant 0 : i32
        %dma_wait3A_299 = tpu.memref_slice %arg4[%add3A_196, %dma_wait3A_298] : memref<79x128xi32, #tpu.memory_space<vmem>> -> memref<1x128xi32, #tpu.memory_space<vmem>>
        %dma_wait3A_300 = tpu.memref_squeeze %dma_wait3A_299 : memref<1x128xi32, #tpu.memory_space<vmem>> -> memref<128xi32, #tpu.memory_space<vmem>>
        %dma_wait3A_301 = arith.constant 0 : i32
        %dma_wait3A_302 = arith.constant 0 : i32
        %dma_wait3A_303 = tpu.memref_slice %arg7[%dma_wait3A_301, %dma_wait3A_302] : memref<10240x16xf32, #tpu.memory_space<vmem_shared>> -> memref<10240x16xf32, #tpu.memory_space<vmem_shared>>
        tpu.wait_indirect_dma semaphore(%arg10 : memref<!tpu.dma_semaphore, #tpu.memory_space<semaphore_mem>>) src(%arg5 : memref<128x16xf32, #tpu.memory_space<vmem>>) dst(%dma_wait3A_303 : memref<10240x16xf32, #tpu.memory_space<vmem_shared>>)
      } else {
      }
      %dma_start3A_202 = arith.constant 0 : i32
      %dma_start3A_203 = tpu.memref_slice %arg4[%add3A_196, %dma_start3A_202] : memref<79x128xi32, #tpu.memory_space<vmem>> -> memref<1x128xi32, #tpu.memory_space<vmem>>
      %dma_start3A_204 = tpu.memref_squeeze %dma_start3A_203 : memref<1x128xi32, #tpu.memory_space<vmem>> -> memref<128xi32, #tpu.memory_space<vmem>>
      %dma_start3A_205 = arith.constant 0 : i32
      %dma_start3A_206 = arith.constant 0 : i32
      %dma_start3A_207 = tpu.memref_slice %arg7[%dma_start3A_205, %dma_start3A_206] : memref<10240x16xf32, #tpu.memory_space<vmem_shared>> -> memref<10240x16xf32, #tpu.memory_space<vmem_shared>>
      tpu.enqueue_indirect_dma source(%arg5 : memref<128x16xf32, #tpu.memory_space<vmem>>) target(%dma_start3A_207 : memref<10240x16xf32, #tpu.memory_space<vmem_shared>>) offsets(%dma_start3A_204 : memref<128xi32, #tpu.memory_space<vmem>>) semaphore(%arg10 : memref<!tpu.dma_semaphore, #tpu.memory_space<semaphore_mem>>) {add = true}
      %mul3A_208 = arith.constant 8 : i32
      %mul3A_209 = arith.muli %add3A_177, %mul3A_208 : i32
      %add3A_210 = arith.constant 2 : i32
      %add3A_211 = arith.addi %mul3A_209, %add3A_210 : i32
      %gt3A_212 = arith.constant 0 : i32
      %gt3A_213 = arith.cmpi sgt, %add3A_177, %gt3A_212 : i32
      %convert_element_type3A_214 = arith.extui %gt3A_213 : i1 to i32
      %cond3A_215 = arith.constant 0 : i32
      %cond3A_216 = arith.cmpi ne, %convert_element_type3A_214, %cond3A_215 : i32
      scf.if %cond3A_216 {
        %dma_wait3A_298 = arith.constant 0 : i32
        %dma_wait3A_299 = tpu.memref_slice %arg4[%add3A_211, %dma_wait3A_298] : memref<79x128xi32, #tpu.memory_space<vmem>> -> memref<1x128xi32, #tpu.memory_space<vmem>>
        %dma_wait3A_300 = tpu.memref_squeeze %dma_wait3A_299 : memref<1x128xi32, #tpu.memory_space<vmem>> -> memref<128xi32, #tpu.memory_space<vmem>>
        %dma_wait3A_301 = arith.constant 0 : i32
        %dma_wait3A_302 = arith.constant 0 : i32
        %dma_wait3A_303 = tpu.memref_slice %arg7[%dma_wait3A_301, %dma_wait3A_302] : memref<10240x16xf32, #tpu.memory_space<vmem_shared>> -> memref<10240x16xf32, #tpu.memory_space<vmem_shared>>
        tpu.wait_indirect_dma semaphore(%arg11 : memref<!tpu.dma_semaphore, #tpu.memory_space<semaphore_mem>>) src(%arg5 : memref<128x16xf32, #tpu.memory_space<vmem>>) dst(%dma_wait3A_303 : memref<10240x16xf32, #tpu.memory_space<vmem_shared>>)
      } else {
      }
      %dma_start3A_217 = arith.constant 0 : i32
      %dma_start3A_218 = tpu.memref_slice %arg4[%add3A_211, %dma_start3A_217] : memref<79x128xi32, #tpu.memory_space<vmem>> -> memref<1x128xi32, #tpu.memory_space<vmem>>
      %dma_start3A_219 = tpu.memref_squeeze %dma_start3A_218 : memref<1x128xi32, #tpu.memory_space<vmem>> -> memref<128xi32, #tpu.memory_space<vmem>>
      %dma_start3A_220 = arith.constant 0 : i32
      %dma_start3A_221 = arith.constant 0 : i32
      %dma_start3A_222 = tpu.memref_slice %arg7[%dma_start3A_220, %dma_start3A_221] : memref<10240x16xf32, #tpu.memory_space<vmem_shared>> -> memref<10240x16xf32, #tpu.memory_space<vmem_shared>>
      tpu.enqueue_indirect_dma source(%arg5 : memref<128x16xf32, #tpu.memory_space<vmem>>) target(%dma_start3A_222 : memref<10240x16xf32, #tpu.memory_space<vmem_shared>>) offsets(%dma_start3A_219 : memref<128xi32, #tpu.memory_space<vmem>>) semaphore(%arg11 : memref<!tpu.dma_semaphore, #tpu.memory_space<semaphore_mem>>) {add = true}
      %mul3A_223 = arith.constant 8 : i32
      %mul3A_224 = arith.muli %add3A_177, %mul3A_223 : i32
      %add3A_225 = arith.constant 3 : i32
      %add3A_226 = arith.addi %mul3A_224, %add3A_225 : i32
      %gt3A_227 = arith.constant 0 : i32
      %gt3A_228 = arith.cmpi sgt, %add3A_177, %gt3A_227 : i32
      %convert_element_type3A_229 = arith.extui %gt3A_228 : i1 to i32
      %cond3A_230 = arith.constant 0 : i32
      %cond3A_231 = arith.cmpi ne, %convert_element_type3A_229, %cond3A_230 : i32
      scf.if %cond3A_231 {
        %dma_wait3A_298 = arith.constant 0 : i32
        %dma_wait3A_299 = tpu.memref_slice %arg4[%add3A_226, %dma_wait3A_298] : memref<79x128xi32, #tpu.memory_space<vmem>> -> memref<1x128xi32, #tpu.memory_space<vmem>>
        %dma_wait3A_300 = tpu.memref_squeeze %dma_wait3A_299 : memref<1x128xi32, #tpu.memory_space<vmem>> -> memref<128xi32, #tpu.memory_space<vmem>>
        %dma_wait3A_301 = arith.constant 0 : i32
        %dma_wait3A_302 = arith.constant 0 : i32
        %dma_wait3A_303 = tpu.memref_slice %arg7[%dma_wait3A_301, %dma_wait3A_302] : memref<10240x16xf32, #tpu.memory_space<vmem_shared>> -> memref<10240x16xf32, #tpu.memory_space<vmem_shared>>
        tpu.wait_indirect_dma semaphore(%arg12 : memref<!tpu.dma_semaphore, #tpu.memory_space<semaphore_mem>>) src(%arg5 : memref<128x16xf32, #tpu.memory_space<vmem>>) dst(%dma_wait3A_303 : memref<10240x16xf32, #tpu.memory_space<vmem_shared>>)
      } else {
      }
      %dma_start3A_232 = arith.constant 0 : i32
      %dma_start3A_233 = tpu.memref_slice %arg4[%add3A_226, %dma_start3A_232] : memref<79x128xi32, #tpu.memory_space<vmem>> -> memref<1x128xi32, #tpu.memory_space<vmem>>
      %dma_start3A_234 = tpu.memref_squeeze %dma_start3A_233 : memref<1x128xi32, #tpu.memory_space<vmem>> -> memref<128xi32, #tpu.memory_space<vmem>>
      %dma_start3A_235 = arith.constant 0 : i32
      %dma_start3A_236 = arith.constant 0 : i32
      %dma_start3A_237 = tpu.memref_slice %arg7[%dma_start3A_235, %dma_start3A_236] : memref<10240x16xf32, #tpu.memory_space<vmem_shared>> -> memref<10240x16xf32, #tpu.memory_space<vmem_shared>>
      tpu.enqueue_indirect_dma source(%arg5 : memref<128x16xf32, #tpu.memory_space<vmem>>) target(%dma_start3A_237 : memref<10240x16xf32, #tpu.memory_space<vmem_shared>>) offsets(%dma_start3A_234 : memref<128xi32, #tpu.memory_space<vmem>>) semaphore(%arg12 : memref<!tpu.dma_semaphore, #tpu.memory_space<semaphore_mem>>) {add = true}
      %mul3A_238 = arith.constant 8 : i32
      %mul3A_239 = arith.muli %add3A_177, %mul3A_238 : i32
      %add3A_240 = arith.constant 4 : i32
      %add3A_241 = arith.addi %mul3A_239, %add3A_240 : i32
      %gt3A_242 = arith.constant 0 : i32
      %gt3A_243 = arith.cmpi sgt, %add3A_177, %gt3A_242 : i32
      %convert_element_type3A_244 = arith.extui %gt3A_243 : i1 to i32
      %cond3A_245 = arith.constant 0 : i32
      %cond3A_246 = arith.cmpi ne, %convert_element_type3A_244, %cond3A_245 : i32
      scf.if %cond3A_246 {
        %dma_wait3A_298 = arith.constant 0 : i32
        %dma_wait3A_299 = tpu.memref_slice %arg4[%add3A_241, %dma_wait3A_298] : memref<79x128xi32, #tpu.memory_space<vmem>> -> memref<1x128xi32, #tpu.memory_space<vmem>>
        %dma_wait3A_300 = tpu.memref_squeeze %dma_wait3A_299 : memref<1x128xi32, #tpu.memory_space<vmem>> -> memref<128xi32, #tpu.memory_space<vmem>>
        %dma_wait3A_301 = arith.constant 0 : i32
        %dma_wait3A_302 = arith.constant 0 : i32
        %dma_wait3A_303 = tpu.memref_slice %arg7[%dma_wait3A_301, %dma_wait3A_302] : memref<10240x16xf32, #tpu.memory_space<vmem_shared>> -> memref<10240x16xf32, #tpu.memory_space<vmem_shared>>
        tpu.wait_indirect_dma semaphore(%arg13 : memref<!tpu.dma_semaphore, #tpu.memory_space<semaphore_mem>>) src(%arg5 : memref<128x16xf32, #tpu.memory_space<vmem>>) dst(%dma_wait3A_303 : memref<10240x16xf32, #tpu.memory_space<vmem_shared>>)
      } else {
      }
      %dma_start3A_247 = arith.constant 0 : i32
      %dma_start3A_248 = tpu.memref_slice %arg4[%add3A_241, %dma_start3A_247] : memref<79x128xi32, #tpu.memory_space<vmem>> -> memref<1x128xi32, #tpu.memory_space<vmem>>
      %dma_start3A_249 = tpu.memref_squeeze %dma_start3A_248 : memref<1x128xi32, #tpu.memory_space<vmem>> -> memref<128xi32, #tpu.memory_space<vmem>>
      %dma_start3A_250 = arith.constant 0 : i32
      %dma_start3A_251 = arith.constant 0 : i32
      %dma_start3A_252 = tpu.memref_slice %arg7[%dma_start3A_250, %dma_start3A_251] : memref<10240x16xf32, #tpu.memory_space<vmem_shared>> -> memref<10240x16xf32, #tpu.memory_space<vmem_shared>>
      tpu.enqueue_indirect_dma source(%arg5 : memref<128x16xf32, #tpu.memory_space<vmem>>) target(%dma_start3A_252 : memref<10240x16xf32, #tpu.memory_space<vmem_shared>>) offsets(%dma_start3A_249 : memref<128xi32, #tpu.memory_space<vmem>>) semaphore(%arg13 : memref<!tpu.dma_semaphore, #tpu.memory_space<semaphore_mem>>) {add = true}
      %mul3A_253 = arith.constant 8 : i32
      %mul3A_254 = arith.muli %add3A_177, %mul3A_253 : i32
      %add3A_255 = arith.constant 5 : i32
      %add3A_256 = arith.addi %mul3A_254, %add3A_255 : i32
      %gt3A_257 = arith.constant 0 : i32
      %gt3A_258 = arith.cmpi sgt, %add3A_177, %gt3A_257 : i32
      %convert_element_type3A_259 = arith.extui %gt3A_258 : i1 to i32
      %cond3A_260 = arith.constant 0 : i32
      %cond3A_261 = arith.cmpi ne, %convert_element_type3A_259, %cond3A_260 : i32
      scf.if %cond3A_261 {
        %dma_wait3A_298 = arith.constant 0 : i32
        %dma_wait3A_299 = tpu.memref_slice %arg4[%add3A_256, %dma_wait3A_298] : memref<79x128xi32, #tpu.memory_space<vmem>> -> memref<1x128xi32, #tpu.memory_space<vmem>>
        %dma_wait3A_300 = tpu.memref_squeeze %dma_wait3A_299 : memref<1x128xi32, #tpu.memory_space<vmem>> -> memref<128xi32, #tpu.memory_space<vmem>>
        %dma_wait3A_301 = arith.constant 0 : i32
        %dma_wait3A_302 = arith.constant 0 : i32
        %dma_wait3A_303 = tpu.memref_slice %arg7[%dma_wait3A_301, %dma_wait3A_302] : memref<10240x16xf32, #tpu.memory_space<vmem_shared>> -> memref<10240x16xf32, #tpu.memory_space<vmem_shared>>
        tpu.wait_indirect_dma semaphore(%arg14 : memref<!tpu.dma_semaphore, #tpu.memory_space<semaphore_mem>>) src(%arg5 : memref<128x16xf32, #tpu.memory_space<vmem>>) dst(%dma_wait3A_303 : memref<10240x16xf32, #tpu.memory_space<vmem_shared>>)
      } else {
      }
      %dma_start3A_262 = arith.constant 0 : i32
      %dma_start3A_263 = tpu.memref_slice %arg4[%add3A_256, %dma_start3A_262] : memref<79x128xi32, #tpu.memory_space<vmem>> -> memref<1x128xi32, #tpu.memory_space<vmem>>
      %dma_start3A_264 = tpu.memref_squeeze %dma_start3A_263 : memref<1x128xi32, #tpu.memory_space<vmem>> -> memref<128xi32, #tpu.memory_space<vmem>>
      %dma_start3A_265 = arith.constant 0 : i32
      %dma_start3A_266 = arith.constant 0 : i32
      %dma_start3A_267 = tpu.memref_slice %arg7[%dma_start3A_265, %dma_start3A_266] : memref<10240x16xf32, #tpu.memory_space<vmem_shared>> -> memref<10240x16xf32, #tpu.memory_space<vmem_shared>>
      tpu.enqueue_indirect_dma source(%arg5 : memref<128x16xf32, #tpu.memory_space<vmem>>) target(%dma_start3A_267 : memref<10240x16xf32, #tpu.memory_space<vmem_shared>>) offsets(%dma_start3A_264 : memref<128xi32, #tpu.memory_space<vmem>>) semaphore(%arg14 : memref<!tpu.dma_semaphore, #tpu.memory_space<semaphore_mem>>) {add = true}
      %mul3A_268 = arith.constant 8 : i32
      %mul3A_269 = arith.muli %add3A_177, %mul3A_268 : i32
      %add3A_270 = arith.constant 6 : i32
      %add3A_271 = arith.addi %mul3A_269, %add3A_270 : i32
      %gt3A_272 = arith.constant 0 : i32
      %gt3A_273 = arith.cmpi sgt, %add3A_177, %gt3A_272 : i32
      %convert_element_type3A_274 = arith.extui %gt3A_273 : i1 to i32
      %cond3A_275 = arith.constant 0 : i32
      %cond3A_276 = arith.cmpi ne, %convert_element_type3A_274, %cond3A_275 : i32
      scf.if %cond3A_276 {
        %dma_wait3A_298 = arith.constant 0 : i32
        %dma_wait3A_299 = tpu.memref_slice %arg4[%add3A_271, %dma_wait3A_298] : memref<79x128xi32, #tpu.memory_space<vmem>> -> memref<1x128xi32, #tpu.memory_space<vmem>>
        %dma_wait3A_300 = tpu.memref_squeeze %dma_wait3A_299 : memref<1x128xi32, #tpu.memory_space<vmem>> -> memref<128xi32, #tpu.memory_space<vmem>>
        %dma_wait3A_301 = arith.constant 0 : i32
        %dma_wait3A_302 = arith.constant 0 : i32
        %dma_wait3A_303 = tpu.memref_slice %arg7[%dma_wait3A_301, %dma_wait3A_302] : memref<10240x16xf32, #tpu.memory_space<vmem_shared>> -> memref<10240x16xf32, #tpu.memory_space<vmem_shared>>
        tpu.wait_indirect_dma semaphore(%arg15 : memref<!tpu.dma_semaphore, #tpu.memory_space<semaphore_mem>>) src(%arg5 : memref<128x16xf32, #tpu.memory_space<vmem>>) dst(%dma_wait3A_303 : memref<10240x16xf32, #tpu.memory_space<vmem_shared>>)
      } else {
      }
      %dma_start3A_277 = arith.constant 0 : i32
      %dma_start3A_278 = tpu.memref_slice %arg4[%add3A_271, %dma_start3A_277] : memref<79x128xi32, #tpu.memory_space<vmem>> -> memref<1x128xi32, #tpu.memory_space<vmem>>
      %dma_start3A_279 = tpu.memref_squeeze %dma_start3A_278 : memref<1x128xi32, #tpu.memory_space<vmem>> -> memref<128xi32, #tpu.memory_space<vmem>>
      %dma_start3A_280 = arith.constant 0 : i32
      %dma_start3A_281 = arith.constant 0 : i32
      %dma_start3A_282 = tpu.memref_slice %arg7[%dma_start3A_280, %dma_start3A_281] : memref<10240x16xf32, #tpu.memory_space<vmem_shared>> -> memref<10240x16xf32, #tpu.memory_space<vmem_shared>>
      tpu.enqueue_indirect_dma source(%arg5 : memref<128x16xf32, #tpu.memory_space<vmem>>) target(%dma_start3A_282 : memref<10240x16xf32, #tpu.memory_space<vmem_shared>>) offsets(%dma_start3A_279 : memref<128xi32, #tpu.memory_space<vmem>>) semaphore(%arg15 : memref<!tpu.dma_semaphore, #tpu.memory_space<semaphore_mem>>) {add = true}
      %mul3A_283 = arith.constant 8 : i32
      %mul3A_284 = arith.muli %add3A_177, %mul3A_283 : i32
      %add3A_285 = arith.constant 7 : i32
      %add3A_286 = arith.addi %mul3A_284, %add3A_285 : i32
      %gt3A_287 = arith.constant 0 : i32
      %gt3A_288 = arith.cmpi sgt, %add3A_177, %gt3A_287 : i32
      %convert_element_type3A_289 = arith.extui %gt3A_288 : i1 to i32
      %cond3A_290 = arith.constant 0 : i32
      %cond3A_291 = arith.cmpi ne, %convert_element_type3A_289, %cond3A_290 : i32
      scf.if %cond3A_291 {
        %dma_wait3A_298 = arith.constant 0 : i32
        %dma_wait3A_299 = tpu.memref_slice %arg4[%add3A_286, %dma_wait3A_298] : memref<79x128xi32, #tpu.memory_space<vmem>> -> memref<1x128xi32, #tpu.memory_space<vmem>>
        %dma_wait3A_300 = tpu.memref_squeeze %dma_wait3A_299 : memref<1x128xi32, #tpu.memory_space<vmem>> -> memref<128xi32, #tpu.memory_space<vmem>>
        %dma_wait3A_301 = arith.constant 0 : i32
        %dma_wait3A_302 = arith.constant 0 : i32
        %dma_wait3A_303 = tpu.memref_slice %arg7[%dma_wait3A_301, %dma_wait3A_302] : memref<10240x16xf32, #tpu.memory_space<vmem_shared>> -> memref<10240x16xf32, #tpu.memory_space<vmem_shared>>
        tpu.wait_indirect_dma semaphore(%arg16 : memref<!tpu.dma_semaphore, #tpu.memory_space<semaphore_mem>>) src(%arg5 : memref<128x16xf32, #tpu.memory_space<vmem>>) dst(%dma_wait3A_303 : memref<10240x16xf32, #tpu.memory_space<vmem_shared>>)
      } else {
      }
      %dma_start3A_292 = arith.constant 0 : i32
      %dma_start3A_293 = tpu.memref_slice %arg4[%add3A_286, %dma_start3A_292] : memref<79x128xi32, #tpu.memory_space<vmem>> -> memref<1x128xi32, #tpu.memory_space<vmem>>
      %dma_start3A_294 = tpu.memref_squeeze %dma_start3A_293 : memref<1x128xi32, #tpu.memory_space<vmem>> -> memref<128xi32, #tpu.memory_space<vmem>>
      %dma_start3A_295 = arith.constant 0 : i32
      %dma_start3A_296 = arith.constant 0 : i32
      %dma_start3A_297 = tpu.memref_slice %arg7[%dma_start3A_295, %dma_start3A_296] : memref<10240x16xf32, #tpu.memory_space<vmem_shared>> -> memref<10240x16xf32, #tpu.memory_space<vmem_shared>>
      tpu.enqueue_indirect_dma source(%arg5 : memref<128x16xf32, #tpu.memory_space<vmem>>) target(%dma_start3A_297 : memref<10240x16xf32, #tpu.memory_space<vmem_shared>>) offsets(%dma_start3A_294 : memref<128xi32, #tpu.memory_space<vmem>>) semaphore(%arg16 : memref<!tpu.dma_semaphore, #tpu.memory_space<semaphore_mem>>) {add = true}
    }
    %scan3A_78 = arith.constant 9 : i32
    %gt3A = arith.constant 72 : i32
    %gt3A_79 = arith.cmpi sgt, %sub3A_47, %gt3A : i32
    %convert_element_type3A = arith.extui %gt3A_79 : i1 to i32
    %cond3A = arith.constant 0 : i32
    %cond3A_80 = arith.cmpi ne, %convert_element_type3A, %cond3A : i32
    scf.if %cond3A_80 {
      %dma_wait3A_173 = arith.constant 72 : i32
      %dma_wait3A_174 = arith.constant 0 : i32
      %dma_wait3A_175 = tpu.memref_slice %arg4[%dma_wait3A_173, %dma_wait3A_174] : memref<79x128xi32, #tpu.memory_space<vmem>> -> memref<1x128xi32, #tpu.memory_space<vmem>>
      %dma_wait3A_176 = tpu.memref_squeeze %dma_wait3A_175 : memref<1x128xi32, #tpu.memory_space<vmem>> -> memref<128xi32, #tpu.memory_space<vmem>>
      %dma_wait3A_177 = arith.constant 0 : i32
      %dma_wait3A_178 = arith.constant 0 : i32
      %dma_wait3A_179 = tpu.memref_slice %arg7[%dma_wait3A_177, %dma_wait3A_178] : memref<10240x16xf32, #tpu.memory_space<vmem_shared>> -> memref<10240x16xf32, #tpu.memory_space<vmem_shared>>
      tpu.wait_indirect_dma semaphore(%arg9 : memref<!tpu.dma_semaphore, #tpu.memory_space<semaphore_mem>>) src(%arg5 : memref<128x16xf32, #tpu.memory_space<vmem>>) dst(%dma_wait3A_179 : memref<10240x16xf32, #tpu.memory_space<vmem_shared>>)
      %dma_start3A_180 = arith.constant 72 : i32
      %dma_start3A_181 = arith.constant 0 : i32
      %dma_start3A_182 = tpu.memref_slice %arg4[%dma_start3A_180, %dma_start3A_181] : memref<79x128xi32, #tpu.memory_space<vmem>> -> memref<1x128xi32, #tpu.memory_space<vmem>>
      %dma_start3A_183 = tpu.memref_squeeze %dma_start3A_182 : memref<1x128xi32, #tpu.memory_space<vmem>> -> memref<128xi32, #tpu.memory_space<vmem>>
      %dma_start3A_184 = arith.constant 0 : i32
      %dma_start3A_185 = arith.constant 0 : i32
      %dma_start3A_186 = tpu.memref_slice %arg7[%dma_start3A_184, %dma_start3A_185] : memref<10240x16xf32, #tpu.memory_space<vmem_shared>> -> memref<10240x16xf32, #tpu.memory_space<vmem_shared>>
      tpu.enqueue_indirect_dma source(%arg5 : memref<128x16xf32, #tpu.memory_space<vmem>>) target(%dma_start3A_186 : memref<10240x16xf32, #tpu.memory_space<vmem_shared>>) offsets(%dma_start3A_183 : memref<128xi32, #tpu.memory_space<vmem>>) semaphore(%arg9 : memref<!tpu.dma_semaphore, #tpu.memory_space<semaphore_mem>>) {add = true}
    } else {
    }
    %gt3A_81 = arith.constant 73 : i32
    %gt3A_82 = arith.cmpi sgt, %sub3A_47, %gt3A_81 : i32
    %convert_element_type3A_83 = arith.extui %gt3A_82 : i1 to i32
    %cond3A_84 = arith.constant 0 : i32
    %cond3A_85 = arith.cmpi ne, %convert_element_type3A_83, %cond3A_84 : i32
    scf.if %cond3A_85 {
      %dma_wait3A_173 = arith.constant 73 : i32
      %dma_wait3A_174 = arith.constant 0 : i32
      %dma_wait3A_175 = tpu.memref_slice %arg4[%dma_wait3A_173, %dma_wait3A_174] : memref<79x128xi32, #tpu.memory_space<vmem>> -> memref<1x128xi32, #tpu.memory_space<vmem>>
      %dma_wait3A_176 = tpu.memref_squeeze %dma_wait3A_175 : memref<1x128xi32, #tpu.memory_space<vmem>> -> memref<128xi32, #tpu.memory_space<vmem>>
      %dma_wait3A_177 = arith.constant 0 : i32
      %dma_wait3A_178 = arith.constant 0 : i32
      %dma_wait3A_179 = tpu.memref_slice %arg7[%dma_wait3A_177, %dma_wait3A_178] : memref<10240x16xf32, #tpu.memory_space<vmem_shared>> -> memref<10240x16xf32, #tpu.memory_space<vmem_shared>>
      tpu.wait_indirect_dma semaphore(%arg10 : memref<!tpu.dma_semaphore, #tpu.memory_space<semaphore_mem>>) src(%arg5 : memref<128x16xf32, #tpu.memory_space<vmem>>) dst(%dma_wait3A_179 : memref<10240x16xf32, #tpu.memory_space<vmem_shared>>)
      %dma_start3A_180 = arith.constant 73 : i32
      %dma_start3A_181 = arith.constant 0 : i32
      %dma_start3A_182 = tpu.memref_slice %arg4[%dma_start3A_180, %dma_start3A_181] : memref<79x128xi32, #tpu.memory_space<vmem>> -> memref<1x128xi32, #tpu.memory_space<vmem>>
      %dma_start3A_183 = tpu.memref_squeeze %dma_start3A_182 : memref<1x128xi32, #tpu.memory_space<vmem>> -> memref<128xi32, #tpu.memory_space<vmem>>
      %dma_start3A_184 = arith.constant 0 : i32
      %dma_start3A_185 = arith.constant 0 : i32
      %dma_start3A_186 = tpu.memref_slice %arg7[%dma_start3A_184, %dma_start3A_185] : memref<10240x16xf32, #tpu.memory_space<vmem_shared>> -> memref<10240x16xf32, #tpu.memory_space<vmem_shared>>
      tpu.enqueue_indirect_dma source(%arg5 : memref<128x16xf32, #tpu.memory_space<vmem>>) target(%dma_start3A_186 : memref<10240x16xf32, #tpu.memory_space<vmem_shared>>) offsets(%dma_start3A_183 : memref<128xi32, #tpu.memory_space<vmem>>) semaphore(%arg10 : memref<!tpu.dma_semaphore, #tpu.memory_space<semaphore_mem>>) {add = true}
    } else {
    }
    %gt3A_86 = arith.constant 74 : i32
    %gt3A_87 = arith.cmpi sgt, %sub3A_47, %gt3A_86 : i32
    %convert_element_type3A_88 = arith.extui %gt3A_87 : i1 to i32
    %cond3A_89 = arith.constant 0 : i32
    %cond3A_90 = arith.cmpi ne, %convert_element_type3A_88, %cond3A_89 : i32
    scf.if %cond3A_90 {
      %dma_wait3A_173 = arith.constant 74 : i32
      %dma_wait3A_174 = arith.constant 0 : i32
      %dma_wait3A_175 = tpu.memref_slice %arg4[%dma_wait3A_173, %dma_wait3A_174] : memref<79x128xi32, #tpu.memory_space<vmem>> -> memref<1x128xi32, #tpu.memory_space<vmem>>
      %dma_wait3A_176 = tpu.memref_squeeze %dma_wait3A_175 : memref<1x128xi32, #tpu.memory_space<vmem>> -> memref<128xi32, #tpu.memory_space<vmem>>
      %dma_wait3A_177 = arith.constant 0 : i32
      %dma_wait3A_178 = arith.constant 0 : i32
      %dma_wait3A_179 = tpu.memref_slice %arg7[%dma_wait3A_177, %dma_wait3A_178] : memref<10240x16xf32, #tpu.memory_space<vmem_shared>> -> memref<10240x16xf32, #tpu.memory_space<vmem_shared>>
      tpu.wait_indirect_dma semaphore(%arg11 : memref<!tpu.dma_semaphore, #tpu.memory_space<semaphore_mem>>) src(%arg5 : memref<128x16xf32, #tpu.memory_space<vmem>>) dst(%dma_wait3A_179 : memref<10240x16xf32, #tpu.memory_space<vmem_shared>>)
      %dma_start3A_180 = arith.constant 74 : i32
      %dma_start3A_181 = arith.constant 0 : i32
      %dma_start3A_182 = tpu.memref_slice %arg4[%dma_start3A_180, %dma_start3A_181] : memref<79x128xi32, #tpu.memory_space<vmem>> -> memref<1x128xi32, #tpu.memory_space<vmem>>
      %dma_start3A_183 = tpu.memref_squeeze %dma_start3A_182 : memref<1x128xi32, #tpu.memory_space<vmem>> -> memref<128xi32, #tpu.memory_space<vmem>>
      %dma_start3A_184 = arith.constant 0 : i32
      %dma_start3A_185 = arith.constant 0 : i32
      %dma_start3A_186 = tpu.memref_slice %arg7[%dma_start3A_184, %dma_start3A_185] : memref<10240x16xf32, #tpu.memory_space<vmem_shared>> -> memref<10240x16xf32, #tpu.memory_space<vmem_shared>>
      tpu.enqueue_indirect_dma source(%arg5 : memref<128x16xf32, #tpu.memory_space<vmem>>) target(%dma_start3A_186 : memref<10240x16xf32, #tpu.memory_space<vmem_shared>>) offsets(%dma_start3A_183 : memref<128xi32, #tpu.memory_space<vmem>>) semaphore(%arg11 : memref<!tpu.dma_semaphore, #tpu.memory_space<semaphore_mem>>) {add = true}
    } else {
    }
    %gt3A_91 = arith.constant 75 : i32
    %gt3A_92 = arith.cmpi sgt, %sub3A_47, %gt3A_91 : i32
    %convert_element_type3A_93 = arith.extui %gt3A_92 : i1 to i32
    %cond3A_94 = arith.constant 0 : i32
    %cond3A_95 = arith.cmpi ne, %convert_element_type3A_93, %cond3A_94 : i32
    scf.if %cond3A_95 {
      %dma_wait3A_173 = arith.constant 75 : i32
      %dma_wait3A_174 = arith.constant 0 : i32
      %dma_wait3A_175 = tpu.memref_slice %arg4[%dma_wait3A_173, %dma_wait3A_174] : memref<79x128xi32, #tpu.memory_space<vmem>> -> memref<1x128xi32, #tpu.memory_space<vmem>>
      %dma_wait3A_176 = tpu.memref_squeeze %dma_wait3A_175 : memref<1x128xi32, #tpu.memory_space<vmem>> -> memref<128xi32, #tpu.memory_space<vmem>>
      %dma_wait3A_177 = arith.constant 0 : i32
      %dma_wait3A_178 = arith.constant 0 : i32
      %dma_wait3A_179 = tpu.memref_slice %arg7[%dma_wait3A_177, %dma_wait3A_178] : memref<10240x16xf32, #tpu.memory_space<vmem_shared>> -> memref<10240x16xf32, #tpu.memory_space<vmem_shared>>
      tpu.wait_indirect_dma semaphore(%arg12 : memref<!tpu.dma_semaphore, #tpu.memory_space<semaphore_mem>>) src(%arg5 : memref<128x16xf32, #tpu.memory_space<vmem>>) dst(%dma_wait3A_179 : memref<10240x16xf32, #tpu.memory_space<vmem_shared>>)
      %dma_start3A_180 = arith.constant 75 : i32
      %dma_start3A_181 = arith.constant 0 : i32
      %dma_start3A_182 = tpu.memref_slice %arg4[%dma_start3A_180, %dma_start3A_181] : memref<79x128xi32, #tpu.memory_space<vmem>> -> memref<1x128xi32, #tpu.memory_space<vmem>>
      %dma_start3A_183 = tpu.memref_squeeze %dma_start3A_182 : memref<1x128xi32, #tpu.memory_space<vmem>> -> memref<128xi32, #tpu.memory_space<vmem>>
      %dma_start3A_184 = arith.constant 0 : i32
      %dma_start3A_185 = arith.constant 0 : i32
      %dma_start3A_186 = tpu.memref_slice %arg7[%dma_start3A_184, %dma_start3A_185] : memref<10240x16xf32, #tpu.memory_space<vmem_shared>> -> memref<10240x16xf32, #tpu.memory_space<vmem_shared>>
      tpu.enqueue_indirect_dma source(%arg5 : memref<128x16xf32, #tpu.memory_space<vmem>>) target(%dma_start3A_186 : memref<10240x16xf32, #tpu.memory_space<vmem_shared>>) offsets(%dma_start3A_183 : memref<128xi32, #tpu.memory_space<vmem>>) semaphore(%arg12 : memref<!tpu.dma_semaphore, #tpu.memory_space<semaphore_mem>>) {add = true}
    } else {
    }
    %gt3A_96 = arith.constant 76 : i32
    %gt3A_97 = arith.cmpi sgt, %sub3A_47, %gt3A_96 : i32
    %convert_element_type3A_98 = arith.extui %gt3A_97 : i1 to i32
    %cond3A_99 = arith.constant 0 : i32
    %cond3A_100 = arith.cmpi ne, %convert_element_type3A_98, %cond3A_99 : i32
    scf.if %cond3A_100 {
      %dma_wait3A_173 = arith.constant 76 : i32
      %dma_wait3A_174 = arith.constant 0 : i32
      %dma_wait3A_175 = tpu.memref_slice %arg4[%dma_wait3A_173, %dma_wait3A_174] : memref<79x128xi32, #tpu.memory_space<vmem>> -> memref<1x128xi32, #tpu.memory_space<vmem>>
      %dma_wait3A_176 = tpu.memref_squeeze %dma_wait3A_175 : memref<1x128xi32, #tpu.memory_space<vmem>> -> memref<128xi32, #tpu.memory_space<vmem>>
      %dma_wait3A_177 = arith.constant 0 : i32
      %dma_wait3A_178 = arith.constant 0 : i32
      %dma_wait3A_179 = tpu.memref_slice %arg7[%dma_wait3A_177, %dma_wait3A_178] : memref<10240x16xf32, #tpu.memory_space<vmem_shared>> -> memref<10240x16xf32, #tpu.memory_space<vmem_shared>>
      tpu.wait_indirect_dma semaphore(%arg13 : memref<!tpu.dma_semaphore, #tpu.memory_space<semaphore_mem>>) src(%arg5 : memref<128x16xf32, #tpu.memory_space<vmem>>) dst(%dma_wait3A_179 : memref<10240x16xf32, #tpu.memory_space<vmem_shared>>)
      %dma_start3A_180 = arith.constant 76 : i32
      %dma_start3A_181 = arith.constant 0 : i32
      %dma_start3A_182 = tpu.memref_slice %arg4[%dma_start3A_180, %dma_start3A_181] : memref<79x128xi32, #tpu.memory_space<vmem>> -> memref<1x128xi32, #tpu.memory_space<vmem>>
      %dma_start3A_183 = tpu.memref_squeeze %dma_start3A_182 : memref<1x128xi32, #tpu.memory_space<vmem>> -> memref<128xi32, #tpu.memory_space<vmem>>
      %dma_start3A_184 = arith.constant 0 : i32
      %dma_start3A_185 = arith.constant 0 : i32
      %dma_start3A_186 = tpu.memref_slice %arg7[%dma_start3A_184, %dma_start3A_185] : memref<10240x16xf32, #tpu.memory_space<vmem_shared>> -> memref<10240x16xf32, #tpu.memory_space<vmem_shared>>
      tpu.enqueue_indirect_dma source(%arg5 : memref<128x16xf32, #tpu.memory_space<vmem>>) target(%dma_start3A_186 : memref<10240x16xf32, #tpu.memory_space<vmem_shared>>) offsets(%dma_start3A_183 : memref<128xi32, #tpu.memory_space<vmem>>) semaphore(%arg13 : memref<!tpu.dma_semaphore, #tpu.memory_space<semaphore_mem>>) {add = true}
    } else {
    }
    %gt3A_101 = arith.constant 77 : i32
    %gt3A_102 = arith.cmpi sgt, %sub3A_47, %gt3A_101 : i32
    %convert_element_type3A_103 = arith.extui %gt3A_102 : i1 to i32
    %cond3A_104 = arith.constant 0 : i32
    %cond3A_105 = arith.cmpi ne, %convert_element_type3A_103, %cond3A_104 : i32
    scf.if %cond3A_105 {
      %dma_wait3A_173 = arith.constant 77 : i32
      %dma_wait3A_174 = arith.constant 0 : i32
      %dma_wait3A_175 = tpu.memref_slice %arg4[%dma_wait3A_173, %dma_wait3A_174] : memref<79x128xi32, #tpu.memory_space<vmem>> -> memref<1x128xi32, #tpu.memory_space<vmem>>
      %dma_wait3A_176 = tpu.memref_squeeze %dma_wait3A_175 : memref<1x128xi32, #tpu.memory_space<vmem>> -> memref<128xi32, #tpu.memory_space<vmem>>
      %dma_wait3A_177 = arith.constant 0 : i32
      %dma_wait3A_178 = arith.constant 0 : i32
      %dma_wait3A_179 = tpu.memref_slice %arg7[%dma_wait3A_177, %dma_wait3A_178] : memref<10240x16xf32, #tpu.memory_space<vmem_shared>> -> memref<10240x16xf32, #tpu.memory_space<vmem_shared>>
      tpu.wait_indirect_dma semaphore(%arg14 : memref<!tpu.dma_semaphore, #tpu.memory_space<semaphore_mem>>) src(%arg5 : memref<128x16xf32, #tpu.memory_space<vmem>>) dst(%dma_wait3A_179 : memref<10240x16xf32, #tpu.memory_space<vmem_shared>>)
      %dma_start3A_180 = arith.constant 77 : i32
      %dma_start3A_181 = arith.constant 0 : i32
      %dma_start3A_182 = tpu.memref_slice %arg4[%dma_start3A_180, %dma_start3A_181] : memref<79x128xi32, #tpu.memory_space<vmem>> -> memref<1x128xi32, #tpu.memory_space<vmem>>
      %dma_start3A_183 = tpu.memref_squeeze %dma_start3A_182 : memref<1x128xi32, #tpu.memory_space<vmem>> -> memref<128xi32, #tpu.memory_space<vmem>>
      %dma_start3A_184 = arith.constant 0 : i32
      %dma_start3A_185 = arith.constant 0 : i32
      %dma_start3A_186 = tpu.memref_slice %arg7[%dma_start3A_184, %dma_start3A_185] : memref<10240x16xf32, #tpu.memory_space<vmem_shared>> -> memref<10240x16xf32, #tpu.memory_space<vmem_shared>>
      tpu.enqueue_indirect_dma source(%arg5 : memref<128x16xf32, #tpu.memory_space<vmem>>) target(%dma_start3A_186 : memref<10240x16xf32, #tpu.memory_space<vmem_shared>>) offsets(%dma_start3A_183 : memref<128xi32, #tpu.memory_space<vmem>>) semaphore(%arg14 : memref<!tpu.dma_semaphore, #tpu.memory_space<semaphore_mem>>) {add = true}
    } else {
    }
    %gt3A_106 = arith.constant 78 : i32
    %gt3A_107 = arith.cmpi sgt, %sub3A_47, %gt3A_106 : i32
    %convert_element_type3A_108 = arith.extui %gt3A_107 : i1 to i32
    %cond3A_109 = arith.constant 0 : i32
    %cond3A_110 = arith.cmpi ne, %convert_element_type3A_108, %cond3A_109 : i32
    scf.if %cond3A_110 {
      %dma_wait3A_173 = arith.constant 78 : i32
      %dma_wait3A_174 = arith.constant 0 : i32
      %dma_wait3A_175 = tpu.memref_slice %arg4[%dma_wait3A_173, %dma_wait3A_174] : memref<79x128xi32, #tpu.memory_space<vmem>> -> memref<1x128xi32, #tpu.memory_space<vmem>>
      %dma_wait3A_176 = tpu.memref_squeeze %dma_wait3A_175 : memref<1x128xi32, #tpu.memory_space<vmem>> -> memref<128xi32, #tpu.memory_space<vmem>>
      %dma_wait3A_177 = arith.constant 0 : i32
      %dma_wait3A_178 = arith.constant 0 : i32
      %dma_wait3A_179 = tpu.memref_slice %arg7[%dma_wait3A_177, %dma_wait3A_178] : memref<10240x16xf32, #tpu.memory_space<vmem_shared>> -> memref<10240x16xf32, #tpu.memory_space<vmem_shared>>
      tpu.wait_indirect_dma semaphore(%arg15 : memref<!tpu.dma_semaphore, #tpu.memory_space<semaphore_mem>>) src(%arg5 : memref<128x16xf32, #tpu.memory_space<vmem>>) dst(%dma_wait3A_179 : memref<10240x16xf32, #tpu.memory_space<vmem_shared>>)
      %dma_start3A_180 = arith.constant 78 : i32
      %dma_start3A_181 = arith.constant 0 : i32
      %dma_start3A_182 = tpu.memref_slice %arg4[%dma_start3A_180, %dma_start3A_181] : memref<79x128xi32, #tpu.memory_space<vmem>> -> memref<1x128xi32, #tpu.memory_space<vmem>>
      %dma_start3A_183 = tpu.memref_squeeze %dma_start3A_182 : memref<1x128xi32, #tpu.memory_space<vmem>> -> memref<128xi32, #tpu.memory_space<vmem>>
      %dma_start3A_184 = arith.constant 0 : i32
      %dma_start3A_185 = arith.constant 0 : i32
      %dma_start3A_186 = tpu.memref_slice %arg7[%dma_start3A_184, %dma_start3A_185] : memref<10240x16xf32, #tpu.memory_space<vmem_shared>> -> memref<10240x16xf32, #tpu.memory_space<vmem_shared>>
      tpu.enqueue_indirect_dma source(%arg5 : memref<128x16xf32, #tpu.memory_space<vmem>>) target(%dma_start3A_186 : memref<10240x16xf32, #tpu.memory_space<vmem_shared>>) offsets(%dma_start3A_183 : memref<128xi32, #tpu.memory_space<vmem>>) semaphore(%arg15 : memref<!tpu.dma_semaphore, #tpu.memory_space<semaphore_mem>>) {add = true}
    } else {
    }
    %dma_wait3A_111 = arith.constant 0 : i32
    %dma_wait3A_112 = arith.constant 0 : i32
    %dma_wait3A_113 = tpu.memref_slice %arg4[%dma_wait3A_111, %dma_wait3A_112] : memref<79x128xi32, #tpu.memory_space<vmem>> -> memref<1x128xi32, #tpu.memory_space<vmem>>
    %dma_wait3A_114 = tpu.memref_squeeze %dma_wait3A_113 : memref<1x128xi32, #tpu.memory_space<vmem>> -> memref<128xi32, #tpu.memory_space<vmem>>
    %dma_wait3A_115 = arith.constant 0 : i32
    %dma_wait3A_116 = arith.constant 0 : i32
    %dma_wait3A_117 = tpu.memref_slice %arg7[%dma_wait3A_115, %dma_wait3A_116] : memref<10240x16xf32, #tpu.memory_space<vmem_shared>> -> memref<10240x16xf32, #tpu.memory_space<vmem_shared>>
    tpu.wait_indirect_dma semaphore(%arg9 : memref<!tpu.dma_semaphore, #tpu.memory_space<semaphore_mem>>) src(%arg5 : memref<128x16xf32, #tpu.memory_space<vmem>>) dst(%dma_wait3A_117 : memref<10240x16xf32, #tpu.memory_space<vmem_shared>>)
    %dma_wait3A_118 = arith.constant 1 : i32
    %dma_wait3A_119 = arith.constant 0 : i32
    %dma_wait3A_120 = tpu.memref_slice %arg4[%dma_wait3A_118, %dma_wait3A_119] : memref<79x128xi32, #tpu.memory_space<vmem>> -> memref<1x128xi32, #tpu.memory_space<vmem>>
    %dma_wait3A_121 = tpu.memref_squeeze %dma_wait3A_120 : memref<1x128xi32, #tpu.memory_space<vmem>> -> memref<128xi32, #tpu.memory_space<vmem>>
    %dma_wait3A_122 = arith.constant 0 : i32
    %dma_wait3A_123 = arith.constant 0 : i32
    %dma_wait3A_124 = tpu.memref_slice %arg7[%dma_wait3A_122, %dma_wait3A_123] : memref<10240x16xf32, #tpu.memory_space<vmem_shared>> -> memref<10240x16xf32, #tpu.memory_space<vmem_shared>>
    tpu.wait_indirect_dma semaphore(%arg10 : memref<!tpu.dma_semaphore, #tpu.memory_space<semaphore_mem>>) src(%arg5 : memref<128x16xf32, #tpu.memory_space<vmem>>) dst(%dma_wait3A_124 : memref<10240x16xf32, #tpu.memory_space<vmem_shared>>)
    %dma_wait3A_125 = arith.constant 2 : i32
    %dma_wait3A_126 = arith.constant 0 : i32
    %dma_wait3A_127 = tpu.memref_slice %arg4[%dma_wait3A_125, %dma_wait3A_126] : memref<79x128xi32, #tpu.memory_space<vmem>> -> memref<1x128xi32, #tpu.memory_space<vmem>>
    %dma_wait3A_128 = tpu.memref_squeeze %dma_wait3A_127 : memref<1x128xi32, #tpu.memory_space<vmem>> -> memref<128xi32, #tpu.memory_space<vmem>>
    %dma_wait3A_129 = arith.constant 0 : i32
    %dma_wait3A_130 = arith.constant 0 : i32
    %dma_wait3A_131 = tpu.memref_slice %arg7[%dma_wait3A_129, %dma_wait3A_130] : memref<10240x16xf32, #tpu.memory_space<vmem_shared>> -> memref<10240x16xf32, #tpu.memory_space<vmem_shared>>
    tpu.wait_indirect_dma semaphore(%arg11 : memref<!tpu.dma_semaphore, #tpu.memory_space<semaphore_mem>>) src(%arg5 : memref<128x16xf32, #tpu.memory_space<vmem>>) dst(%dma_wait3A_131 : memref<10240x16xf32, #tpu.memory_space<vmem_shared>>)
    %dma_wait3A_132 = arith.constant 3 : i32
    %dma_wait3A_133 = arith.constant 0 : i32
    %dma_wait3A_134 = tpu.memref_slice %arg4[%dma_wait3A_132, %dma_wait3A_133] : memref<79x128xi32, #tpu.memory_space<vmem>> -> memref<1x128xi32, #tpu.memory_space<vmem>>
    %dma_wait3A_135 = tpu.memref_squeeze %dma_wait3A_134 : memref<1x128xi32, #tpu.memory_space<vmem>> -> memref<128xi32, #tpu.memory_space<vmem>>
    %dma_wait3A_136 = arith.constant 0 : i32
    %dma_wait3A_137 = arith.constant 0 : i32
    %dma_wait3A_138 = tpu.memref_slice %arg7[%dma_wait3A_136, %dma_wait3A_137] : memref<10240x16xf32, #tpu.memory_space<vmem_shared>> -> memref<10240x16xf32, #tpu.memory_space<vmem_shared>>
    tpu.wait_indirect_dma semaphore(%arg12 : memref<!tpu.dma_semaphore, #tpu.memory_space<semaphore_mem>>) src(%arg5 : memref<128x16xf32, #tpu.memory_space<vmem>>) dst(%dma_wait3A_138 : memref<10240x16xf32, #tpu.memory_space<vmem_shared>>)
    %dma_wait3A_139 = arith.constant 4 : i32
    %dma_wait3A_140 = arith.constant 0 : i32
    %dma_wait3A_141 = tpu.memref_slice %arg4[%dma_wait3A_139, %dma_wait3A_140] : memref<79x128xi32, #tpu.memory_space<vmem>> -> memref<1x128xi32, #tpu.memory_space<vmem>>
    %dma_wait3A_142 = tpu.memref_squeeze %dma_wait3A_141 : memref<1x128xi32, #tpu.memory_space<vmem>> -> memref<128xi32, #tpu.memory_space<vmem>>
    %dma_wait3A_143 = arith.constant 0 : i32
    %dma_wait3A_144 = arith.constant 0 : i32
    %dma_wait3A_145 = tpu.memref_slice %arg7[%dma_wait3A_143, %dma_wait3A_144] : memref<10240x16xf32, #tpu.memory_space<vmem_shared>> -> memref<10240x16xf32, #tpu.memory_space<vmem_shared>>
    tpu.wait_indirect_dma semaphore(%arg13 : memref<!tpu.dma_semaphore, #tpu.memory_space<semaphore_mem>>) src(%arg5 : memref<128x16xf32, #tpu.memory_space<vmem>>) dst(%dma_wait3A_145 : memref<10240x16xf32, #tpu.memory_space<vmem_shared>>)
    %dma_wait3A_146 = arith.constant 5 : i32
    %dma_wait3A_147 = arith.constant 0 : i32
    %dma_wait3A_148 = tpu.memref_slice %arg4[%dma_wait3A_146, %dma_wait3A_147] : memref<79x128xi32, #tpu.memory_space<vmem>> -> memref<1x128xi32, #tpu.memory_space<vmem>>
    %dma_wait3A_149 = tpu.memref_squeeze %dma_wait3A_148 : memref<1x128xi32, #tpu.memory_space<vmem>> -> memref<128xi32, #tpu.memory_space<vmem>>
    %dma_wait3A_150 = arith.constant 0 : i32
    %dma_wait3A_151 = arith.constant 0 : i32
    %dma_wait3A_152 = tpu.memref_slice %arg7[%dma_wait3A_150, %dma_wait3A_151] : memref<10240x16xf32, #tpu.memory_space<vmem_shared>> -> memref<10240x16xf32, #tpu.memory_space<vmem_shared>>
    tpu.wait_indirect_dma semaphore(%arg14 : memref<!tpu.dma_semaphore, #tpu.memory_space<semaphore_mem>>) src(%arg5 : memref<128x16xf32, #tpu.memory_space<vmem>>) dst(%dma_wait3A_152 : memref<10240x16xf32, #tpu.memory_space<vmem_shared>>)
    %dma_wait3A_153 = arith.constant 6 : i32
    %dma_wait3A_154 = arith.constant 0 : i32
    %dma_wait3A_155 = tpu.memref_slice %arg4[%dma_wait3A_153, %dma_wait3A_154] : memref<79x128xi32, #tpu.memory_space<vmem>> -> memref<1x128xi32, #tpu.memory_space<vmem>>
    %dma_wait3A_156 = tpu.memref_squeeze %dma_wait3A_155 : memref<1x128xi32, #tpu.memory_space<vmem>> -> memref<128xi32, #tpu.memory_space<vmem>>
    %dma_wait3A_157 = arith.constant 0 : i32
    %dma_wait3A_158 = arith.constant 0 : i32
    %dma_wait3A_159 = tpu.memref_slice %arg7[%dma_wait3A_157, %dma_wait3A_158] : memref<10240x16xf32, #tpu.memory_space<vmem_shared>> -> memref<10240x16xf32, #tpu.memory_space<vmem_shared>>
    tpu.wait_indirect_dma semaphore(%arg15 : memref<!tpu.dma_semaphore, #tpu.memory_space<semaphore_mem>>) src(%arg5 : memref<128x16xf32, #tpu.memory_space<vmem>>) dst(%dma_wait3A_159 : memref<10240x16xf32, #tpu.memory_space<vmem_shared>>)
    %dma_wait3A_160 = arith.constant 7 : i32
    %dma_wait3A_161 = arith.constant 0 : i32
    %dma_wait3A_162 = tpu.memref_slice %arg4[%dma_wait3A_160, %dma_wait3A_161] : memref<79x128xi32, #tpu.memory_space<vmem>> -> memref<1x128xi32, #tpu.memory_space<vmem>>
    %dma_wait3A_163 = tpu.memref_squeeze %dma_wait3A_162 : memref<1x128xi32, #tpu.memory_space<vmem>> -> memref<128xi32, #tpu.memory_space<vmem>>
    %dma_wait3A_164 = arith.constant 0 : i32
    %dma_wait3A_165 = arith.constant 0 : i32
    %dma_wait3A_166 = tpu.memref_slice %arg7[%dma_wait3A_164, %dma_wait3A_165] : memref<10240x16xf32, #tpu.memory_space<vmem_shared>> -> memref<10240x16xf32, #tpu.memory_space<vmem_shared>>
    tpu.wait_indirect_dma semaphore(%arg16 : memref<!tpu.dma_semaphore, #tpu.memory_space<semaphore_mem>>) src(%arg5 : memref<128x16xf32, #tpu.memory_space<vmem>>) dst(%dma_wait3A_166 : memref<10240x16xf32, #tpu.memory_space<vmem_shared>>)
    %barrier3A_167 = arith.constant 0 : index
    tpu.barrier barrier_id(%barrier3A_167)
    %scan3A_168 = arith.constant 0 : i32
    %scan3A_169 = arith.constant 5 : i32
    %scan3A_170 = arith.addi %scan3A_168, %scan3A_169 : i32
    %scan3A_171 = arith.constant 1 : i32
    scf.for %scan3A_173 = %scan3A_168 to %scan3A_170 step %scan3A_171  : i32 {
      %mul3A_174 = arith.constant 1 : i32
      %mul3A_175 = arith.muli %scan3A_173, %mul3A_174 : i32
      %add3A_176 = arith.constant 0 : i32
      %add3A_177 = arith.addi %add3A_176, %mul3A_175 : i32
      %mul3A_178 = arith.constant 128 : i32
      %mul3A_179 = arith.muli %add3A_177, %mul3A_178 : i32
      %add3A_180 = arith.addi %mul3A_62, %mul3A_179 : i32
      %mul3A_181 = arith.constant 10240 : i32
      %mul3A_182 = arith.muli %arg0, %mul3A_181 : i32
      %add3A_183 = arith.addi %mul3A_182, %add3A_180 : i32
      "tpu.region"() ({
        %run_scoped3A = tpu.sem_alloc : memref<!tpu.dma_semaphore, #tpu.memory_space<semaphore_mem>>
        %dma_start3A_184 = arith.constant 0 : i32
        %dma_start3A_185 = tpu.memref_slice %arg3[%add3A_183, %dma_start3A_184] : memref<20480x16xf32, #tpu.memory_space<hbm>> -> memref<128x16xf32, #tpu.memory_space<hbm>>
        %dma_start3A_186 = arith.constant 0 : i32
        %dma_start3A_187 = tpu.memref_slice %arg7[%add3A_180, %dma_start3A_186] : memref<10240x16xf32, #tpu.memory_space<vmem_shared>> -> memref<128x16xf32, #tpu.memory_space<vmem_shared>>
        tpu.enqueue_dma source(%dma_start3A_187 : memref<128x16xf32, #tpu.memory_space<vmem_shared>>) target(%dma_start3A_185 : memref<128x16xf32, #tpu.memory_space<hbm>>) target_semaphore(%run_scoped3A : memref<!tpu.dma_semaphore, #tpu.memory_space<semaphore_mem>>)
        %dma_wait3A_188 = arith.constant 0 : i32
        %dma_wait3A_189 = tpu.memref_slice %arg3[%add3A_183, %dma_wait3A_188] : memref<20480x16xf32, #tpu.memory_space<hbm>> -> memref<128x16xf32, #tpu.memory_space<hbm>>
        %dma_wait3A_190 = arith.constant 0 : i32
        %dma_wait3A_191 = tpu.memref_slice %arg7[%add3A_180, %dma_wait3A_190] : memref<10240x16xf32, #tpu.memory_space<vmem_shared>> -> memref<128x16xf32, #tpu.memory_space<vmem_shared>>
        tpu.wait_dma2 semaphore(%run_scoped3A : memref<!tpu.dma_semaphore, #tpu.memory_space<semaphore_mem>>) src(%dma_wait3A_191 : memref<128x16xf32, #tpu.memory_space<vmem_shared>>) dst(%dma_wait3A_189 : memref<128x16xf32, #tpu.memory_space<hbm>>)
        tpu.yield
      }) : () -> ()
    }
    %scan3A_172 = arith.constant 5 : i32
    return
  }
}

#map = affine_map<(d0, d1) -> (0, 0)>
#map1 = affine_map<(d0, d1) -> (0, 0, 0)>
module attributes {stable_mosaic.version = 14 : i64} {
  func.func @_agg_body(%arg0: i32, %arg1: i32, %arg2: memref<10240x16xf32, #tpu.memory_space<hbm>>, %arg3: memref<2x2500x128xi32, #tpu.memory_space<hbm>>, %arg4: memref<20480x16xf32, #tpu.memory_space<hbm>>, %arg5: memref<79x128xi32, #tpu.memory_space<vmem>>, %arg6: memref<79x128xi32, #tpu.memory_space<vmem>>, %arg7: memref<128x16xf32, #tpu.memory_space<vmem>>, %arg8: memref<128x16xf32, #tpu.memory_space<vmem>>, %arg9: memref<128x16xf32, #tpu.memory_space<vmem>>, %arg10: memref<128x16xf32, #tpu.memory_space<vmem>>, %arg11: memref<128x16xf32, #tpu.memory_space<vmem>>, %arg12: memref<128x16xf32, #tpu.memory_space<vmem>>, %arg13: memref<128x16xf32, #tpu.memory_space<vmem>>, %arg14: memref<128x16xf32, #tpu.memory_space<vmem>>, %arg15: memref<128x16xf32, #tpu.memory_space<vmem>>, %arg16: memref<10240x16xf32, #tpu.memory_space<vmem_shared>>, %arg17: memref<10240x16xf32, #tpu.memory_space<vmem_shared>>, %arg18: memref<!tpu.dma_semaphore, #tpu.memory_space<semaphore_mem>>, %arg19: memref<!tpu.dma_semaphore, #tpu.memory_space<semaphore_mem>>, %arg20: memref<!tpu.dma_semaphore, #tpu.memory_space<semaphore_mem>>, %arg21: memref<!tpu.dma_semaphore, #tpu.memory_space<semaphore_mem>>, %arg22: memref<!tpu.dma_semaphore, #tpu.memory_space<semaphore_mem>>, %arg23: memref<!tpu.dma_semaphore, #tpu.memory_space<semaphore_mem>>, %arg24: memref<!tpu.dma_semaphore, #tpu.memory_space<semaphore_mem>>, %arg25: memref<!tpu.dma_semaphore, #tpu.memory_space<semaphore_mem>>, %arg26: memref<!tpu.dma_semaphore, #tpu.memory_space<semaphore_mem>>, %arg27: memref<!tpu.dma_semaphore, #tpu.memory_space<semaphore_mem>>, %arg28: memref<!tpu.dma_semaphore, #tpu.memory_space<semaphore_mem>>, %arg29: memref<!tpu.dma_semaphore, #tpu.memory_space<semaphore_mem>>, %arg30: memref<!tpu.dma_semaphore, #tpu.memory_space<semaphore_mem>>, %arg31: memref<!tpu.dma_semaphore, #tpu.memory_space<semaphore_mem>>, %arg32: memref<!tpu.dma_semaphore, #tpu.memory_space<semaphore_mem>>, %arg33: memref<!tpu.dma_semaphore, #tpu.memory_space<semaphore_mem>>, %arg34: memref<!tpu.dma_semaphore, #tpu.memory_space<semaphore_mem>>, %arg35: memref<!tpu.dma_semaphore, #tpu.memory_space<semaphore_mem>>, %arg36: memref<!tpu.dma_semaphore, #tpu.memory_space<semaphore_mem>>) attributes {dimension_semantics = [#tpu.dimension_semantics<core_parallel>, #tpu.dimension_semantics<subcore_parallel>], iteration_bounds = array<i64: 2, 16>, scalar_prefetch = 0 : i64, scratch_operands = 32 : i64, tpu.core_type = #tpu.core_type<sc_vector_subcore>, window_params = [{transform_indices = #map}, {transform_indices = #map1}, {transform_indices = #map}]} {
    %mul3A = arith.constant 2 : i32
    %mul3A_0 = arith.muli %arg1, %mul3A : i32
    %add3A = arith.addi %mul3A_0, %arg0 : i32
    %mul3A_1 = arith.constant 2500 : i32
    %mul3A_2 = arith.muli %add3A, %mul3A_1 : i32
    %jit3A = arith.constant 32 : i32
    %div3A = arith.divsi %mul3A_2, %jit3A : i32
    %sign3A = arith.constant 0 : i32
    %sign3A_3 = arith.cmpi sgt, %mul3A_2, %sign3A : i32
    %sign3A_4 = arith.extui %sign3A_3 : i1 to i32
    %sign3A_5 = arith.constant 0 : i32
    %sign3A_6 = arith.cmpi slt, %mul3A_2, %sign3A_5 : i32
    %sign3A_7 = arith.extui %sign3A_6 : i1 to i32
    %sign3A_8 = arith.subi %sign3A_4, %sign3A_7 : i32
    %sign3A_9 = arith.constant 0 : i32
    %sign3A_10 = arith.cmpi sgt, %jit3A, %sign3A_9 : i32
    %sign3A_11 = arith.extui %sign3A_10 : i1 to i32
    %sign3A_12 = arith.constant 0 : i32
    %sign3A_13 = arith.cmpi slt, %jit3A, %sign3A_12 : i32
    %sign3A_14 = arith.extui %sign3A_13 : i1 to i32
    %sign3A_15 = arith.subi %sign3A_11, %sign3A_14 : i32
    %ne3A = arith.cmpi ne, %sign3A_8, %sign3A_15 : i32
    %rem3A = arith.remsi %mul3A_2, %jit3A : i32
    %ne3A_16 = arith.constant 0 : i32
    %ne3A_17 = arith.cmpi ne, %rem3A, %ne3A_16 : i32
    %and3A = arith.andi %ne3A, %ne3A_17 : i1
    %sub3A = arith.constant 1 : i32
    %sub3A_18 = arith.subi %div3A, %sub3A : i32
    %select_n3A = arith.select %and3A, %sub3A_18, %div3A : i32
    %add3A_19 = arith.constant 1 : i32
    %add3A_20 = arith.addi %add3A, %add3A_19 : i32
    %mul3A_21 = arith.constant 2500 : i32
    %mul3A_22 = arith.muli %add3A_20, %mul3A_21 : i32
    %jit3A_23 = arith.constant 32 : i32
    %div3A_24 = arith.divsi %mul3A_22, %jit3A_23 : i32
    %sign3A_25 = arith.constant 0 : i32
    %sign3A_26 = arith.cmpi sgt, %mul3A_22, %sign3A_25 : i32
    %sign3A_27 = arith.extui %sign3A_26 : i1 to i32
    %sign3A_28 = arith.constant 0 : i32
    %sign3A_29 = arith.cmpi slt, %mul3A_22, %sign3A_28 : i32
    %sign3A_30 = arith.extui %sign3A_29 : i1 to i32
    %sign3A_31 = arith.subi %sign3A_27, %sign3A_30 : i32
    %sign3A_32 = arith.constant 0 : i32
    %sign3A_33 = arith.cmpi sgt, %jit3A_23, %sign3A_32 : i32
    %sign3A_34 = arith.extui %sign3A_33 : i1 to i32
    %sign3A_35 = arith.constant 0 : i32
    %sign3A_36 = arith.cmpi slt, %jit3A_23, %sign3A_35 : i32
    %sign3A_37 = arith.extui %sign3A_36 : i1 to i32
    %sign3A_38 = arith.subi %sign3A_34, %sign3A_37 : i32
    %ne3A_39 = arith.cmpi ne, %sign3A_31, %sign3A_38 : i32
    %rem3A_40 = arith.remsi %mul3A_22, %jit3A_23 : i32
    %ne3A_41 = arith.constant 0 : i32
    %ne3A_42 = arith.cmpi ne, %rem3A_40, %ne3A_41 : i32
    %and3A_43 = arith.andi %ne3A_39, %ne3A_42 : i1
    %sub3A_44 = arith.constant 1 : i32
    %sub3A_45 = arith.subi %div3A_24, %sub3A_44 : i32
    %select_n3A_46 = arith.select %and3A_43, %sub3A_45, %div3A_24 : i32
    %sub3A_47 = arith.subi %select_n3A_46, %select_n3A : i32
    %dma_start3A = arith.constant 0 : i32
    %dma_start3A_48 = arith.constant 0 : i32
    %dma_start3A_49 = tpu.memref_slice %arg3[%dma_start3A, %select_n3A, %dma_start3A_48] : memref<2x2500x128xi32, #tpu.memory_space<hbm>> -> memref<1x79x128xi32, #tpu.memory_space<hbm>>
    %dma_start3A_50 = tpu.memref_squeeze %dma_start3A_49 : memref<1x79x128xi32, #tpu.memory_space<hbm>> -> memref<79x128xi32, #tpu.memory_space<hbm>>
    %dma_start3A_51 = arith.constant 0 : i32
    %dma_start3A_52 = tpu.memref_slice %arg3[%dma_start3A, %select_n3A, %dma_start3A_51] : memref<2x2500x128xi32, #tpu.memory_space<hbm>> -> memref<1x79x128xi32, #tpu.memory_space<hbm>>
    %dma_start3A_53 = tpu.memref_squeeze %dma_start3A_52 : memref<1x79x128xi32, #tpu.memory_space<hbm>> -> memref<79x128xi32, #tpu.memory_space<hbm>>
    tpu.enqueue_dma source(%dma_start3A_53 : memref<79x128xi32, #tpu.memory_space<hbm>>) target(%arg5 : memref<79x128xi32, #tpu.memory_space<vmem>>) target_semaphore(%arg18 : memref<!tpu.dma_semaphore, #tpu.memory_space<semaphore_mem>>)
    %dma_start3A_54 = arith.constant 1 : i32
    %dma_start3A_55 = arith.constant 0 : i32
    %dma_start3A_56 = tpu.memref_slice %arg3[%dma_start3A_54, %select_n3A, %dma_start3A_55] : memref<2x2500x128xi32, #tpu.memory_space<hbm>> -> memref<1x79x128xi32, #tpu.memory_space<hbm>>
    %dma_start3A_57 = tpu.memref_squeeze %dma_start3A_56 : memref<1x79x128xi32, #tpu.memory_space<hbm>> -> memref<79x128xi32, #tpu.memory_space<hbm>>
    %dma_start3A_58 = arith.constant 0 : i32
    %dma_start3A_59 = tpu.memref_slice %arg3[%dma_start3A_54, %select_n3A, %dma_start3A_58] : memref<2x2500x128xi32, #tpu.memory_space<hbm>> -> memref<1x79x128xi32, #tpu.memory_space<hbm>>
    %dma_start3A_60 = tpu.memref_squeeze %dma_start3A_59 : memref<1x79x128xi32, #tpu.memory_space<hbm>> -> memref<79x128xi32, #tpu.memory_space<hbm>>
    tpu.enqueue_dma source(%dma_start3A_60 : memref<79x128xi32, #tpu.memory_space<hbm>>) target(%arg6 : memref<79x128xi32, #tpu.memory_space<vmem>>) target_semaphore(%arg19 : memref<!tpu.dma_semaphore, #tpu.memory_space<semaphore_mem>>)
    %mul3A_61 = arith.constant 640 : i32
    %mul3A_62 = arith.muli %arg1, %mul3A_61 : i32
    %dma_start3A_63 = arith.constant 0 : i32
    %dma_start3A_64 = tpu.memref_slice %arg17[%mul3A_62, %dma_start3A_63] : memref<10240x16xf32, #tpu.memory_space<vmem_shared>> -> memref<640x16xf32, #tpu.memory_space<vmem_shared>>
    %dma_start3A_65 = arith.constant 0 : i32
    %dma_start3A_66 = tpu.memref_slice %arg2[%mul3A_62, %dma_start3A_65] : memref<10240x16xf32, #tpu.memory_space<hbm>> -> memref<640x16xf32, #tpu.memory_space<hbm>>
    tpu.enqueue_dma source(%dma_start3A_66 : memref<640x16xf32, #tpu.memory_space<hbm>>) target(%dma_start3A_64 : memref<640x16xf32, #tpu.memory_space<vmem_shared>>) target_semaphore(%arg20 : memref<!tpu.dma_semaphore, #tpu.memory_space<semaphore_mem>>)
    %eq3A = arith.constant 0 : i32
    %eq3A_67 = arith.cmpi eq, %arg0, %eq3A : i32
    %convert_element_type3A = arith.extui %eq3A_67 : i1 to i32
    %cond3A = arith.constant 0 : i32
    %cond3A_68 = arith.cmpi ne, %convert_element_type3A, %cond3A : i32
    scf.if %cond3A_68 {
      "tpu.region"() ({
        %run_scoped3A = tpu.sem_alloc : memref<!tpu.dma_semaphore, #tpu.memory_space<semaphore_mem>>
        %dma_start3A_226 = arith.constant 0 : i32
        %dma_start3A_227 = tpu.memref_slice %arg16[%mul3A_62, %dma_start3A_226] : memref<10240x16xf32, #tpu.memory_space<vmem_shared>> -> memref<640x16xf32, #tpu.memory_space<vmem_shared>>
        %dma_start3A_228 = arith.constant 0 : i32
        %dma_start3A_229 = tpu.memref_slice %arg2[%mul3A_62, %dma_start3A_228] : memref<10240x16xf32, #tpu.memory_space<hbm>> -> memref<640x16xf32, #tpu.memory_space<hbm>>
        tpu.enqueue_dma source(%dma_start3A_229 : memref<640x16xf32, #tpu.memory_space<hbm>>) target(%dma_start3A_227 : memref<640x16xf32, #tpu.memory_space<vmem_shared>>) target_semaphore(%run_scoped3A : memref<!tpu.dma_semaphore, #tpu.memory_space<semaphore_mem>>)
        %dma_wait3A_230 = arith.constant 0 : i32
        %dma_wait3A_231 = tpu.memref_slice %arg16[%mul3A_62, %dma_wait3A_230] : memref<10240x16xf32, #tpu.memory_space<vmem_shared>> -> memref<640x16xf32, #tpu.memory_space<vmem_shared>>
        %dma_wait3A_232 = arith.constant 0 : i32
        %dma_wait3A_233 = tpu.memref_slice %arg2[%mul3A_62, %dma_wait3A_232] : memref<10240x16xf32, #tpu.memory_space<hbm>> -> memref<640x16xf32, #tpu.memory_space<hbm>>
        tpu.wait_dma2 semaphore(%run_scoped3A : memref<!tpu.dma_semaphore, #tpu.memory_space<semaphore_mem>>) src(%dma_wait3A_233 : memref<640x16xf32, #tpu.memory_space<hbm>>) dst(%dma_wait3A_231 : memref<640x16xf32, #tpu.memory_space<vmem_shared>>)
        tpu.yield
      }) : () -> ()
    } else {
    }
    %ne3A_69 = arith.constant 0 : i32
    %ne3A_70 = arith.cmpi ne, %arg0, %ne3A_69 : i32
    %convert_element_type3A_71 = arith.extui %ne3A_70 : i1 to i32
    %cond3A_72 = arith.constant 0 : i32
    %cond3A_73 = arith.cmpi ne, %convert_element_type3A_71, %cond3A_72 : i32
    scf.if %cond3A_73 {
      %broadcast_in_dim3A = arith.constant 0.000000e+00 : f32
      %broadcast_in_dim3A_226 = vector.broadcast %broadcast_in_dim3A : f32 to vector<16xf32>
      %scan3A_227 = arith.constant 0 : i32
      %scan3A_228 = arith.constant 128 : i32
      %scan3A_229 = arith.addi %scan3A_227, %scan3A_228 : i32
      %scan3A_230 = arith.constant 1 : i32
      scf.for %scan3A_237 = %scan3A_227 to %scan3A_229 step %scan3A_230  : i32 {
        %mul3A_238 = arith.constant 1 : i32
        %mul3A_239 = arith.muli %scan3A_237, %mul3A_238 : i32
        %add3A_240 = arith.constant 0 : i32
        %add3A_241 = arith.addi %add3A_240, %mul3A_239 : i32
        %swap3A = arith.index_cast %add3A_241 : i32 to index
        %swap3A_242 = arith.constant 0 : index
        %swap3A_243 = tpu.vector_load %arg15[%swap3A, %swap3A_242] {strides = array<i32>} : memref<128x16xf32, #tpu.memory_space<vmem>>, vector<1x16xf32>,
        %swap3A_244 = vector.shape_cast %swap3A_243 : vector<1x16xf32> to vector<16xf32>
        %swap3A_245 = vector.shape_cast %broadcast_in_dim3A_226 : vector<16xf32> to vector<1x16xf32>
        tpu.vector_store %arg15[%swap3A, %swap3A_242], %swap3A_245 {strides = array<i32>} : memref<128x16xf32, #tpu.memory_space<vmem>>, vector<1x16xf32>,
      }
      %scan3A_231 = arith.constant 128 : i32
      %scan3A_232 = arith.constant 0 : i32
      %scan3A_233 = arith.constant 5 : i32
      %scan3A_234 = arith.addi %scan3A_232, %scan3A_233 : i32
      %scan3A_235 = arith.constant 1 : i32
      scf.for %scan3A_237 = %scan3A_232 to %scan3A_234 step %scan3A_235  : i32 {
        %mul3A_238 = arith.constant 1 : i32
        %mul3A_239 = arith.muli %scan3A_237, %mul3A_238 : i32
        %add3A_240 = arith.constant 0 : i32
        %add3A_241 = arith.addi %add3A_240, %mul3A_239 : i32
        %mul3A_242 = arith.constant 128 : i32
        %mul3A_243 = arith.muli %add3A_241, %mul3A_242 : i32
        %add3A_244 = arith.addi %mul3A_62, %mul3A_243 : i32
        "tpu.region"() ({
          %run_scoped3A = tpu.sem_alloc : memref<!tpu.dma_semaphore, #tpu.memory_space<semaphore_mem>>
          %dma_start3A_245 = arith.constant 0 : i32
          %dma_start3A_246 = tpu.memref_slice %arg16[%add3A_244, %dma_start3A_245] : memref<10240x16xf32, #tpu.memory_space<vmem_shared>> -> memref<128x16xf32, #tpu.memory_space<vmem_shared>>
          %dma_start3A_247 = arith.constant 0 : i32
          %dma_start3A_248 = tpu.memref_slice %arg16[%add3A_244, %dma_start3A_247] : memref<10240x16xf32, #tpu.memory_space<vmem_shared>> -> memref<128x16xf32, #tpu.memory_space<vmem_shared>>
          tpu.enqueue_dma source(%arg15 : memref<128x16xf32, #tpu.memory_space<vmem>>) target(%dma_start3A_248 : memref<128x16xf32, #tpu.memory_space<vmem_shared>>) target_semaphore(%run_scoped3A : memref<!tpu.dma_semaphore, #tpu.memory_space<semaphore_mem>>)
          %dma_wait3A_249 = arith.constant 0 : i32
          %dma_wait3A_250 = tpu.memref_slice %arg16[%add3A_244, %dma_wait3A_249] : memref<10240x16xf32, #tpu.memory_space<vmem_shared>> -> memref<128x16xf32, #tpu.memory_space<vmem_shared>>
          %dma_wait3A_251 = arith.constant 0 : i32
          %dma_wait3A_252 = tpu.memref_slice %arg16[%add3A_244, %dma_wait3A_251] : memref<10240x16xf32, #tpu.memory_space<vmem_shared>> -> memref<128x16xf32, #tpu.memory_space<vmem_shared>>
          tpu.wait_dma2 semaphore(%run_scoped3A : memref<!tpu.dma_semaphore, #tpu.memory_space<semaphore_mem>>) src(%arg15 : memref<128x16xf32, #tpu.memory_space<vmem>>) dst(%dma_wait3A_252 : memref<128x16xf32, #tpu.memory_space<vmem_shared>>)
          tpu.yield
        }) : () -> ()
      }
      %scan3A_236 = arith.constant 5 : i32
    } else {
    }
    %dma_wait3A = arith.constant 0 : i32
    %dma_wait3A_74 = tpu.memref_slice %arg17[%mul3A_62, %dma_wait3A] : memref<10240x16xf32, #tpu.memory_space<vmem_shared>> -> memref<640x16xf32, #tpu.memory_space<vmem_shared>>
    %dma_wait3A_75 = arith.constant 0 : i32
    %dma_wait3A_76 = tpu.memref_slice %arg2[%mul3A_62, %dma_wait3A_75] : memref<10240x16xf32, #tpu.memory_space<hbm>> -> memref<640x16xf32, #tpu.memory_space<hbm>>
    tpu.wait_dma2 semaphore(%arg20 : memref<!tpu.dma_semaphore, #tpu.memory_space<semaphore_mem>>) src(%dma_wait3A_76 : memref<640x16xf32, #tpu.memory_space<hbm>>) dst(%dma_wait3A_74 : memref<640x16xf32, #tpu.memory_space<vmem_shared>>)
    %barrier3A = arith.constant 0 : index
    tpu.barrier barrier_id(%barrier3A)
    %dma_wait3A_77 = arith.constant 0 : i32
    %dma_wait3A_78 = arith.constant 0 : i32
    %dma_wait3A_79 = tpu.memref_slice %arg3[%dma_wait3A_77, %select_n3A, %dma_wait3A_78] : memref<2x2500x128xi32, #tpu.memory_space<hbm>> -> memref<1x79x128xi32, #tpu.memory_space<hbm>>
    %dma_wait3A_80 = tpu.memref_squeeze %dma_wait3A_79 : memref<1x79x128xi32, #tpu.memory_space<hbm>> -> memref<79x128xi32, #tpu.memory_space<hbm>>
    %dma_wait3A_81 = arith.constant 0 : i32
    %dma_wait3A_82 = tpu.memref_slice %arg3[%dma_wait3A_77, %select_n3A, %dma_wait3A_81] : memref<2x2500x128xi32, #tpu.memory_space<hbm>> -> memref<1x79x128xi32, #tpu.memory_space<hbm>>
    %dma_wait3A_83 = tpu.memref_squeeze %dma_wait3A_82 : memref<1x79x128xi32, #tpu.memory_space<hbm>> -> memref<79x128xi32, #tpu.memory_space<hbm>>
    tpu.wait_dma2 semaphore(%arg18 : memref<!tpu.dma_semaphore, #tpu.memory_space<semaphore_mem>>) src(%dma_wait3A_83 : memref<79x128xi32, #tpu.memory_space<hbm>>) dst(%arg5 : memref<79x128xi32, #tpu.memory_space<vmem>>)
    %dma_wait3A_84 = arith.constant 1 : i32
    %dma_wait3A_85 = arith.constant 0 : i32
    %dma_wait3A_86 = tpu.memref_slice %arg3[%dma_wait3A_84, %select_n3A, %dma_wait3A_85] : memref<2x2500x128xi32, #tpu.memory_space<hbm>> -> memref<1x79x128xi32, #tpu.memory_space<hbm>>
    %dma_wait3A_87 = tpu.memref_squeeze %dma_wait3A_86 : memref<1x79x128xi32, #tpu.memory_space<hbm>> -> memref<79x128xi32, #tpu.memory_space<hbm>>
    %dma_wait3A_88 = arith.constant 0 : i32
    %dma_wait3A_89 = tpu.memref_slice %arg3[%dma_wait3A_84, %select_n3A, %dma_wait3A_88] : memref<2x2500x128xi32, #tpu.memory_space<hbm>> -> memref<1x79x128xi32, #tpu.memory_space<hbm>>
    %dma_wait3A_90 = tpu.memref_squeeze %dma_wait3A_89 : memref<1x79x128xi32, #tpu.memory_space<hbm>> -> memref<79x128xi32, #tpu.memory_space<hbm>>
    tpu.wait_dma2 semaphore(%arg19 : memref<!tpu.dma_semaphore, #tpu.memory_space<semaphore_mem>>) src(%dma_wait3A_90 : memref<79x128xi32, #tpu.memory_space<hbm>>) dst(%arg6 : memref<79x128xi32, #tpu.memory_space<vmem>>)
    %scan3A = arith.constant 0 : i32
    %scan3A_91 = arith.constant 9 : i32
    %scan3A_92 = arith.addi %scan3A, %scan3A_91 : i32
    %scan3A_93 = arith.constant 1 : i32
    scf.for %scan3A_226 = %scan3A to %scan3A_92 step %scan3A_93  : i32 {
      %mul3A_227 = arith.constant 1 : i32
      %mul3A_228 = arith.muli %scan3A_226, %mul3A_227 : i32
      %add3A_229 = arith.constant 0 : i32
      %add3A_230 = arith.addi %add3A_229, %mul3A_228 : i32
      %mul3A_231 = arith.constant 8 : i32
      %mul3A_232 = arith.muli %add3A_230, %mul3A_231 : i32
      %add3A_233 = arith.constant 0 : i32
      %add3A_234 = arith.addi %mul3A_232, %add3A_233 : i32
      %gt3A_235 = arith.constant 0 : i32
      %gt3A_236 = arith.cmpi sgt, %add3A_230, %gt3A_235 : i32
      %convert_element_type3A_237 = arith.extui %gt3A_236 : i1 to i32
      %cond3A_238 = arith.constant 0 : i32
      %cond3A_239 = arith.cmpi ne, %convert_element_type3A_237, %cond3A_238 : i32
      scf.if %cond3A_239 {
        %dma_wait3A_479 = arith.constant 0 : i32
        %dma_wait3A_480 = tpu.memref_slice %arg6[%add3A_234, %dma_wait3A_479] : memref<79x128xi32, #tpu.memory_space<vmem>> -> memref<1x128xi32, #tpu.memory_space<vmem>>
        %dma_wait3A_481 = tpu.memref_squeeze %dma_wait3A_480 : memref<1x128xi32, #tpu.memory_space<vmem>> -> memref<128xi32, #tpu.memory_space<vmem>>
        %dma_wait3A_482 = arith.constant 0 : i32
        %dma_wait3A_483 = arith.constant 0 : i32
        %dma_wait3A_484 = tpu.memref_slice %arg16[%dma_wait3A_482, %dma_wait3A_483] : memref<10240x16xf32, #tpu.memory_space<vmem_shared>> -> memref<10240x16xf32, #tpu.memory_space<vmem_shared>>
        tpu.wait_indirect_dma semaphore(%arg29 : memref<!tpu.dma_semaphore, #tpu.memory_space<semaphore_mem>>) src(%arg7 : memref<128x16xf32, #tpu.memory_space<vmem>>) dst(%dma_wait3A_484 : memref<10240x16xf32, #tpu.memory_space<vmem_shared>>)
      } else {
      }
      %dma_start3A_240 = arith.constant 0 : i32
      %dma_start3A_241 = tpu.memref_slice %arg5[%add3A_234, %dma_start3A_240] : memref<79x128xi32, #tpu.memory_space<vmem>> -> memref<1x128xi32, #tpu.memory_space<vmem>>
      %dma_start3A_242 = tpu.memref_squeeze %dma_start3A_241 : memref<1x128xi32, #tpu.memory_space<vmem>> -> memref<128xi32, #tpu.memory_space<vmem>>
      %dma_start3A_243 = arith.constant 0 : i32
      %dma_start3A_244 = arith.constant 0 : i32
      %dma_start3A_245 = tpu.memref_slice %arg17[%dma_start3A_243, %dma_start3A_244] : memref<10240x16xf32, #tpu.memory_space<vmem_shared>> -> memref<10240x16xf32, #tpu.memory_space<vmem_shared>>
      tpu.enqueue_indirect_dma source(%dma_start3A_245 : memref<10240x16xf32, #tpu.memory_space<vmem_shared>>) target(%arg7 : memref<128x16xf32, #tpu.memory_space<vmem>>) offsets(%dma_start3A_242 : memref<128xi32, #tpu.memory_space<vmem>>) semaphore(%arg21 : memref<!tpu.dma_semaphore, #tpu.memory_space<semaphore_mem>>)
      %mul3A_246 = arith.constant 8 : i32
      %mul3A_247 = arith.muli %add3A_230, %mul3A_246 : i32
      %add3A_248 = arith.constant 1 : i32
      %add3A_249 = arith.addi %mul3A_247, %add3A_248 : i32
      %gt3A_250 = arith.constant 0 : i32
      %gt3A_251 = arith.cmpi sgt, %add3A_230, %gt3A_250 : i32
      %convert_element_type3A_252 = arith.extui %gt3A_251 : i1 to i32
      %cond3A_253 = arith.constant 0 : i32
      %cond3A_254 = arith.cmpi ne, %convert_element_type3A_252, %cond3A_253 : i32
      scf.if %cond3A_254 {
        %dma_wait3A_479 = arith.constant 0 : i32
        %dma_wait3A_480 = tpu.memref_slice %arg6[%add3A_249, %dma_wait3A_479] : memref<79x128xi32, #tpu.memory_space<vmem>> -> memref<1x128xi32, #tpu.memory_space<vmem>>
        %dma_wait3A_481 = tpu.memref_squeeze %dma_wait3A_480 : memref<1x128xi32, #tpu.memory_space<vmem>> -> memref<128xi32, #tpu.memory_space<vmem>>
        %dma_wait3A_482 = arith.constant 0 : i32
        %dma_wait3A_483 = arith.constant 0 : i32
        %dma_wait3A_484 = tpu.memref_slice %arg16[%dma_wait3A_482, %dma_wait3A_483] : memref<10240x16xf32, #tpu.memory_space<vmem_shared>> -> memref<10240x16xf32, #tpu.memory_space<vmem_shared>>
        tpu.wait_indirect_dma semaphore(%arg30 : memref<!tpu.dma_semaphore, #tpu.memory_space<semaphore_mem>>) src(%arg8 : memref<128x16xf32, #tpu.memory_space<vmem>>) dst(%dma_wait3A_484 : memref<10240x16xf32, #tpu.memory_space<vmem_shared>>)
      } else {
      }
      %dma_start3A_255 = arith.constant 0 : i32
      %dma_start3A_256 = tpu.memref_slice %arg5[%add3A_249, %dma_start3A_255] : memref<79x128xi32, #tpu.memory_space<vmem>> -> memref<1x128xi32, #tpu.memory_space<vmem>>
      %dma_start3A_257 = tpu.memref_squeeze %dma_start3A_256 : memref<1x128xi32, #tpu.memory_space<vmem>> -> memref<128xi32, #tpu.memory_space<vmem>>
      %dma_start3A_258 = arith.constant 0 : i32
      %dma_start3A_259 = arith.constant 0 : i32
      %dma_start3A_260 = tpu.memref_slice %arg17[%dma_start3A_258, %dma_start3A_259] : memref<10240x16xf32, #tpu.memory_space<vmem_shared>> -> memref<10240x16xf32, #tpu.memory_space<vmem_shared>>
      tpu.enqueue_indirect_dma source(%dma_start3A_260 : memref<10240x16xf32, #tpu.memory_space<vmem_shared>>) target(%arg8 : memref<128x16xf32, #tpu.memory_space<vmem>>) offsets(%dma_start3A_257 : memref<128xi32, #tpu.memory_space<vmem>>) semaphore(%arg22 : memref<!tpu.dma_semaphore, #tpu.memory_space<semaphore_mem>>)
      %mul3A_261 = arith.constant 8 : i32
      %mul3A_262 = arith.muli %add3A_230, %mul3A_261 : i32
      %add3A_263 = arith.constant 2 : i32
      %add3A_264 = arith.addi %mul3A_262, %add3A_263 : i32
      %gt3A_265 = arith.constant 0 : i32
      %gt3A_266 = arith.cmpi sgt, %add3A_230, %gt3A_265 : i32
      %convert_element_type3A_267 = arith.extui %gt3A_266 : i1 to i32
      %cond3A_268 = arith.constant 0 : i32
      %cond3A_269 = arith.cmpi ne, %convert_element_type3A_267, %cond3A_268 : i32
      scf.if %cond3A_269 {
        %dma_wait3A_479 = arith.constant 0 : i32
        %dma_wait3A_480 = tpu.memref_slice %arg6[%add3A_264, %dma_wait3A_479] : memref<79x128xi32, #tpu.memory_space<vmem>> -> memref<1x128xi32, #tpu.memory_space<vmem>>
        %dma_wait3A_481 = tpu.memref_squeeze %dma_wait3A_480 : memref<1x128xi32, #tpu.memory_space<vmem>> -> memref<128xi32, #tpu.memory_space<vmem>>
        %dma_wait3A_482 = arith.constant 0 : i32
        %dma_wait3A_483 = arith.constant 0 : i32
        %dma_wait3A_484 = tpu.memref_slice %arg16[%dma_wait3A_482, %dma_wait3A_483] : memref<10240x16xf32, #tpu.memory_space<vmem_shared>> -> memref<10240x16xf32, #tpu.memory_space<vmem_shared>>
        tpu.wait_indirect_dma semaphore(%arg31 : memref<!tpu.dma_semaphore, #tpu.memory_space<semaphore_mem>>) src(%arg9 : memref<128x16xf32, #tpu.memory_space<vmem>>) dst(%dma_wait3A_484 : memref<10240x16xf32, #tpu.memory_space<vmem_shared>>)
      } else {
      }
      %dma_start3A_270 = arith.constant 0 : i32
      %dma_start3A_271 = tpu.memref_slice %arg5[%add3A_264, %dma_start3A_270] : memref<79x128xi32, #tpu.memory_space<vmem>> -> memref<1x128xi32, #tpu.memory_space<vmem>>
      %dma_start3A_272 = tpu.memref_squeeze %dma_start3A_271 : memref<1x128xi32, #tpu.memory_space<vmem>> -> memref<128xi32, #tpu.memory_space<vmem>>
      %dma_start3A_273 = arith.constant 0 : i32
      %dma_start3A_274 = arith.constant 0 : i32
      %dma_start3A_275 = tpu.memref_slice %arg17[%dma_start3A_273, %dma_start3A_274] : memref<10240x16xf32, #tpu.memory_space<vmem_shared>> -> memref<10240x16xf32, #tpu.memory_space<vmem_shared>>
      tpu.enqueue_indirect_dma source(%dma_start3A_275 : memref<10240x16xf32, #tpu.memory_space<vmem_shared>>) target(%arg9 : memref<128x16xf32, #tpu.memory_space<vmem>>) offsets(%dma_start3A_272 : memref<128xi32, #tpu.memory_space<vmem>>) semaphore(%arg23 : memref<!tpu.dma_semaphore, #tpu.memory_space<semaphore_mem>>)
      %mul3A_276 = arith.constant 8 : i32
      %mul3A_277 = arith.muli %add3A_230, %mul3A_276 : i32
      %add3A_278 = arith.constant 3 : i32
      %add3A_279 = arith.addi %mul3A_277, %add3A_278 : i32
      %gt3A_280 = arith.constant 0 : i32
      %gt3A_281 = arith.cmpi sgt, %add3A_230, %gt3A_280 : i32
      %convert_element_type3A_282 = arith.extui %gt3A_281 : i1 to i32
      %cond3A_283 = arith.constant 0 : i32
      %cond3A_284 = arith.cmpi ne, %convert_element_type3A_282, %cond3A_283 : i32
      scf.if %cond3A_284 {
        %dma_wait3A_479 = arith.constant 0 : i32
        %dma_wait3A_480 = tpu.memref_slice %arg6[%add3A_279, %dma_wait3A_479] : memref<79x128xi32, #tpu.memory_space<vmem>> -> memref<1x128xi32, #tpu.memory_space<vmem>>
        %dma_wait3A_481 = tpu.memref_squeeze %dma_wait3A_480 : memref<1x128xi32, #tpu.memory_space<vmem>> -> memref<128xi32, #tpu.memory_space<vmem>>
        %dma_wait3A_482 = arith.constant 0 : i32
        %dma_wait3A_483 = arith.constant 0 : i32
        %dma_wait3A_484 = tpu.memref_slice %arg16[%dma_wait3A_482, %dma_wait3A_483] : memref<10240x16xf32, #tpu.memory_space<vmem_shared>> -> memref<10240x16xf32, #tpu.memory_space<vmem_shared>>
        tpu.wait_indirect_dma semaphore(%arg32 : memref<!tpu.dma_semaphore, #tpu.memory_space<semaphore_mem>>) src(%arg10 : memref<128x16xf32, #tpu.memory_space<vmem>>) dst(%dma_wait3A_484 : memref<10240x16xf32, #tpu.memory_space<vmem_shared>>)
      } else {
      }
      %dma_start3A_285 = arith.constant 0 : i32
      %dma_start3A_286 = tpu.memref_slice %arg5[%add3A_279, %dma_start3A_285] : memref<79x128xi32, #tpu.memory_space<vmem>> -> memref<1x128xi32, #tpu.memory_space<vmem>>
      %dma_start3A_287 = tpu.memref_squeeze %dma_start3A_286 : memref<1x128xi32, #tpu.memory_space<vmem>> -> memref<128xi32, #tpu.memory_space<vmem>>
      %dma_start3A_288 = arith.constant 0 : i32
      %dma_start3A_289 = arith.constant 0 : i32
      %dma_start3A_290 = tpu.memref_slice %arg17[%dma_start3A_288, %dma_start3A_289] : memref<10240x16xf32, #tpu.memory_space<vmem_shared>> -> memref<10240x16xf32, #tpu.memory_space<vmem_shared>>
      tpu.enqueue_indirect_dma source(%dma_start3A_290 : memref<10240x16xf32, #tpu.memory_space<vmem_shared>>) target(%arg10 : memref<128x16xf32, #tpu.memory_space<vmem>>) offsets(%dma_start3A_287 : memref<128xi32, #tpu.memory_space<vmem>>) semaphore(%arg24 : memref<!tpu.dma_semaphore, #tpu.memory_space<semaphore_mem>>)
      %mul3A_291 = arith.constant 8 : i32
      %mul3A_292 = arith.muli %add3A_230, %mul3A_291 : i32
      %add3A_293 = arith.constant 4 : i32
      %add3A_294 = arith.addi %mul3A_292, %add3A_293 : i32
      %gt3A_295 = arith.constant 0 : i32
      %gt3A_296 = arith.cmpi sgt, %add3A_230, %gt3A_295 : i32
      %convert_element_type3A_297 = arith.extui %gt3A_296 : i1 to i32
      %cond3A_298 = arith.constant 0 : i32
      %cond3A_299 = arith.cmpi ne, %convert_element_type3A_297, %cond3A_298 : i32
      scf.if %cond3A_299 {
        %dma_wait3A_479 = arith.constant 0 : i32
        %dma_wait3A_480 = tpu.memref_slice %arg6[%add3A_294, %dma_wait3A_479] : memref<79x128xi32, #tpu.memory_space<vmem>> -> memref<1x128xi32, #tpu.memory_space<vmem>>
        %dma_wait3A_481 = tpu.memref_squeeze %dma_wait3A_480 : memref<1x128xi32, #tpu.memory_space<vmem>> -> memref<128xi32, #tpu.memory_space<vmem>>
        %dma_wait3A_482 = arith.constant 0 : i32
        %dma_wait3A_483 = arith.constant 0 : i32
        %dma_wait3A_484 = tpu.memref_slice %arg16[%dma_wait3A_482, %dma_wait3A_483] : memref<10240x16xf32, #tpu.memory_space<vmem_shared>> -> memref<10240x16xf32, #tpu.memory_space<vmem_shared>>
        tpu.wait_indirect_dma semaphore(%arg33 : memref<!tpu.dma_semaphore, #tpu.memory_space<semaphore_mem>>) src(%arg11 : memref<128x16xf32, #tpu.memory_space<vmem>>) dst(%dma_wait3A_484 : memref<10240x16xf32, #tpu.memory_space<vmem_shared>>)
      } else {
      }
      %dma_start3A_300 = arith.constant 0 : i32
      %dma_start3A_301 = tpu.memref_slice %arg5[%add3A_294, %dma_start3A_300] : memref<79x128xi32, #tpu.memory_space<vmem>> -> memref<1x128xi32, #tpu.memory_space<vmem>>
      %dma_start3A_302 = tpu.memref_squeeze %dma_start3A_301 : memref<1x128xi32, #tpu.memory_space<vmem>> -> memref<128xi32, #tpu.memory_space<vmem>>
      %dma_start3A_303 = arith.constant 0 : i32
      %dma_start3A_304 = arith.constant 0 : i32
      %dma_start3A_305 = tpu.memref_slice %arg17[%dma_start3A_303, %dma_start3A_304] : memref<10240x16xf32, #tpu.memory_space<vmem_shared>> -> memref<10240x16xf32, #tpu.memory_space<vmem_shared>>
      tpu.enqueue_indirect_dma source(%dma_start3A_305 : memref<10240x16xf32, #tpu.memory_space<vmem_shared>>) target(%arg11 : memref<128x16xf32, #tpu.memory_space<vmem>>) offsets(%dma_start3A_302 : memref<128xi32, #tpu.memory_space<vmem>>) semaphore(%arg25 : memref<!tpu.dma_semaphore, #tpu.memory_space<semaphore_mem>>)
      %mul3A_306 = arith.constant 8 : i32
      %mul3A_307 = arith.muli %add3A_230, %mul3A_306 : i32
      %add3A_308 = arith.constant 5 : i32
      %add3A_309 = arith.addi %mul3A_307, %add3A_308 : i32
      %gt3A_310 = arith.constant 0 : i32
      %gt3A_311 = arith.cmpi sgt, %add3A_230, %gt3A_310 : i32
      %convert_element_type3A_312 = arith.extui %gt3A_311 : i1 to i32
      %cond3A_313 = arith.constant 0 : i32
      %cond3A_314 = arith.cmpi ne, %convert_element_type3A_312, %cond3A_313 : i32
      scf.if %cond3A_314 {
        %dma_wait3A_479 = arith.constant 0 : i32
        %dma_wait3A_480 = tpu.memref_slice %arg6[%add3A_309, %dma_wait3A_479] : memref<79x128xi32, #tpu.memory_space<vmem>> -> memref<1x128xi32, #tpu.memory_space<vmem>>
        %dma_wait3A_481 = tpu.memref_squeeze %dma_wait3A_480 : memref<1x128xi32, #tpu.memory_space<vmem>> -> memref<128xi32, #tpu.memory_space<vmem>>
        %dma_wait3A_482 = arith.constant 0 : i32
        %dma_wait3A_483 = arith.constant 0 : i32
        %dma_wait3A_484 = tpu.memref_slice %arg16[%dma_wait3A_482, %dma_wait3A_483] : memref<10240x16xf32, #tpu.memory_space<vmem_shared>> -> memref<10240x16xf32, #tpu.memory_space<vmem_shared>>
        tpu.wait_indirect_dma semaphore(%arg34 : memref<!tpu.dma_semaphore, #tpu.memory_space<semaphore_mem>>) src(%arg12 : memref<128x16xf32, #tpu.memory_space<vmem>>) dst(%dma_wait3A_484 : memref<10240x16xf32, #tpu.memory_space<vmem_shared>>)
      } else {
      }
      %dma_start3A_315 = arith.constant 0 : i32
      %dma_start3A_316 = tpu.memref_slice %arg5[%add3A_309, %dma_start3A_315] : memref<79x128xi32, #tpu.memory_space<vmem>> -> memref<1x128xi32, #tpu.memory_space<vmem>>
      %dma_start3A_317 = tpu.memref_squeeze %dma_start3A_316 : memref<1x128xi32, #tpu.memory_space<vmem>> -> memref<128xi32, #tpu.memory_space<vmem>>
      %dma_start3A_318 = arith.constant 0 : i32
      %dma_start3A_319 = arith.constant 0 : i32
      %dma_start3A_320 = tpu.memref_slice %arg17[%dma_start3A_318, %dma_start3A_319] : memref<10240x16xf32, #tpu.memory_space<vmem_shared>> -> memref<10240x16xf32, #tpu.memory_space<vmem_shared>>
      tpu.enqueue_indirect_dma source(%dma_start3A_320 : memref<10240x16xf32, #tpu.memory_space<vmem_shared>>) target(%arg12 : memref<128x16xf32, #tpu.memory_space<vmem>>) offsets(%dma_start3A_317 : memref<128xi32, #tpu.memory_space<vmem>>) semaphore(%arg26 : memref<!tpu.dma_semaphore, #tpu.memory_space<semaphore_mem>>)
      %mul3A_321 = arith.constant 8 : i32
      %mul3A_322 = arith.muli %add3A_230, %mul3A_321 : i32
      %add3A_323 = arith.constant 6 : i32
      %add3A_324 = arith.addi %mul3A_322, %add3A_323 : i32
      %gt3A_325 = arith.constant 0 : i32
      %gt3A_326 = arith.cmpi sgt, %add3A_230, %gt3A_325 : i32
      %convert_element_type3A_327 = arith.extui %gt3A_326 : i1 to i32
      %cond3A_328 = arith.constant 0 : i32
      %cond3A_329 = arith.cmpi ne, %convert_element_type3A_327, %cond3A_328 : i32
      scf.if %cond3A_329 {
        %dma_wait3A_479 = arith.constant 0 : i32
        %dma_wait3A_480 = tpu.memref_slice %arg6[%add3A_324, %dma_wait3A_479] : memref<79x128xi32, #tpu.memory_space<vmem>> -> memref<1x128xi32, #tpu.memory_space<vmem>>
        %dma_wait3A_481 = tpu.memref_squeeze %dma_wait3A_480 : memref<1x128xi32, #tpu.memory_space<vmem>> -> memref<128xi32, #tpu.memory_space<vmem>>
        %dma_wait3A_482 = arith.constant 0 : i32
        %dma_wait3A_483 = arith.constant 0 : i32
        %dma_wait3A_484 = tpu.memref_slice %arg16[%dma_wait3A_482, %dma_wait3A_483] : memref<10240x16xf32, #tpu.memory_space<vmem_shared>> -> memref<10240x16xf32, #tpu.memory_space<vmem_shared>>
        tpu.wait_indirect_dma semaphore(%arg35 : memref<!tpu.dma_semaphore, #tpu.memory_space<semaphore_mem>>) src(%arg13 : memref<128x16xf32, #tpu.memory_space<vmem>>) dst(%dma_wait3A_484 : memref<10240x16xf32, #tpu.memory_space<vmem_shared>>)
      } else {
      }
      %dma_start3A_330 = arith.constant 0 : i32
      %dma_start3A_331 = tpu.memref_slice %arg5[%add3A_324, %dma_start3A_330] : memref<79x128xi32, #tpu.memory_space<vmem>> -> memref<1x128xi32, #tpu.memory_space<vmem>>
      %dma_start3A_332 = tpu.memref_squeeze %dma_start3A_331 : memref<1x128xi32, #tpu.memory_space<vmem>> -> memref<128xi32, #tpu.memory_space<vmem>>
      %dma_start3A_333 = arith.constant 0 : i32
      %dma_start3A_334 = arith.constant 0 : i32
      %dma_start3A_335 = tpu.memref_slice %arg17[%dma_start3A_333, %dma_start3A_334] : memref<10240x16xf32, #tpu.memory_space<vmem_shared>> -> memref<10240x16xf32, #tpu.memory_space<vmem_shared>>
      tpu.enqueue_indirect_dma source(%dma_start3A_335 : memref<10240x16xf32, #tpu.memory_space<vmem_shared>>) target(%arg13 : memref<128x16xf32, #tpu.memory_space<vmem>>) offsets(%dma_start3A_332 : memref<128xi32, #tpu.memory_space<vmem>>) semaphore(%arg27 : memref<!tpu.dma_semaphore, #tpu.memory_space<semaphore_mem>>)
      %mul3A_336 = arith.constant 8 : i32
      %mul3A_337 = arith.muli %add3A_230, %mul3A_336 : i32
      %add3A_338 = arith.constant 7 : i32
      %add3A_339 = arith.addi %mul3A_337, %add3A_338 : i32
      %gt3A_340 = arith.constant 0 : i32
      %gt3A_341 = arith.cmpi sgt, %add3A_230, %gt3A_340 : i32
      %convert_element_type3A_342 = arith.extui %gt3A_341 : i1 to i32
      %cond3A_343 = arith.constant 0 : i32
      %cond3A_344 = arith.cmpi ne, %convert_element_type3A_342, %cond3A_343 : i32
      scf.if %cond3A_344 {
        %dma_wait3A_479 = arith.constant 0 : i32
        %dma_wait3A_480 = tpu.memref_slice %arg6[%add3A_339, %dma_wait3A_479] : memref<79x128xi32, #tpu.memory_space<vmem>> -> memref<1x128xi32, #tpu.memory_space<vmem>>
        %dma_wait3A_481 = tpu.memref_squeeze %dma_wait3A_480 : memref<1x128xi32, #tpu.memory_space<vmem>> -> memref<128xi32, #tpu.memory_space<vmem>>
        %dma_wait3A_482 = arith.constant 0 : i32
        %dma_wait3A_483 = arith.constant 0 : i32
        %dma_wait3A_484 = tpu.memref_slice %arg16[%dma_wait3A_482, %dma_wait3A_483] : memref<10240x16xf32, #tpu.memory_space<vmem_shared>> -> memref<10240x16xf32, #tpu.memory_space<vmem_shared>>
        tpu.wait_indirect_dma semaphore(%arg36 : memref<!tpu.dma_semaphore, #tpu.memory_space<semaphore_mem>>) src(%arg14 : memref<128x16xf32, #tpu.memory_space<vmem>>) dst(%dma_wait3A_484 : memref<10240x16xf32, #tpu.memory_space<vmem_shared>>)
      } else {
      }
      %dma_start3A_345 = arith.constant 0 : i32
      %dma_start3A_346 = tpu.memref_slice %arg5[%add3A_339, %dma_start3A_345] : memref<79x128xi32, #tpu.memory_space<vmem>> -> memref<1x128xi32, #tpu.memory_space<vmem>>
      %dma_start3A_347 = tpu.memref_squeeze %dma_start3A_346 : memref<1x128xi32, #tpu.memory_space<vmem>> -> memref<128xi32, #tpu.memory_space<vmem>>
      %dma_start3A_348 = arith.constant 0 : i32
      %dma_start3A_349 = arith.constant 0 : i32
      %dma_start3A_350 = tpu.memref_slice %arg17[%dma_start3A_348, %dma_start3A_349] : memref<10240x16xf32, #tpu.memory_space<vmem_shared>> -> memref<10240x16xf32, #tpu.memory_space<vmem_shared>>
      tpu.enqueue_indirect_dma source(%dma_start3A_350 : memref<10240x16xf32, #tpu.memory_space<vmem_shared>>) target(%arg14 : memref<128x16xf32, #tpu.memory_space<vmem>>) offsets(%dma_start3A_347 : memref<128xi32, #tpu.memory_space<vmem>>) semaphore(%arg28 : memref<!tpu.dma_semaphore, #tpu.memory_space<semaphore_mem>>)
      %mul3A_351 = arith.constant 8 : i32
      %mul3A_352 = arith.muli %add3A_230, %mul3A_351 : i32
      %add3A_353 = arith.constant 0 : i32
      %add3A_354 = arith.addi %mul3A_352, %add3A_353 : i32
      %dma_wait3A_355 = arith.constant 0 : i32
      %dma_wait3A_356 = tpu.memref_slice %arg5[%add3A_354, %dma_wait3A_355] : memref<79x128xi32, #tpu.memory_space<vmem>> -> memref<1x128xi32, #tpu.memory_space<vmem>>
      %dma_wait3A_357 = tpu.memref_squeeze %dma_wait3A_356 : memref<1x128xi32, #tpu.memory_space<vmem>> -> memref<128xi32, #tpu.memory_space<vmem>>
      %dma_wait3A_358 = arith.constant 0 : i32
      %dma_wait3A_359 = arith.constant 0 : i32
      %dma_wait3A_360 = tpu.memref_slice %arg17[%dma_wait3A_358, %dma_wait3A_359] : memref<10240x16xf32, #tpu.memory_space<vmem_shared>> -> memref<10240x16xf32, #tpu.memory_space<vmem_shared>>
      tpu.wait_indirect_dma semaphore(%arg21 : memref<!tpu.dma_semaphore, #tpu.memory_space<semaphore_mem>>) src(%dma_wait3A_360 : memref<10240x16xf32, #tpu.memory_space<vmem_shared>>) dst(%arg7 : memref<128x16xf32, #tpu.memory_space<vmem>>)
      %dma_start3A_361 = arith.constant 0 : i32
      %dma_start3A_362 = tpu.memref_slice %arg6[%add3A_354, %dma_start3A_361] : memref<79x128xi32, #tpu.memory_space<vmem>> -> memref<1x128xi32, #tpu.memory_space<vmem>>
      %dma_start3A_363 = tpu.memref_squeeze %dma_start3A_362 : memref<1x128xi32, #tpu.memory_space<vmem>> -> memref<128xi32, #tpu.memory_space<vmem>>
      %dma_start3A_364 = arith.constant 0 : i32
      %dma_start3A_365 = arith.constant 0 : i32
      %dma_start3A_366 = tpu.memref_slice %arg16[%dma_start3A_364, %dma_start3A_365] : memref<10240x16xf32, #tpu.memory_space<vmem_shared>> -> memref<10240x16xf32, #tpu.memory_space<vmem_shared>>
      tpu.enqueue_indirect_dma source(%arg7 : memref<128x16xf32, #tpu.memory_space<vmem>>) target(%dma_start3A_366 : memref<10240x16xf32, #tpu.memory_space<vmem_shared>>) offsets(%dma_start3A_363 : memref<128xi32, #tpu.memory_space<vmem>>) semaphore(%arg29 : memref<!tpu.dma_semaphore, #tpu.memory_space<semaphore_mem>>) {add = true}
      %mul3A_367 = arith.constant 8 : i32
      %mul3A_368 = arith.muli %add3A_230, %mul3A_367 : i32
      %add3A_369 = arith.constant 1 : i32
      %add3A_370 = arith.addi %mul3A_368, %add3A_369 : i32
      %dma_wait3A_371 = arith.constant 0 : i32
      %dma_wait3A_372 = tpu.memref_slice %arg5[%add3A_370, %dma_wait3A_371] : memref<79x128xi32, #tpu.memory_space<vmem>> -> memref<1x128xi32, #tpu.memory_space<vmem>>
      %dma_wait3A_373 = tpu.memref_squeeze %dma_wait3A_372 : memref<1x128xi32, #tpu.memory_space<vmem>> -> memref<128xi32, #tpu.memory_space<vmem>>
      %dma_wait3A_374 = arith.constant 0 : i32
      %dma_wait3A_375 = arith.constant 0 : i32
      %dma_wait3A_376 = tpu.memref_slice %arg17[%dma_wait3A_374, %dma_wait3A_375] : memref<10240x16xf32, #tpu.memory_space<vmem_shared>> -> memref<10240x16xf32, #tpu.memory_space<vmem_shared>>
      tpu.wait_indirect_dma semaphore(%arg22 : memref<!tpu.dma_semaphore, #tpu.memory_space<semaphore_mem>>) src(%dma_wait3A_376 : memref<10240x16xf32, #tpu.memory_space<vmem_shared>>) dst(%arg8 : memref<128x16xf32, #tpu.memory_space<vmem>>)
      %dma_start3A_377 = arith.constant 0 : i32
      %dma_start3A_378 = tpu.memref_slice %arg6[%add3A_370, %dma_start3A_377] : memref<79x128xi32, #tpu.memory_space<vmem>> -> memref<1x128xi32, #tpu.memory_space<vmem>>
      %dma_start3A_379 = tpu.memref_squeeze %dma_start3A_378 : memref<1x128xi32, #tpu.memory_space<vmem>> -> memref<128xi32, #tpu.memory_space<vmem>>
      %dma_start3A_380 = arith.constant 0 : i32
      %dma_start3A_381 = arith.constant 0 : i32
      %dma_start3A_382 = tpu.memref_slice %arg16[%dma_start3A_380, %dma_start3A_381] : memref<10240x16xf32, #tpu.memory_space<vmem_shared>> -> memref<10240x16xf32, #tpu.memory_space<vmem_shared>>
      tpu.enqueue_indirect_dma source(%arg8 : memref<128x16xf32, #tpu.memory_space<vmem>>) target(%dma_start3A_382 : memref<10240x16xf32, #tpu.memory_space<vmem_shared>>) offsets(%dma_start3A_379 : memref<128xi32, #tpu.memory_space<vmem>>) semaphore(%arg30 : memref<!tpu.dma_semaphore, #tpu.memory_space<semaphore_mem>>) {add = true}
      %mul3A_383 = arith.constant 8 : i32
      %mul3A_384 = arith.muli %add3A_230, %mul3A_383 : i32
      %add3A_385 = arith.constant 2 : i32
      %add3A_386 = arith.addi %mul3A_384, %add3A_385 : i32
      %dma_wait3A_387 = arith.constant 0 : i32
      %dma_wait3A_388 = tpu.memref_slice %arg5[%add3A_386, %dma_wait3A_387] : memref<79x128xi32, #tpu.memory_space<vmem>> -> memref<1x128xi32, #tpu.memory_space<vmem>>
      %dma_wait3A_389 = tpu.memref_squeeze %dma_wait3A_388 : memref<1x128xi32, #tpu.memory_space<vmem>> -> memref<128xi32, #tpu.memory_space<vmem>>
      %dma_wait3A_390 = arith.constant 0 : i32
      %dma_wait3A_391 = arith.constant 0 : i32
      %dma_wait3A_392 = tpu.memref_slice %arg17[%dma_wait3A_390, %dma_wait3A_391] : memref<10240x16xf32, #tpu.memory_space<vmem_shared>> -> memref<10240x16xf32, #tpu.memory_space<vmem_shared>>
      tpu.wait_indirect_dma semaphore(%arg23 : memref<!tpu.dma_semaphore, #tpu.memory_space<semaphore_mem>>) src(%dma_wait3A_392 : memref<10240x16xf32, #tpu.memory_space<vmem_shared>>) dst(%arg9 : memref<128x16xf32, #tpu.memory_space<vmem>>)
      %dma_start3A_393 = arith.constant 0 : i32
      %dma_start3A_394 = tpu.memref_slice %arg6[%add3A_386, %dma_start3A_393] : memref<79x128xi32, #tpu.memory_space<vmem>> -> memref<1x128xi32, #tpu.memory_space<vmem>>
      %dma_start3A_395 = tpu.memref_squeeze %dma_start3A_394 : memref<1x128xi32, #tpu.memory_space<vmem>> -> memref<128xi32, #tpu.memory_space<vmem>>
      %dma_start3A_396 = arith.constant 0 : i32
      %dma_start3A_397 = arith.constant 0 : i32
      %dma_start3A_398 = tpu.memref_slice %arg16[%dma_start3A_396, %dma_start3A_397] : memref<10240x16xf32, #tpu.memory_space<vmem_shared>> -> memref<10240x16xf32, #tpu.memory_space<vmem_shared>>
      tpu.enqueue_indirect_dma source(%arg9 : memref<128x16xf32, #tpu.memory_space<vmem>>) target(%dma_start3A_398 : memref<10240x16xf32, #tpu.memory_space<vmem_shared>>) offsets(%dma_start3A_395 : memref<128xi32, #tpu.memory_space<vmem>>) semaphore(%arg31 : memref<!tpu.dma_semaphore, #tpu.memory_space<semaphore_mem>>) {add = true}
      %mul3A_399 = arith.constant 8 : i32
      %mul3A_400 = arith.muli %add3A_230, %mul3A_399 : i32
      %add3A_401 = arith.constant 3 : i32
      %add3A_402 = arith.addi %mul3A_400, %add3A_401 : i32
      %dma_wait3A_403 = arith.constant 0 : i32
      %dma_wait3A_404 = tpu.memref_slice %arg5[%add3A_402, %dma_wait3A_403] : memref<79x128xi32, #tpu.memory_space<vmem>> -> memref<1x128xi32, #tpu.memory_space<vmem>>
      %dma_wait3A_405 = tpu.memref_squeeze %dma_wait3A_404 : memref<1x128xi32, #tpu.memory_space<vmem>> -> memref<128xi32, #tpu.memory_space<vmem>>
      %dma_wait3A_406 = arith.constant 0 : i32
      %dma_wait3A_407 = arith.constant 0 : i32
      %dma_wait3A_408 = tpu.memref_slice %arg17[%dma_wait3A_406, %dma_wait3A_407] : memref<10240x16xf32, #tpu.memory_space<vmem_shared>> -> memref<10240x16xf32, #tpu.memory_space<vmem_shared>>
      tpu.wait_indirect_dma semaphore(%arg24 : memref<!tpu.dma_semaphore, #tpu.memory_space<semaphore_mem>>) src(%dma_wait3A_408 : memref<10240x16xf32, #tpu.memory_space<vmem_shared>>) dst(%arg10 : memref<128x16xf32, #tpu.memory_space<vmem>>)
      %dma_start3A_409 = arith.constant 0 : i32
      %dma_start3A_410 = tpu.memref_slice %arg6[%add3A_402, %dma_start3A_409] : memref<79x128xi32, #tpu.memory_space<vmem>> -> memref<1x128xi32, #tpu.memory_space<vmem>>
      %dma_start3A_411 = tpu.memref_squeeze %dma_start3A_410 : memref<1x128xi32, #tpu.memory_space<vmem>> -> memref<128xi32, #tpu.memory_space<vmem>>
      %dma_start3A_412 = arith.constant 0 : i32
      %dma_start3A_413 = arith.constant 0 : i32
      %dma_start3A_414 = tpu.memref_slice %arg16[%dma_start3A_412, %dma_start3A_413] : memref<10240x16xf32, #tpu.memory_space<vmem_shared>> -> memref<10240x16xf32, #tpu.memory_space<vmem_shared>>
      tpu.enqueue_indirect_dma source(%arg10 : memref<128x16xf32, #tpu.memory_space<vmem>>) target(%dma_start3A_414 : memref<10240x16xf32, #tpu.memory_space<vmem_shared>>) offsets(%dma_start3A_411 : memref<128xi32, #tpu.memory_space<vmem>>) semaphore(%arg32 : memref<!tpu.dma_semaphore, #tpu.memory_space<semaphore_mem>>) {add = true}
      %mul3A_415 = arith.constant 8 : i32
      %mul3A_416 = arith.muli %add3A_230, %mul3A_415 : i32
      %add3A_417 = arith.constant 4 : i32
      %add3A_418 = arith.addi %mul3A_416, %add3A_417 : i32
      %dma_wait3A_419 = arith.constant 0 : i32
      %dma_wait3A_420 = tpu.memref_slice %arg5[%add3A_418, %dma_wait3A_419] : memref<79x128xi32, #tpu.memory_space<vmem>> -> memref<1x128xi32, #tpu.memory_space<vmem>>
      %dma_wait3A_421 = tpu.memref_squeeze %dma_wait3A_420 : memref<1x128xi32, #tpu.memory_space<vmem>> -> memref<128xi32, #tpu.memory_space<vmem>>
      %dma_wait3A_422 = arith.constant 0 : i32
      %dma_wait3A_423 = arith.constant 0 : i32
      %dma_wait3A_424 = tpu.memref_slice %arg17[%dma_wait3A_422, %dma_wait3A_423] : memref<10240x16xf32, #tpu.memory_space<vmem_shared>> -> memref<10240x16xf32, #tpu.memory_space<vmem_shared>>
      tpu.wait_indirect_dma semaphore(%arg25 : memref<!tpu.dma_semaphore, #tpu.memory_space<semaphore_mem>>) src(%dma_wait3A_424 : memref<10240x16xf32, #tpu.memory_space<vmem_shared>>) dst(%arg11 : memref<128x16xf32, #tpu.memory_space<vmem>>)
      %dma_start3A_425 = arith.constant 0 : i32
      %dma_start3A_426 = tpu.memref_slice %arg6[%add3A_418, %dma_start3A_425] : memref<79x128xi32, #tpu.memory_space<vmem>> -> memref<1x128xi32, #tpu.memory_space<vmem>>
      %dma_start3A_427 = tpu.memref_squeeze %dma_start3A_426 : memref<1x128xi32, #tpu.memory_space<vmem>> -> memref<128xi32, #tpu.memory_space<vmem>>
      %dma_start3A_428 = arith.constant 0 : i32
      %dma_start3A_429 = arith.constant 0 : i32
      %dma_start3A_430 = tpu.memref_slice %arg16[%dma_start3A_428, %dma_start3A_429] : memref<10240x16xf32, #tpu.memory_space<vmem_shared>> -> memref<10240x16xf32, #tpu.memory_space<vmem_shared>>
      tpu.enqueue_indirect_dma source(%arg11 : memref<128x16xf32, #tpu.memory_space<vmem>>) target(%dma_start3A_430 : memref<10240x16xf32, #tpu.memory_space<vmem_shared>>) offsets(%dma_start3A_427 : memref<128xi32, #tpu.memory_space<vmem>>) semaphore(%arg33 : memref<!tpu.dma_semaphore, #tpu.memory_space<semaphore_mem>>) {add = true}
      %mul3A_431 = arith.constant 8 : i32
      %mul3A_432 = arith.muli %add3A_230, %mul3A_431 : i32
      %add3A_433 = arith.constant 5 : i32
      %add3A_434 = arith.addi %mul3A_432, %add3A_433 : i32
      %dma_wait3A_435 = arith.constant 0 : i32
      %dma_wait3A_436 = tpu.memref_slice %arg5[%add3A_434, %dma_wait3A_435] : memref<79x128xi32, #tpu.memory_space<vmem>> -> memref<1x128xi32, #tpu.memory_space<vmem>>
      %dma_wait3A_437 = tpu.memref_squeeze %dma_wait3A_436 : memref<1x128xi32, #tpu.memory_space<vmem>> -> memref<128xi32, #tpu.memory_space<vmem>>
      %dma_wait3A_438 = arith.constant 0 : i32
      %dma_wait3A_439 = arith.constant 0 : i32
      %dma_wait3A_440 = tpu.memref_slice %arg17[%dma_wait3A_438, %dma_wait3A_439] : memref<10240x16xf32, #tpu.memory_space<vmem_shared>> -> memref<10240x16xf32, #tpu.memory_space<vmem_shared>>
      tpu.wait_indirect_dma semaphore(%arg26 : memref<!tpu.dma_semaphore, #tpu.memory_space<semaphore_mem>>) src(%dma_wait3A_440 : memref<10240x16xf32, #tpu.memory_space<vmem_shared>>) dst(%arg12 : memref<128x16xf32, #tpu.memory_space<vmem>>)
      %dma_start3A_441 = arith.constant 0 : i32
      %dma_start3A_442 = tpu.memref_slice %arg6[%add3A_434, %dma_start3A_441] : memref<79x128xi32, #tpu.memory_space<vmem>> -> memref<1x128xi32, #tpu.memory_space<vmem>>
      %dma_start3A_443 = tpu.memref_squeeze %dma_start3A_442 : memref<1x128xi32, #tpu.memory_space<vmem>> -> memref<128xi32, #tpu.memory_space<vmem>>
      %dma_start3A_444 = arith.constant 0 : i32
      %dma_start3A_445 = arith.constant 0 : i32
      %dma_start3A_446 = tpu.memref_slice %arg16[%dma_start3A_444, %dma_start3A_445] : memref<10240x16xf32, #tpu.memory_space<vmem_shared>> -> memref<10240x16xf32, #tpu.memory_space<vmem_shared>>
      tpu.enqueue_indirect_dma source(%arg12 : memref<128x16xf32, #tpu.memory_space<vmem>>) target(%dma_start3A_446 : memref<10240x16xf32, #tpu.memory_space<vmem_shared>>) offsets(%dma_start3A_443 : memref<128xi32, #tpu.memory_space<vmem>>) semaphore(%arg34 : memref<!tpu.dma_semaphore, #tpu.memory_space<semaphore_mem>>) {add = true}
      %mul3A_447 = arith.constant 8 : i32
      %mul3A_448 = arith.muli %add3A_230, %mul3A_447 : i32
      %add3A_449 = arith.constant 6 : i32
      %add3A_450 = arith.addi %mul3A_448, %add3A_449 : i32
      %dma_wait3A_451 = arith.constant 0 : i32
      %dma_wait3A_452 = tpu.memref_slice %arg5[%add3A_450, %dma_wait3A_451] : memref<79x128xi32, #tpu.memory_space<vmem>> -> memref<1x128xi32, #tpu.memory_space<vmem>>
      %dma_wait3A_453 = tpu.memref_squeeze %dma_wait3A_452 : memref<1x128xi32, #tpu.memory_space<vmem>> -> memref<128xi32, #tpu.memory_space<vmem>>
      %dma_wait3A_454 = arith.constant 0 : i32
      %dma_wait3A_455 = arith.constant 0 : i32
      %dma_wait3A_456 = tpu.memref_slice %arg17[%dma_wait3A_454, %dma_wait3A_455] : memref<10240x16xf32, #tpu.memory_space<vmem_shared>> -> memref<10240x16xf32, #tpu.memory_space<vmem_shared>>
      tpu.wait_indirect_dma semaphore(%arg27 : memref<!tpu.dma_semaphore, #tpu.memory_space<semaphore_mem>>) src(%dma_wait3A_456 : memref<10240x16xf32, #tpu.memory_space<vmem_shared>>) dst(%arg13 : memref<128x16xf32, #tpu.memory_space<vmem>>)
      %dma_start3A_457 = arith.constant 0 : i32
      %dma_start3A_458 = tpu.memref_slice %arg6[%add3A_450, %dma_start3A_457] : memref<79x128xi32, #tpu.memory_space<vmem>> -> memref<1x128xi32, #tpu.memory_space<vmem>>
      %dma_start3A_459 = tpu.memref_squeeze %dma_start3A_458 : memref<1x128xi32, #tpu.memory_space<vmem>> -> memref<128xi32, #tpu.memory_space<vmem>>
      %dma_start3A_460 = arith.constant 0 : i32
      %dma_start3A_461 = arith.constant 0 : i32
      %dma_start3A_462 = tpu.memref_slice %arg16[%dma_start3A_460, %dma_start3A_461] : memref<10240x16xf32, #tpu.memory_space<vmem_shared>> -> memref<10240x16xf32, #tpu.memory_space<vmem_shared>>
      tpu.enqueue_indirect_dma source(%arg13 : memref<128x16xf32, #tpu.memory_space<vmem>>) target(%dma_start3A_462 : memref<10240x16xf32, #tpu.memory_space<vmem_shared>>) offsets(%dma_start3A_459 : memref<128xi32, #tpu.memory_space<vmem>>) semaphore(%arg35 : memref<!tpu.dma_semaphore, #tpu.memory_space<semaphore_mem>>) {add = true}
      %mul3A_463 = arith.constant 8 : i32
      %mul3A_464 = arith.muli %add3A_230, %mul3A_463 : i32
      %add3A_465 = arith.constant 7 : i32
      %add3A_466 = arith.addi %mul3A_464, %add3A_465 : i32
      %dma_wait3A_467 = arith.constant 0 : i32
      %dma_wait3A_468 = tpu.memref_slice %arg5[%add3A_466, %dma_wait3A_467] : memref<79x128xi32, #tpu.memory_space<vmem>> -> memref<1x128xi32, #tpu.memory_space<vmem>>
      %dma_wait3A_469 = tpu.memref_squeeze %dma_wait3A_468 : memref<1x128xi32, #tpu.memory_space<vmem>> -> memref<128xi32, #tpu.memory_space<vmem>>
      %dma_wait3A_470 = arith.constant 0 : i32
      %dma_wait3A_471 = arith.constant 0 : i32
      %dma_wait3A_472 = tpu.memref_slice %arg17[%dma_wait3A_470, %dma_wait3A_471] : memref<10240x16xf32, #tpu.memory_space<vmem_shared>> -> memref<10240x16xf32, #tpu.memory_space<vmem_shared>>
      tpu.wait_indirect_dma semaphore(%arg28 : memref<!tpu.dma_semaphore, #tpu.memory_space<semaphore_mem>>) src(%dma_wait3A_472 : memref<10240x16xf32, #tpu.memory_space<vmem_shared>>) dst(%arg14 : memref<128x16xf32, #tpu.memory_space<vmem>>)
      %dma_start3A_473 = arith.constant 0 : i32
      %dma_start3A_474 = tpu.memref_slice %arg6[%add3A_466, %dma_start3A_473] : memref<79x128xi32, #tpu.memory_space<vmem>> -> memref<1x128xi32, #tpu.memory_space<vmem>>
      %dma_start3A_475 = tpu.memref_squeeze %dma_start3A_474 : memref<1x128xi32, #tpu.memory_space<vmem>> -> memref<128xi32, #tpu.memory_space<vmem>>
      %dma_start3A_476 = arith.constant 0 : i32
      %dma_start3A_477 = arith.constant 0 : i32
      %dma_start3A_478 = tpu.memref_slice %arg16[%dma_start3A_476, %dma_start3A_477] : memref<10240x16xf32, #tpu.memory_space<vmem_shared>> -> memref<10240x16xf32, #tpu.memory_space<vmem_shared>>
      tpu.enqueue_indirect_dma source(%arg14 : memref<128x16xf32, #tpu.memory_space<vmem>>) target(%dma_start3A_478 : memref<10240x16xf32, #tpu.memory_space<vmem_shared>>) offsets(%dma_start3A_475 : memref<128xi32, #tpu.memory_space<vmem>>) semaphore(%arg36 : memref<!tpu.dma_semaphore, #tpu.memory_space<semaphore_mem>>) {add = true}
    }
    %scan3A_94 = arith.constant 9 : i32
    %gt3A = arith.constant 72 : i32
    %gt3A_95 = arith.cmpi sgt, %sub3A_47, %gt3A : i32
    %convert_element_type3A_96 = arith.extui %gt3A_95 : i1 to i32
    %cond3A_97 = arith.constant 0 : i32
    %cond3A_98 = arith.cmpi ne, %convert_element_type3A_96, %cond3A_97 : i32
    scf.if %cond3A_98 {
      %dma_wait3A_226 = arith.constant 72 : i32
      %dma_wait3A_227 = arith.constant 0 : i32
      %dma_wait3A_228 = tpu.memref_slice %arg6[%dma_wait3A_226, %dma_wait3A_227] : memref<79x128xi32, #tpu.memory_space<vmem>> -> memref<1x128xi32, #tpu.memory_space<vmem>>
      %dma_wait3A_229 = tpu.memref_squeeze %dma_wait3A_228 : memref<1x128xi32, #tpu.memory_space<vmem>> -> memref<128xi32, #tpu.memory_space<vmem>>
      %dma_wait3A_230 = arith.constant 0 : i32
      %dma_wait3A_231 = arith.constant 0 : i32
      %dma_wait3A_232 = tpu.memref_slice %arg16[%dma_wait3A_230, %dma_wait3A_231] : memref<10240x16xf32, #tpu.memory_space<vmem_shared>> -> memref<10240x16xf32, #tpu.memory_space<vmem_shared>>
      tpu.wait_indirect_dma semaphore(%arg29 : memref<!tpu.dma_semaphore, #tpu.memory_space<semaphore_mem>>) src(%arg7 : memref<128x16xf32, #tpu.memory_space<vmem>>) dst(%dma_wait3A_232 : memref<10240x16xf32, #tpu.memory_space<vmem_shared>>)
      %dma_start3A_233 = arith.constant 72 : i32
      %dma_start3A_234 = arith.constant 0 : i32
      %dma_start3A_235 = tpu.memref_slice %arg5[%dma_start3A_233, %dma_start3A_234] : memref<79x128xi32, #tpu.memory_space<vmem>> -> memref<1x128xi32, #tpu.memory_space<vmem>>
      %dma_start3A_236 = tpu.memref_squeeze %dma_start3A_235 : memref<1x128xi32, #tpu.memory_space<vmem>> -> memref<128xi32, #tpu.memory_space<vmem>>
      %dma_start3A_237 = arith.constant 0 : i32
      %dma_start3A_238 = arith.constant 0 : i32
      %dma_start3A_239 = tpu.memref_slice %arg17[%dma_start3A_237, %dma_start3A_238] : memref<10240x16xf32, #tpu.memory_space<vmem_shared>> -> memref<10240x16xf32, #tpu.memory_space<vmem_shared>>
      tpu.enqueue_indirect_dma source(%dma_start3A_239 : memref<10240x16xf32, #tpu.memory_space<vmem_shared>>) target(%arg7 : memref<128x16xf32, #tpu.memory_space<vmem>>) offsets(%dma_start3A_236 : memref<128xi32, #tpu.memory_space<vmem>>) semaphore(%arg21 : memref<!tpu.dma_semaphore, #tpu.memory_space<semaphore_mem>>)
    } else {
    }
    %gt3A_99 = arith.constant 73 : i32
    %gt3A_100 = arith.cmpi sgt, %sub3A_47, %gt3A_99 : i32
    %convert_element_type3A_101 = arith.extui %gt3A_100 : i1 to i32
    %cond3A_102 = arith.constant 0 : i32
    %cond3A_103 = arith.cmpi ne, %convert_element_type3A_101, %cond3A_102 : i32
    scf.if %cond3A_103 {
      %dma_wait3A_226 = arith.constant 73 : i32
      %dma_wait3A_227 = arith.constant 0 : i32
      %dma_wait3A_228 = tpu.memref_slice %arg6[%dma_wait3A_226, %dma_wait3A_227] : memref<79x128xi32, #tpu.memory_space<vmem>> -> memref<1x128xi32, #tpu.memory_space<vmem>>
      %dma_wait3A_229 = tpu.memref_squeeze %dma_wait3A_228 : memref<1x128xi32, #tpu.memory_space<vmem>> -> memref<128xi32, #tpu.memory_space<vmem>>
      %dma_wait3A_230 = arith.constant 0 : i32
      %dma_wait3A_231 = arith.constant 0 : i32
      %dma_wait3A_232 = tpu.memref_slice %arg16[%dma_wait3A_230, %dma_wait3A_231] : memref<10240x16xf32, #tpu.memory_space<vmem_shared>> -> memref<10240x16xf32, #tpu.memory_space<vmem_shared>>
      tpu.wait_indirect_dma semaphore(%arg30 : memref<!tpu.dma_semaphore, #tpu.memory_space<semaphore_mem>>) src(%arg8 : memref<128x16xf32, #tpu.memory_space<vmem>>) dst(%dma_wait3A_232 : memref<10240x16xf32, #tpu.memory_space<vmem_shared>>)
      %dma_start3A_233 = arith.constant 73 : i32
      %dma_start3A_234 = arith.constant 0 : i32
      %dma_start3A_235 = tpu.memref_slice %arg5[%dma_start3A_233, %dma_start3A_234] : memref<79x128xi32, #tpu.memory_space<vmem>> -> memref<1x128xi32, #tpu.memory_space<vmem>>
      %dma_start3A_236 = tpu.memref_squeeze %dma_start3A_235 : memref<1x128xi32, #tpu.memory_space<vmem>> -> memref<128xi32, #tpu.memory_space<vmem>>
      %dma_start3A_237 = arith.constant 0 : i32
      %dma_start3A_238 = arith.constant 0 : i32
      %dma_start3A_239 = tpu.memref_slice %arg17[%dma_start3A_237, %dma_start3A_238] : memref<10240x16xf32, #tpu.memory_space<vmem_shared>> -> memref<10240x16xf32, #tpu.memory_space<vmem_shared>>
      tpu.enqueue_indirect_dma source(%dma_start3A_239 : memref<10240x16xf32, #tpu.memory_space<vmem_shared>>) target(%arg8 : memref<128x16xf32, #tpu.memory_space<vmem>>) offsets(%dma_start3A_236 : memref<128xi32, #tpu.memory_space<vmem>>) semaphore(%arg22 : memref<!tpu.dma_semaphore, #tpu.memory_space<semaphore_mem>>)
    } else {
    }
    %gt3A_104 = arith.constant 74 : i32
    %gt3A_105 = arith.cmpi sgt, %sub3A_47, %gt3A_104 : i32
    %convert_element_type3A_106 = arith.extui %gt3A_105 : i1 to i32
    %cond3A_107 = arith.constant 0 : i32
    %cond3A_108 = arith.cmpi ne, %convert_element_type3A_106, %cond3A_107 : i32
    scf.if %cond3A_108 {
      %dma_wait3A_226 = arith.constant 74 : i32
      %dma_wait3A_227 = arith.constant 0 : i32
      %dma_wait3A_228 = tpu.memref_slice %arg6[%dma_wait3A_226, %dma_wait3A_227] : memref<79x128xi32, #tpu.memory_space<vmem>> -> memref<1x128xi32, #tpu.memory_space<vmem>>
      %dma_wait3A_229 = tpu.memref_squeeze %dma_wait3A_228 : memref<1x128xi32, #tpu.memory_space<vmem>> -> memref<128xi32, #tpu.memory_space<vmem>>
      %dma_wait3A_230 = arith.constant 0 : i32
      %dma_wait3A_231 = arith.constant 0 : i32
      %dma_wait3A_232 = tpu.memref_slice %arg16[%dma_wait3A_230, %dma_wait3A_231] : memref<10240x16xf32, #tpu.memory_space<vmem_shared>> -> memref<10240x16xf32, #tpu.memory_space<vmem_shared>>
      tpu.wait_indirect_dma semaphore(%arg31 : memref<!tpu.dma_semaphore, #tpu.memory_space<semaphore_mem>>) src(%arg9 : memref<128x16xf32, #tpu.memory_space<vmem>>) dst(%dma_wait3A_232 : memref<10240x16xf32, #tpu.memory_space<vmem_shared>>)
      %dma_start3A_233 = arith.constant 74 : i32
      %dma_start3A_234 = arith.constant 0 : i32
      %dma_start3A_235 = tpu.memref_slice %arg5[%dma_start3A_233, %dma_start3A_234] : memref<79x128xi32, #tpu.memory_space<vmem>> -> memref<1x128xi32, #tpu.memory_space<vmem>>
      %dma_start3A_236 = tpu.memref_squeeze %dma_start3A_235 : memref<1x128xi32, #tpu.memory_space<vmem>> -> memref<128xi32, #tpu.memory_space<vmem>>
      %dma_start3A_237 = arith.constant 0 : i32
      %dma_start3A_238 = arith.constant 0 : i32
      %dma_start3A_239 = tpu.memref_slice %arg17[%dma_start3A_237, %dma_start3A_238] : memref<10240x16xf32, #tpu.memory_space<vmem_shared>> -> memref<10240x16xf32, #tpu.memory_space<vmem_shared>>
      tpu.enqueue_indirect_dma source(%dma_start3A_239 : memref<10240x16xf32, #tpu.memory_space<vmem_shared>>) target(%arg9 : memref<128x16xf32, #tpu.memory_space<vmem>>) offsets(%dma_start3A_236 : memref<128xi32, #tpu.memory_space<vmem>>) semaphore(%arg23 : memref<!tpu.dma_semaphore, #tpu.memory_space<semaphore_mem>>)
    } else {
    }
    %gt3A_109 = arith.constant 75 : i32
    %gt3A_110 = arith.cmpi sgt, %sub3A_47, %gt3A_109 : i32
    %convert_element_type3A_111 = arith.extui %gt3A_110 : i1 to i32
    %cond3A_112 = arith.constant 0 : i32
    %cond3A_113 = arith.cmpi ne, %convert_element_type3A_111, %cond3A_112 : i32
    scf.if %cond3A_113 {
      %dma_wait3A_226 = arith.constant 75 : i32
      %dma_wait3A_227 = arith.constant 0 : i32
      %dma_wait3A_228 = tpu.memref_slice %arg6[%dma_wait3A_226, %dma_wait3A_227] : memref<79x128xi32, #tpu.memory_space<vmem>> -> memref<1x128xi32, #tpu.memory_space<vmem>>
      %dma_wait3A_229 = tpu.memref_squeeze %dma_wait3A_228 : memref<1x128xi32, #tpu.memory_space<vmem>> -> memref<128xi32, #tpu.memory_space<vmem>>
      %dma_wait3A_230 = arith.constant 0 : i32
      %dma_wait3A_231 = arith.constant 0 : i32
      %dma_wait3A_232 = tpu.memref_slice %arg16[%dma_wait3A_230, %dma_wait3A_231] : memref<10240x16xf32, #tpu.memory_space<vmem_shared>> -> memref<10240x16xf32, #tpu.memory_space<vmem_shared>>
      tpu.wait_indirect_dma semaphore(%arg32 : memref<!tpu.dma_semaphore, #tpu.memory_space<semaphore_mem>>) src(%arg10 : memref<128x16xf32, #tpu.memory_space<vmem>>) dst(%dma_wait3A_232 : memref<10240x16xf32, #tpu.memory_space<vmem_shared>>)
      %dma_start3A_233 = arith.constant 75 : i32
      %dma_start3A_234 = arith.constant 0 : i32
      %dma_start3A_235 = tpu.memref_slice %arg5[%dma_start3A_233, %dma_start3A_234] : memref<79x128xi32, #tpu.memory_space<vmem>> -> memref<1x128xi32, #tpu.memory_space<vmem>>
      %dma_start3A_236 = tpu.memref_squeeze %dma_start3A_235 : memref<1x128xi32, #tpu.memory_space<vmem>> -> memref<128xi32, #tpu.memory_space<vmem>>
      %dma_start3A_237 = arith.constant 0 : i32
      %dma_start3A_238 = arith.constant 0 : i32
      %dma_start3A_239 = tpu.memref_slice %arg17[%dma_start3A_237, %dma_start3A_238] : memref<10240x16xf32, #tpu.memory_space<vmem_shared>> -> memref<10240x16xf32, #tpu.memory_space<vmem_shared>>
      tpu.enqueue_indirect_dma source(%dma_start3A_239 : memref<10240x16xf32, #tpu.memory_space<vmem_shared>>) target(%arg10 : memref<128x16xf32, #tpu.memory_space<vmem>>) offsets(%dma_start3A_236 : memref<128xi32, #tpu.memory_space<vmem>>) semaphore(%arg24 : memref<!tpu.dma_semaphore, #tpu.memory_space<semaphore_mem>>)
    } else {
    }
    %gt3A_114 = arith.constant 76 : i32
    %gt3A_115 = arith.cmpi sgt, %sub3A_47, %gt3A_114 : i32
    %convert_element_type3A_116 = arith.extui %gt3A_115 : i1 to i32
    %cond3A_117 = arith.constant 0 : i32
    %cond3A_118 = arith.cmpi ne, %convert_element_type3A_116, %cond3A_117 : i32
    scf.if %cond3A_118 {
      %dma_wait3A_226 = arith.constant 76 : i32
      %dma_wait3A_227 = arith.constant 0 : i32
      %dma_wait3A_228 = tpu.memref_slice %arg6[%dma_wait3A_226, %dma_wait3A_227] : memref<79x128xi32, #tpu.memory_space<vmem>> -> memref<1x128xi32, #tpu.memory_space<vmem>>
      %dma_wait3A_229 = tpu.memref_squeeze %dma_wait3A_228 : memref<1x128xi32, #tpu.memory_space<vmem>> -> memref<128xi32, #tpu.memory_space<vmem>>
      %dma_wait3A_230 = arith.constant 0 : i32
      %dma_wait3A_231 = arith.constant 0 : i32
      %dma_wait3A_232 = tpu.memref_slice %arg16[%dma_wait3A_230, %dma_wait3A_231] : memref<10240x16xf32, #tpu.memory_space<vmem_shared>> -> memref<10240x16xf32, #tpu.memory_space<vmem_shared>>
      tpu.wait_indirect_dma semaphore(%arg33 : memref<!tpu.dma_semaphore, #tpu.memory_space<semaphore_mem>>) src(%arg11 : memref<128x16xf32, #tpu.memory_space<vmem>>) dst(%dma_wait3A_232 : memref<10240x16xf32, #tpu.memory_space<vmem_shared>>)
      %dma_start3A_233 = arith.constant 76 : i32
      %dma_start3A_234 = arith.constant 0 : i32
      %dma_start3A_235 = tpu.memref_slice %arg5[%dma_start3A_233, %dma_start3A_234] : memref<79x128xi32, #tpu.memory_space<vmem>> -> memref<1x128xi32, #tpu.memory_space<vmem>>
      %dma_start3A_236 = tpu.memref_squeeze %dma_start3A_235 : memref<1x128xi32, #tpu.memory_space<vmem>> -> memref<128xi32, #tpu.memory_space<vmem>>
      %dma_start3A_237 = arith.constant 0 : i32
      %dma_start3A_238 = arith.constant 0 : i32
      %dma_start3A_239 = tpu.memref_slice %arg17[%dma_start3A_237, %dma_start3A_238] : memref<10240x16xf32, #tpu.memory_space<vmem_shared>> -> memref<10240x16xf32, #tpu.memory_space<vmem_shared>>
      tpu.enqueue_indirect_dma source(%dma_start3A_239 : memref<10240x16xf32, #tpu.memory_space<vmem_shared>>) target(%arg11 : memref<128x16xf32, #tpu.memory_space<vmem>>) offsets(%dma_start3A_236 : memref<128xi32, #tpu.memory_space<vmem>>) semaphore(%arg25 : memref<!tpu.dma_semaphore, #tpu.memory_space<semaphore_mem>>)
    } else {
    }
    %gt3A_119 = arith.constant 77 : i32
    %gt3A_120 = arith.cmpi sgt, %sub3A_47, %gt3A_119 : i32
    %convert_element_type3A_121 = arith.extui %gt3A_120 : i1 to i32
    %cond3A_122 = arith.constant 0 : i32
    %cond3A_123 = arith.cmpi ne, %convert_element_type3A_121, %cond3A_122 : i32
    scf.if %cond3A_123 {
      %dma_wait3A_226 = arith.constant 77 : i32
      %dma_wait3A_227 = arith.constant 0 : i32
      %dma_wait3A_228 = tpu.memref_slice %arg6[%dma_wait3A_226, %dma_wait3A_227] : memref<79x128xi32, #tpu.memory_space<vmem>> -> memref<1x128xi32, #tpu.memory_space<vmem>>
      %dma_wait3A_229 = tpu.memref_squeeze %dma_wait3A_228 : memref<1x128xi32, #tpu.memory_space<vmem>> -> memref<128xi32, #tpu.memory_space<vmem>>
      %dma_wait3A_230 = arith.constant 0 : i32
      %dma_wait3A_231 = arith.constant 0 : i32
      %dma_wait3A_232 = tpu.memref_slice %arg16[%dma_wait3A_230, %dma_wait3A_231] : memref<10240x16xf32, #tpu.memory_space<vmem_shared>> -> memref<10240x16xf32, #tpu.memory_space<vmem_shared>>
      tpu.wait_indirect_dma semaphore(%arg34 : memref<!tpu.dma_semaphore, #tpu.memory_space<semaphore_mem>>) src(%arg12 : memref<128x16xf32, #tpu.memory_space<vmem>>) dst(%dma_wait3A_232 : memref<10240x16xf32, #tpu.memory_space<vmem_shared>>)
      %dma_start3A_233 = arith.constant 77 : i32
      %dma_start3A_234 = arith.constant 0 : i32
      %dma_start3A_235 = tpu.memref_slice %arg5[%dma_start3A_233, %dma_start3A_234] : memref<79x128xi32, #tpu.memory_space<vmem>> -> memref<1x128xi32, #tpu.memory_space<vmem>>
      %dma_start3A_236 = tpu.memref_squeeze %dma_start3A_235 : memref<1x128xi32, #tpu.memory_space<vmem>> -> memref<128xi32, #tpu.memory_space<vmem>>
      %dma_start3A_237 = arith.constant 0 : i32
      %dma_start3A_238 = arith.constant 0 : i32
      %dma_start3A_239 = tpu.memref_slice %arg17[%dma_start3A_237, %dma_start3A_238] : memref<10240x16xf32, #tpu.memory_space<vmem_shared>> -> memref<10240x16xf32, #tpu.memory_space<vmem_shared>>
      tpu.enqueue_indirect_dma source(%dma_start3A_239 : memref<10240x16xf32, #tpu.memory_space<vmem_shared>>) target(%arg12 : memref<128x16xf32, #tpu.memory_space<vmem>>) offsets(%dma_start3A_236 : memref<128xi32, #tpu.memory_space<vmem>>) semaphore(%arg26 : memref<!tpu.dma_semaphore, #tpu.memory_space<semaphore_mem>>)
    } else {
    }
    %gt3A_124 = arith.constant 78 : i32
    %gt3A_125 = arith.cmpi sgt, %sub3A_47, %gt3A_124 : i32
    %convert_element_type3A_126 = arith.extui %gt3A_125 : i1 to i32
    %cond3A_127 = arith.constant 0 : i32
    %cond3A_128 = arith.cmpi ne, %convert_element_type3A_126, %cond3A_127 : i32
    scf.if %cond3A_128 {
      %dma_wait3A_226 = arith.constant 78 : i32
      %dma_wait3A_227 = arith.constant 0 : i32
      %dma_wait3A_228 = tpu.memref_slice %arg6[%dma_wait3A_226, %dma_wait3A_227] : memref<79x128xi32, #tpu.memory_space<vmem>> -> memref<1x128xi32, #tpu.memory_space<vmem>>
      %dma_wait3A_229 = tpu.memref_squeeze %dma_wait3A_228 : memref<1x128xi32, #tpu.memory_space<vmem>> -> memref<128xi32, #tpu.memory_space<vmem>>
      %dma_wait3A_230 = arith.constant 0 : i32
      %dma_wait3A_231 = arith.constant 0 : i32
      %dma_wait3A_232 = tpu.memref_slice %arg16[%dma_wait3A_230, %dma_wait3A_231] : memref<10240x16xf32, #tpu.memory_space<vmem_shared>> -> memref<10240x16xf32, #tpu.memory_space<vmem_shared>>
      tpu.wait_indirect_dma semaphore(%arg35 : memref<!tpu.dma_semaphore, #tpu.memory_space<semaphore_mem>>) src(%arg13 : memref<128x16xf32, #tpu.memory_space<vmem>>) dst(%dma_wait3A_232 : memref<10240x16xf32, #tpu.memory_space<vmem_shared>>)
      %dma_start3A_233 = arith.constant 78 : i32
      %dma_start3A_234 = arith.constant 0 : i32
      %dma_start3A_235 = tpu.memref_slice %arg5[%dma_start3A_233, %dma_start3A_234] : memref<79x128xi32, #tpu.memory_space<vmem>> -> memref<1x128xi32, #tpu.memory_space<vmem>>
      %dma_start3A_236 = tpu.memref_squeeze %dma_start3A_235 : memref<1x128xi32, #tpu.memory_space<vmem>> -> memref<128xi32, #tpu.memory_space<vmem>>
      %dma_start3A_237 = arith.constant 0 : i32
      %dma_start3A_238 = arith.constant 0 : i32
      %dma_start3A_239 = tpu.memref_slice %arg17[%dma_start3A_237, %dma_start3A_238] : memref<10240x16xf32, #tpu.memory_space<vmem_shared>> -> memref<10240x16xf32, #tpu.memory_space<vmem_shared>>
      tpu.enqueue_indirect_dma source(%dma_start3A_239 : memref<10240x16xf32, #tpu.memory_space<vmem_shared>>) target(%arg13 : memref<128x16xf32, #tpu.memory_space<vmem>>) offsets(%dma_start3A_236 : memref<128xi32, #tpu.memory_space<vmem>>) semaphore(%arg27 : memref<!tpu.dma_semaphore, #tpu.memory_space<semaphore_mem>>)
    } else {
    }
    %gt3A_129 = arith.constant 72 : i32
    %gt3A_130 = arith.cmpi sgt, %sub3A_47, %gt3A_129 : i32
    %convert_element_type3A_131 = arith.extui %gt3A_130 : i1 to i32
    %cond3A_132 = arith.constant 0 : i32
    %cond3A_133 = arith.cmpi ne, %convert_element_type3A_131, %cond3A_132 : i32
    scf.if %cond3A_133 {
      %dma_wait3A_226 = arith.constant 72 : i32
      %dma_wait3A_227 = arith.constant 0 : i32
      %dma_wait3A_228 = tpu.memref_slice %arg5[%dma_wait3A_226, %dma_wait3A_227] : memref<79x128xi32, #tpu.memory_space<vmem>> -> memref<1x128xi32, #tpu.memory_space<vmem>>
      %dma_wait3A_229 = tpu.memref_squeeze %dma_wait3A_228 : memref<1x128xi32, #tpu.memory_space<vmem>> -> memref<128xi32, #tpu.memory_space<vmem>>
      %dma_wait3A_230 = arith.constant 0 : i32
      %dma_wait3A_231 = arith.constant 0 : i32
      %dma_wait3A_232 = tpu.memref_slice %arg17[%dma_wait3A_230, %dma_wait3A_231] : memref<10240x16xf32, #tpu.memory_space<vmem_shared>> -> memref<10240x16xf32, #tpu.memory_space<vmem_shared>>
      tpu.wait_indirect_dma semaphore(%arg21 : memref<!tpu.dma_semaphore, #tpu.memory_space<semaphore_mem>>) src(%dma_wait3A_232 : memref<10240x16xf32, #tpu.memory_space<vmem_shared>>) dst(%arg7 : memref<128x16xf32, #tpu.memory_space<vmem>>)
      %dma_start3A_233 = arith.constant 72 : i32
      %dma_start3A_234 = arith.constant 0 : i32
      %dma_start3A_235 = tpu.memref_slice %arg6[%dma_start3A_233, %dma_start3A_234] : memref<79x128xi32, #tpu.memory_space<vmem>> -> memref<1x128xi32, #tpu.memory_space<vmem>>
      %dma_start3A_236 = tpu.memref_squeeze %dma_start3A_235 : memref<1x128xi32, #tpu.memory_space<vmem>> -> memref<128xi32, #tpu.memory_space<vmem>>
      %dma_start3A_237 = arith.constant 0 : i32
      %dma_start3A_238 = arith.constant 0 : i32
      %dma_start3A_239 = tpu.memref_slice %arg16[%dma_start3A_237, %dma_start3A_238] : memref<10240x16xf32, #tpu.memory_space<vmem_shared>> -> memref<10240x16xf32, #tpu.memory_space<vmem_shared>>
      tpu.enqueue_indirect_dma source(%arg7 : memref<128x16xf32, #tpu.memory_space<vmem>>) target(%dma_start3A_239 : memref<10240x16xf32, #tpu.memory_space<vmem_shared>>) offsets(%dma_start3A_236 : memref<128xi32, #tpu.memory_space<vmem>>) semaphore(%arg29 : memref<!tpu.dma_semaphore, #tpu.memory_space<semaphore_mem>>) {add = true}
    } else {
    }
    %gt3A_134 = arith.constant 73 : i32
    %gt3A_135 = arith.cmpi sgt, %sub3A_47, %gt3A_134 : i32
    %convert_element_type3A_136 = arith.extui %gt3A_135 : i1 to i32
    %cond3A_137 = arith.constant 0 : i32
    %cond3A_138 = arith.cmpi ne, %convert_element_type3A_136, %cond3A_137 : i32
    scf.if %cond3A_138 {
      %dma_wait3A_226 = arith.constant 73 : i32
      %dma_wait3A_227 = arith.constant 0 : i32
      %dma_wait3A_228 = tpu.memref_slice %arg5[%dma_wait3A_226, %dma_wait3A_227] : memref<79x128xi32, #tpu.memory_space<vmem>> -> memref<1x128xi32, #tpu.memory_space<vmem>>
      %dma_wait3A_229 = tpu.memref_squeeze %dma_wait3A_228 : memref<1x128xi32, #tpu.memory_space<vmem>> -> memref<128xi32, #tpu.memory_space<vmem>>
      %dma_wait3A_230 = arith.constant 0 : i32
      %dma_wait3A_231 = arith.constant 0 : i32
      %dma_wait3A_232 = tpu.memref_slice %arg17[%dma_wait3A_230, %dma_wait3A_231] : memref<10240x16xf32, #tpu.memory_space<vmem_shared>> -> memref<10240x16xf32, #tpu.memory_space<vmem_shared>>
      tpu.wait_indirect_dma semaphore(%arg22 : memref<!tpu.dma_semaphore, #tpu.memory_space<semaphore_mem>>) src(%dma_wait3A_232 : memref<10240x16xf32, #tpu.memory_space<vmem_shared>>) dst(%arg8 : memref<128x16xf32, #tpu.memory_space<vmem>>)
      %dma_start3A_233 = arith.constant 73 : i32
      %dma_start3A_234 = arith.constant 0 : i32
      %dma_start3A_235 = tpu.memref_slice %arg6[%dma_start3A_233, %dma_start3A_234] : memref<79x128xi32, #tpu.memory_space<vmem>> -> memref<1x128xi32, #tpu.memory_space<vmem>>
      %dma_start3A_236 = tpu.memref_squeeze %dma_start3A_235 : memref<1x128xi32, #tpu.memory_space<vmem>> -> memref<128xi32, #tpu.memory_space<vmem>>
      %dma_start3A_237 = arith.constant 0 : i32
      %dma_start3A_238 = arith.constant 0 : i32
      %dma_start3A_239 = tpu.memref_slice %arg16[%dma_start3A_237, %dma_start3A_238] : memref<10240x16xf32, #tpu.memory_space<vmem_shared>> -> memref<10240x16xf32, #tpu.memory_space<vmem_shared>>
      tpu.enqueue_indirect_dma source(%arg8 : memref<128x16xf32, #tpu.memory_space<vmem>>) target(%dma_start3A_239 : memref<10240x16xf32, #tpu.memory_space<vmem_shared>>) offsets(%dma_start3A_236 : memref<128xi32, #tpu.memory_space<vmem>>) semaphore(%arg30 : memref<!tpu.dma_semaphore, #tpu.memory_space<semaphore_mem>>) {add = true}
    } else {
    }
    %gt3A_139 = arith.constant 74 : i32
    %gt3A_140 = arith.cmpi sgt, %sub3A_47, %gt3A_139 : i32
    %convert_element_type3A_141 = arith.extui %gt3A_140 : i1 to i32
    %cond3A_142 = arith.constant 0 : i32
    %cond3A_143 = arith.cmpi ne, %convert_element_type3A_141, %cond3A_142 : i32
    scf.if %cond3A_143 {
      %dma_wait3A_226 = arith.constant 74 : i32
      %dma_wait3A_227 = arith.constant 0 : i32
      %dma_wait3A_228 = tpu.memref_slice %arg5[%dma_wait3A_226, %dma_wait3A_227] : memref<79x128xi32, #tpu.memory_space<vmem>> -> memref<1x128xi32, #tpu.memory_space<vmem>>
      %dma_wait3A_229 = tpu.memref_squeeze %dma_wait3A_228 : memref<1x128xi32, #tpu.memory_space<vmem>> -> memref<128xi32, #tpu.memory_space<vmem>>
      %dma_wait3A_230 = arith.constant 0 : i32
      %dma_wait3A_231 = arith.constant 0 : i32
      %dma_wait3A_232 = tpu.memref_slice %arg17[%dma_wait3A_230, %dma_wait3A_231] : memref<10240x16xf32, #tpu.memory_space<vmem_shared>> -> memref<10240x16xf32, #tpu.memory_space<vmem_shared>>
      tpu.wait_indirect_dma semaphore(%arg23 : memref<!tpu.dma_semaphore, #tpu.memory_space<semaphore_mem>>) src(%dma_wait3A_232 : memref<10240x16xf32, #tpu.memory_space<vmem_shared>>) dst(%arg9 : memref<128x16xf32, #tpu.memory_space<vmem>>)
      %dma_start3A_233 = arith.constant 74 : i32
      %dma_start3A_234 = arith.constant 0 : i32
      %dma_start3A_235 = tpu.memref_slice %arg6[%dma_start3A_233, %dma_start3A_234] : memref<79x128xi32, #tpu.memory_space<vmem>> -> memref<1x128xi32, #tpu.memory_space<vmem>>
      %dma_start3A_236 = tpu.memref_squeeze %dma_start3A_235 : memref<1x128xi32, #tpu.memory_space<vmem>> -> memref<128xi32, #tpu.memory_space<vmem>>
      %dma_start3A_237 = arith.constant 0 : i32
      %dma_start3A_238 = arith.constant 0 : i32
      %dma_start3A_239 = tpu.memref_slice %arg16[%dma_start3A_237, %dma_start3A_238] : memref<10240x16xf32, #tpu.memory_space<vmem_shared>> -> memref<10240x16xf32, #tpu.memory_space<vmem_shared>>
      tpu.enqueue_indirect_dma source(%arg9 : memref<128x16xf32, #tpu.memory_space<vmem>>) target(%dma_start3A_239 : memref<10240x16xf32, #tpu.memory_space<vmem_shared>>) offsets(%dma_start3A_236 : memref<128xi32, #tpu.memory_space<vmem>>) semaphore(%arg31 : memref<!tpu.dma_semaphore, #tpu.memory_space<semaphore_mem>>) {add = true}
    } else {
    }
    %gt3A_144 = arith.constant 75 : i32
    %gt3A_145 = arith.cmpi sgt, %sub3A_47, %gt3A_144 : i32
    %convert_element_type3A_146 = arith.extui %gt3A_145 : i1 to i32
    %cond3A_147 = arith.constant 0 : i32
    %cond3A_148 = arith.cmpi ne, %convert_element_type3A_146, %cond3A_147 : i32
    scf.if %cond3A_148 {
      %dma_wait3A_226 = arith.constant 75 : i32
      %dma_wait3A_227 = arith.constant 0 : i32
      %dma_wait3A_228 = tpu.memref_slice %arg5[%dma_wait3A_226, %dma_wait3A_227] : memref<79x128xi32, #tpu.memory_space<vmem>> -> memref<1x128xi32, #tpu.memory_space<vmem>>
      %dma_wait3A_229 = tpu.memref_squeeze %dma_wait3A_228 : memref<1x128xi32, #tpu.memory_space<vmem>> -> memref<128xi32, #tpu.memory_space<vmem>>
      %dma_wait3A_230 = arith.constant 0 : i32
      %dma_wait3A_231 = arith.constant 0 : i32
      %dma_wait3A_232 = tpu.memref_slice %arg17[%dma_wait3A_230, %dma_wait3A_231] : memref<10240x16xf32, #tpu.memory_space<vmem_shared>> -> memref<10240x16xf32, #tpu.memory_space<vmem_shared>>
      tpu.wait_indirect_dma semaphore(%arg24 : memref<!tpu.dma_semaphore, #tpu.memory_space<semaphore_mem>>) src(%dma_wait3A_232 : memref<10240x16xf32, #tpu.memory_space<vmem_shared>>) dst(%arg10 : memref<128x16xf32, #tpu.memory_space<vmem>>)
      %dma_start3A_233 = arith.constant 75 : i32
      %dma_start3A_234 = arith.constant 0 : i32
      %dma_start3A_235 = tpu.memref_slice %arg6[%dma_start3A_233, %dma_start3A_234] : memref<79x128xi32, #tpu.memory_space<vmem>> -> memref<1x128xi32, #tpu.memory_space<vmem>>
      %dma_start3A_236 = tpu.memref_squeeze %dma_start3A_235 : memref<1x128xi32, #tpu.memory_space<vmem>> -> memref<128xi32, #tpu.memory_space<vmem>>
      %dma_start3A_237 = arith.constant 0 : i32
      %dma_start3A_238 = arith.constant 0 : i32
      %dma_start3A_239 = tpu.memref_slice %arg16[%dma_start3A_237, %dma_start3A_238] : memref<10240x16xf32, #tpu.memory_space<vmem_shared>> -> memref<10240x16xf32, #tpu.memory_space<vmem_shared>>
      tpu.enqueue_indirect_dma source(%arg10 : memref<128x16xf32, #tpu.memory_space<vmem>>) target(%dma_start3A_239 : memref<10240x16xf32, #tpu.memory_space<vmem_shared>>) offsets(%dma_start3A_236 : memref<128xi32, #tpu.memory_space<vmem>>) semaphore(%arg32 : memref<!tpu.dma_semaphore, #tpu.memory_space<semaphore_mem>>) {add = true}
    } else {
    }
    %gt3A_149 = arith.constant 76 : i32
    %gt3A_150 = arith.cmpi sgt, %sub3A_47, %gt3A_149 : i32
    %convert_element_type3A_151 = arith.extui %gt3A_150 : i1 to i32
    %cond3A_152 = arith.constant 0 : i32
    %cond3A_153 = arith.cmpi ne, %convert_element_type3A_151, %cond3A_152 : i32
    scf.if %cond3A_153 {
      %dma_wait3A_226 = arith.constant 76 : i32
      %dma_wait3A_227 = arith.constant 0 : i32
      %dma_wait3A_228 = tpu.memref_slice %arg5[%dma_wait3A_226, %dma_wait3A_227] : memref<79x128xi32, #tpu.memory_space<vmem>> -> memref<1x128xi32, #tpu.memory_space<vmem>>
      %dma_wait3A_229 = tpu.memref_squeeze %dma_wait3A_228 : memref<1x128xi32, #tpu.memory_space<vmem>> -> memref<128xi32, #tpu.memory_space<vmem>>
      %dma_wait3A_230 = arith.constant 0 : i32
      %dma_wait3A_231 = arith.constant 0 : i32
      %dma_wait3A_232 = tpu.memref_slice %arg17[%dma_wait3A_230, %dma_wait3A_231] : memref<10240x16xf32, #tpu.memory_space<vmem_shared>> -> memref<10240x16xf32, #tpu.memory_space<vmem_shared>>
      tpu.wait_indirect_dma semaphore(%arg25 : memref<!tpu.dma_semaphore, #tpu.memory_space<semaphore_mem>>) src(%dma_wait3A_232 : memref<10240x16xf32, #tpu.memory_space<vmem_shared>>) dst(%arg11 : memref<128x16xf32, #tpu.memory_space<vmem>>)
      %dma_start3A_233 = arith.constant 76 : i32
      %dma_start3A_234 = arith.constant 0 : i32
      %dma_start3A_235 = tpu.memref_slice %arg6[%dma_start3A_233, %dma_start3A_234] : memref<79x128xi32, #tpu.memory_space<vmem>> -> memref<1x128xi32, #tpu.memory_space<vmem>>
      %dma_start3A_236 = tpu.memref_squeeze %dma_start3A_235 : memref<1x128xi32, #tpu.memory_space<vmem>> -> memref<128xi32, #tpu.memory_space<vmem>>
      %dma_start3A_237 = arith.constant 0 : i32
      %dma_start3A_238 = arith.constant 0 : i32
      %dma_start3A_239 = tpu.memref_slice %arg16[%dma_start3A_237, %dma_start3A_238] : memref<10240x16xf32, #tpu.memory_space<vmem_shared>> -> memref<10240x16xf32, #tpu.memory_space<vmem_shared>>
      tpu.enqueue_indirect_dma source(%arg11 : memref<128x16xf32, #tpu.memory_space<vmem>>) target(%dma_start3A_239 : memref<10240x16xf32, #tpu.memory_space<vmem_shared>>) offsets(%dma_start3A_236 : memref<128xi32, #tpu.memory_space<vmem>>) semaphore(%arg33 : memref<!tpu.dma_semaphore, #tpu.memory_space<semaphore_mem>>) {add = true}
    } else {
    }
    %gt3A_154 = arith.constant 77 : i32
    %gt3A_155 = arith.cmpi sgt, %sub3A_47, %gt3A_154 : i32
    %convert_element_type3A_156 = arith.extui %gt3A_155 : i1 to i32
    %cond3A_157 = arith.constant 0 : i32
    %cond3A_158 = arith.cmpi ne, %convert_element_type3A_156, %cond3A_157 : i32
    scf.if %cond3A_158 {
      %dma_wait3A_226 = arith.constant 77 : i32
      %dma_wait3A_227 = arith.constant 0 : i32
      %dma_wait3A_228 = tpu.memref_slice %arg5[%dma_wait3A_226, %dma_wait3A_227] : memref<79x128xi32, #tpu.memory_space<vmem>> -> memref<1x128xi32, #tpu.memory_space<vmem>>
      %dma_wait3A_229 = tpu.memref_squeeze %dma_wait3A_228 : memref<1x128xi32, #tpu.memory_space<vmem>> -> memref<128xi32, #tpu.memory_space<vmem>>
      %dma_wait3A_230 = arith.constant 0 : i32
      %dma_wait3A_231 = arith.constant 0 : i32
      %dma_wait3A_232 = tpu.memref_slice %arg17[%dma_wait3A_230, %dma_wait3A_231] : memref<10240x16xf32, #tpu.memory_space<vmem_shared>> -> memref<10240x16xf32, #tpu.memory_space<vmem_shared>>
      tpu.wait_indirect_dma semaphore(%arg26 : memref<!tpu.dma_semaphore, #tpu.memory_space<semaphore_mem>>) src(%dma_wait3A_232 : memref<10240x16xf32, #tpu.memory_space<vmem_shared>>) dst(%arg12 : memref<128x16xf32, #tpu.memory_space<vmem>>)
      %dma_start3A_233 = arith.constant 77 : i32
      %dma_start3A_234 = arith.constant 0 : i32
      %dma_start3A_235 = tpu.memref_slice %arg6[%dma_start3A_233, %dma_start3A_234] : memref<79x128xi32, #tpu.memory_space<vmem>> -> memref<1x128xi32, #tpu.memory_space<vmem>>
      %dma_start3A_236 = tpu.memref_squeeze %dma_start3A_235 : memref<1x128xi32, #tpu.memory_space<vmem>> -> memref<128xi32, #tpu.memory_space<vmem>>
      %dma_start3A_237 = arith.constant 0 : i32
      %dma_start3A_238 = arith.constant 0 : i32
      %dma_start3A_239 = tpu.memref_slice %arg16[%dma_start3A_237, %dma_start3A_238] : memref<10240x16xf32, #tpu.memory_space<vmem_shared>> -> memref<10240x16xf32, #tpu.memory_space<vmem_shared>>
      tpu.enqueue_indirect_dma source(%arg12 : memref<128x16xf32, #tpu.memory_space<vmem>>) target(%dma_start3A_239 : memref<10240x16xf32, #tpu.memory_space<vmem_shared>>) offsets(%dma_start3A_236 : memref<128xi32, #tpu.memory_space<vmem>>) semaphore(%arg34 : memref<!tpu.dma_semaphore, #tpu.memory_space<semaphore_mem>>) {add = true}
    } else {
    }
    %gt3A_159 = arith.constant 78 : i32
    %gt3A_160 = arith.cmpi sgt, %sub3A_47, %gt3A_159 : i32
    %convert_element_type3A_161 = arith.extui %gt3A_160 : i1 to i32
    %cond3A_162 = arith.constant 0 : i32
    %cond3A_163 = arith.cmpi ne, %convert_element_type3A_161, %cond3A_162 : i32
    scf.if %cond3A_163 {
      %dma_wait3A_226 = arith.constant 78 : i32
      %dma_wait3A_227 = arith.constant 0 : i32
      %dma_wait3A_228 = tpu.memref_slice %arg5[%dma_wait3A_226, %dma_wait3A_227] : memref<79x128xi32, #tpu.memory_space<vmem>> -> memref<1x128xi32, #tpu.memory_space<vmem>>
      %dma_wait3A_229 = tpu.memref_squeeze %dma_wait3A_228 : memref<1x128xi32, #tpu.memory_space<vmem>> -> memref<128xi32, #tpu.memory_space<vmem>>
      %dma_wait3A_230 = arith.constant 0 : i32
      %dma_wait3A_231 = arith.constant 0 : i32
      %dma_wait3A_232 = tpu.memref_slice %arg17[%dma_wait3A_230, %dma_wait3A_231] : memref<10240x16xf32, #tpu.memory_space<vmem_shared>> -> memref<10240x16xf32, #tpu.memory_space<vmem_shared>>
      tpu.wait_indirect_dma semaphore(%arg27 : memref<!tpu.dma_semaphore, #tpu.memory_space<semaphore_mem>>) src(%dma_wait3A_232 : memref<10240x16xf32, #tpu.memory_space<vmem_shared>>) dst(%arg13 : memref<128x16xf32, #tpu.memory_space<vmem>>)
      %dma_start3A_233 = arith.constant 78 : i32
      %dma_start3A_234 = arith.constant 0 : i32
      %dma_start3A_235 = tpu.memref_slice %arg6[%dma_start3A_233, %dma_start3A_234] : memref<79x128xi32, #tpu.memory_space<vmem>> -> memref<1x128xi32, #tpu.memory_space<vmem>>
      %dma_start3A_236 = tpu.memref_squeeze %dma_start3A_235 : memref<1x128xi32, #tpu.memory_space<vmem>> -> memref<128xi32, #tpu.memory_space<vmem>>
      %dma_start3A_237 = arith.constant 0 : i32
      %dma_start3A_238 = arith.constant 0 : i32
      %dma_start3A_239 = tpu.memref_slice %arg16[%dma_start3A_237, %dma_start3A_238] : memref<10240x16xf32, #tpu.memory_space<vmem_shared>> -> memref<10240x16xf32, #tpu.memory_space<vmem_shared>>
      tpu.enqueue_indirect_dma source(%arg13 : memref<128x16xf32, #tpu.memory_space<vmem>>) target(%dma_start3A_239 : memref<10240x16xf32, #tpu.memory_space<vmem_shared>>) offsets(%dma_start3A_236 : memref<128xi32, #tpu.memory_space<vmem>>) semaphore(%arg35 : memref<!tpu.dma_semaphore, #tpu.memory_space<semaphore_mem>>) {add = true}
    } else {
    }
    %dma_wait3A_164 = arith.constant 0 : i32
    %dma_wait3A_165 = arith.constant 0 : i32
    %dma_wait3A_166 = tpu.memref_slice %arg6[%dma_wait3A_164, %dma_wait3A_165] : memref<79x128xi32, #tpu.memory_space<vmem>> -> memref<1x128xi32, #tpu.memory_space<vmem>>
    %dma_wait3A_167 = tpu.memref_squeeze %dma_wait3A_166 : memref<1x128xi32, #tpu.memory_space<vmem>> -> memref<128xi32, #tpu.memory_space<vmem>>
    %dma_wait3A_168 = arith.constant 0 : i32
    %dma_wait3A_169 = arith.constant 0 : i32
    %dma_wait3A_170 = tpu.memref_slice %arg16[%dma_wait3A_168, %dma_wait3A_169] : memref<10240x16xf32, #tpu.memory_space<vmem_shared>> -> memref<10240x16xf32, #tpu.memory_space<vmem_shared>>
    tpu.wait_indirect_dma semaphore(%arg29 : memref<!tpu.dma_semaphore, #tpu.memory_space<semaphore_mem>>) src(%arg7 : memref<128x16xf32, #tpu.memory_space<vmem>>) dst(%dma_wait3A_170 : memref<10240x16xf32, #tpu.memory_space<vmem_shared>>)
    %dma_wait3A_171 = arith.constant 1 : i32
    %dma_wait3A_172 = arith.constant 0 : i32
    %dma_wait3A_173 = tpu.memref_slice %arg6[%dma_wait3A_171, %dma_wait3A_172] : memref<79x128xi32, #tpu.memory_space<vmem>> -> memref<1x128xi32, #tpu.memory_space<vmem>>
    %dma_wait3A_174 = tpu.memref_squeeze %dma_wait3A_173 : memref<1x128xi32, #tpu.memory_space<vmem>> -> memref<128xi32, #tpu.memory_space<vmem>>
    %dma_wait3A_175 = arith.constant 0 : i32
    %dma_wait3A_176 = arith.constant 0 : i32
    %dma_wait3A_177 = tpu.memref_slice %arg16[%dma_wait3A_175, %dma_wait3A_176] : memref<10240x16xf32, #tpu.memory_space<vmem_shared>> -> memref<10240x16xf32, #tpu.memory_space<vmem_shared>>
    tpu.wait_indirect_dma semaphore(%arg30 : memref<!tpu.dma_semaphore, #tpu.memory_space<semaphore_mem>>) src(%arg8 : memref<128x16xf32, #tpu.memory_space<vmem>>) dst(%dma_wait3A_177 : memref<10240x16xf32, #tpu.memory_space<vmem_shared>>)
    %dma_wait3A_178 = arith.constant 2 : i32
    %dma_wait3A_179 = arith.constant 0 : i32
    %dma_wait3A_180 = tpu.memref_slice %arg6[%dma_wait3A_178, %dma_wait3A_179] : memref<79x128xi32, #tpu.memory_space<vmem>> -> memref<1x128xi32, #tpu.memory_space<vmem>>
    %dma_wait3A_181 = tpu.memref_squeeze %dma_wait3A_180 : memref<1x128xi32, #tpu.memory_space<vmem>> -> memref<128xi32, #tpu.memory_space<vmem>>
    %dma_wait3A_182 = arith.constant 0 : i32
    %dma_wait3A_183 = arith.constant 0 : i32
    %dma_wait3A_184 = tpu.memref_slice %arg16[%dma_wait3A_182, %dma_wait3A_183] : memref<10240x16xf32, #tpu.memory_space<vmem_shared>> -> memref<10240x16xf32, #tpu.memory_space<vmem_shared>>
    tpu.wait_indirect_dma semaphore(%arg31 : memref<!tpu.dma_semaphore, #tpu.memory_space<semaphore_mem>>) src(%arg9 : memref<128x16xf32, #tpu.memory_space<vmem>>) dst(%dma_wait3A_184 : memref<10240x16xf32, #tpu.memory_space<vmem_shared>>)
    %dma_wait3A_185 = arith.constant 3 : i32
    %dma_wait3A_186 = arith.constant 0 : i32
    %dma_wait3A_187 = tpu.memref_slice %arg6[%dma_wait3A_185, %dma_wait3A_186] : memref<79x128xi32, #tpu.memory_space<vmem>> -> memref<1x128xi32, #tpu.memory_space<vmem>>
    %dma_wait3A_188 = tpu.memref_squeeze %dma_wait3A_187 : memref<1x128xi32, #tpu.memory_space<vmem>> -> memref<128xi32, #tpu.memory_space<vmem>>
    %dma_wait3A_189 = arith.constant 0 : i32
    %dma_wait3A_190 = arith.constant 0 : i32
    %dma_wait3A_191 = tpu.memref_slice %arg16[%dma_wait3A_189, %dma_wait3A_190] : memref<10240x16xf32, #tpu.memory_space<vmem_shared>> -> memref<10240x16xf32, #tpu.memory_space<vmem_shared>>
    tpu.wait_indirect_dma semaphore(%arg32 : memref<!tpu.dma_semaphore, #tpu.memory_space<semaphore_mem>>) src(%arg10 : memref<128x16xf32, #tpu.memory_space<vmem>>) dst(%dma_wait3A_191 : memref<10240x16xf32, #tpu.memory_space<vmem_shared>>)
    %dma_wait3A_192 = arith.constant 4 : i32
    %dma_wait3A_193 = arith.constant 0 : i32
    %dma_wait3A_194 = tpu.memref_slice %arg6[%dma_wait3A_192, %dma_wait3A_193] : memref<79x128xi32, #tpu.memory_space<vmem>> -> memref<1x128xi32, #tpu.memory_space<vmem>>
    %dma_wait3A_195 = tpu.memref_squeeze %dma_wait3A_194 : memref<1x128xi32, #tpu.memory_space<vmem>> -> memref<128xi32, #tpu.memory_space<vmem>>
    %dma_wait3A_196 = arith.constant 0 : i32
    %dma_wait3A_197 = arith.constant 0 : i32
    %dma_wait3A_198 = tpu.memref_slice %arg16[%dma_wait3A_196, %dma_wait3A_197] : memref<10240x16xf32, #tpu.memory_space<vmem_shared>> -> memref<10240x16xf32, #tpu.memory_space<vmem_shared>>
    tpu.wait_indirect_dma semaphore(%arg33 : memref<!tpu.dma_semaphore, #tpu.memory_space<semaphore_mem>>) src(%arg11 : memref<128x16xf32, #tpu.memory_space<vmem>>) dst(%dma_wait3A_198 : memref<10240x16xf32, #tpu.memory_space<vmem_shared>>)
    %dma_wait3A_199 = arith.constant 5 : i32
    %dma_wait3A_200 = arith.constant 0 : i32
    %dma_wait3A_201 = tpu.memref_slice %arg6[%dma_wait3A_199, %dma_wait3A_200] : memref<79x128xi32, #tpu.memory_space<vmem>> -> memref<1x128xi32, #tpu.memory_space<vmem>>
    %dma_wait3A_202 = tpu.memref_squeeze %dma_wait3A_201 : memref<1x128xi32, #tpu.memory_space<vmem>> -> memref<128xi32, #tpu.memory_space<vmem>>
    %dma_wait3A_203 = arith.constant 0 : i32
    %dma_wait3A_204 = arith.constant 0 : i32
    %dma_wait3A_205 = tpu.memref_slice %arg16[%dma_wait3A_203, %dma_wait3A_204] : memref<10240x16xf32, #tpu.memory_space<vmem_shared>> -> memref<10240x16xf32, #tpu.memory_space<vmem_shared>>
    tpu.wait_indirect_dma semaphore(%arg34 : memref<!tpu.dma_semaphore, #tpu.memory_space<semaphore_mem>>) src(%arg12 : memref<128x16xf32, #tpu.memory_space<vmem>>) dst(%dma_wait3A_205 : memref<10240x16xf32, #tpu.memory_space<vmem_shared>>)
    %dma_wait3A_206 = arith.constant 6 : i32
    %dma_wait3A_207 = arith.constant 0 : i32
    %dma_wait3A_208 = tpu.memref_slice %arg6[%dma_wait3A_206, %dma_wait3A_207] : memref<79x128xi32, #tpu.memory_space<vmem>> -> memref<1x128xi32, #tpu.memory_space<vmem>>
    %dma_wait3A_209 = tpu.memref_squeeze %dma_wait3A_208 : memref<1x128xi32, #tpu.memory_space<vmem>> -> memref<128xi32, #tpu.memory_space<vmem>>
    %dma_wait3A_210 = arith.constant 0 : i32
    %dma_wait3A_211 = arith.constant 0 : i32
    %dma_wait3A_212 = tpu.memref_slice %arg16[%dma_wait3A_210, %dma_wait3A_211] : memref<10240x16xf32, #tpu.memory_space<vmem_shared>> -> memref<10240x16xf32, #tpu.memory_space<vmem_shared>>
    tpu.wait_indirect_dma semaphore(%arg35 : memref<!tpu.dma_semaphore, #tpu.memory_space<semaphore_mem>>) src(%arg13 : memref<128x16xf32, #tpu.memory_space<vmem>>) dst(%dma_wait3A_212 : memref<10240x16xf32, #tpu.memory_space<vmem_shared>>)
    %dma_wait3A_213 = arith.constant 7 : i32
    %dma_wait3A_214 = arith.constant 0 : i32
    %dma_wait3A_215 = tpu.memref_slice %arg6[%dma_wait3A_213, %dma_wait3A_214] : memref<79x128xi32, #tpu.memory_space<vmem>> -> memref<1x128xi32, #tpu.memory_space<vmem>>
    %dma_wait3A_216 = tpu.memref_squeeze %dma_wait3A_215 : memref<1x128xi32, #tpu.memory_space<vmem>> -> memref<128xi32, #tpu.memory_space<vmem>>
    %dma_wait3A_217 = arith.constant 0 : i32
    %dma_wait3A_218 = arith.constant 0 : i32
    %dma_wait3A_219 = tpu.memref_slice %arg16[%dma_wait3A_217, %dma_wait3A_218] : memref<10240x16xf32, #tpu.memory_space<vmem_shared>> -> memref<10240x16xf32, #tpu.memory_space<vmem_shared>>
    tpu.wait_indirect_dma semaphore(%arg36 : memref<!tpu.dma_semaphore, #tpu.memory_space<semaphore_mem>>) src(%arg14 : memref<128x16xf32, #tpu.memory_space<vmem>>) dst(%dma_wait3A_219 : memref<10240x16xf32, #tpu.memory_space<vmem_shared>>)
    %barrier3A_220 = arith.constant 0 : index
    tpu.barrier barrier_id(%barrier3A_220)
    %scan3A_221 = arith.constant 0 : i32
    %scan3A_222 = arith.constant 5 : i32
    %scan3A_223 = arith.addi %scan3A_221, %scan3A_222 : i32
    %scan3A_224 = arith.constant 1 : i32
    scf.for %scan3A_226 = %scan3A_221 to %scan3A_223 step %scan3A_224  : i32 {
      %mul3A_227 = arith.constant 1 : i32
      %mul3A_228 = arith.muli %scan3A_226, %mul3A_227 : i32
      %add3A_229 = arith.constant 0 : i32
      %add3A_230 = arith.addi %add3A_229, %mul3A_228 : i32
      %mul3A_231 = arith.constant 128 : i32
      %mul3A_232 = arith.muli %add3A_230, %mul3A_231 : i32
      %add3A_233 = arith.addi %mul3A_62, %mul3A_232 : i32
      %mul3A_234 = arith.constant 10240 : i32
      %mul3A_235 = arith.muli %arg0, %mul3A_234 : i32
      %add3A_236 = arith.addi %mul3A_235, %add3A_233 : i32
      "tpu.region"() ({
        %run_scoped3A = tpu.sem_alloc : memref<!tpu.dma_semaphore, #tpu.memory_space<semaphore_mem>>
        %dma_start3A_237 = arith.constant 0 : i32
        %dma_start3A_238 = tpu.memref_slice %arg4[%add3A_236, %dma_start3A_237] : memref<20480x16xf32, #tpu.memory_space<hbm>> -> memref<128x16xf32, #tpu.memory_space<hbm>>
        %dma_start3A_239 = arith.constant 0 : i32
        %dma_start3A_240 = tpu.memref_slice %arg16[%add3A_233, %dma_start3A_239] : memref<10240x16xf32, #tpu.memory_space<vmem_shared>> -> memref<128x16xf32, #tpu.memory_space<vmem_shared>>
        tpu.enqueue_dma source(%dma_start3A_240 : memref<128x16xf32, #tpu.memory_space<vmem_shared>>) target(%dma_start3A_238 : memref<128x16xf32, #tpu.memory_space<hbm>>) target_semaphore(%run_scoped3A : memref<!tpu.dma_semaphore, #tpu.memory_space<semaphore_mem>>)
        %dma_wait3A_241 = arith.constant 0 : i32
        %dma_wait3A_242 = tpu.memref_slice %arg4[%add3A_236, %dma_wait3A_241] : memref<20480x16xf32, #tpu.memory_space<hbm>> -> memref<128x16xf32, #tpu.memory_space<hbm>>
        %dma_wait3A_243 = arith.constant 0 : i32
        %dma_wait3A_244 = tpu.memref_slice %arg16[%add3A_233, %dma_wait3A_243] : memref<10240x16xf32, #tpu.memory_space<vmem_shared>> -> memref<128x16xf32, #tpu.memory_space<vmem_shared>>
        tpu.wait_dma2 semaphore(%run_scoped3A : memref<!tpu.dma_semaphore, #tpu.memory_space<semaphore_mem>>) src(%dma_wait3A_244 : memref<128x16xf32, #tpu.memory_space<vmem_shared>>) dst(%dma_wait3A_242 : memref<128x16xf32, #tpu.memory_space<hbm>>)
        tpu.yield
      }) : () -> ()
    }
    %scan3A_225 = arith.constant 5 : i32
    return
  }
}

module attributes {stable_mosaic.version = 14 : i64} {
  func.func @_scale_body(%arg0: memref<2560x128xf32, #tpu.memory_space<vmem>>, %arg1: memref<1280x128xf32, #tpu.memory_space<vmem>>, %arg2: memref<1280x128xf32, #tpu.memory_space<vmem>>) attributes {dimension_semantics = [], scalar_prefetch = 0 : i64, scratch_operands = 0 : i64, tpu.core_type = #tpu.core_type<tc>} {
    %get3A = arith.constant 0 : index
    %get3A_0 = arith.constant 0 : index
    %get3A_1 = vector.load %arg1[%get3A, %get3A_0] : memref<1280x128xf32, #tpu.memory_space<vmem>>, vector<1280x128xf32>
    %get3A_2 = arith.constant 0 : index
    %get3A_3 = arith.constant 0 : index
    %get3A_4 = vector.load %arg0[%get3A_2, %get3A_3] : memref<2560x128xf32, #tpu.memory_space<vmem>>, vector<1280x128xf32>
    %get3A_5 = arith.constant 1280 : index
    %get3A_6 = arith.constant 0 : index
    %get3A_7 = vector.load %arg0[%get3A_5, %get3A_6] : memref<2560x128xf32, #tpu.memory_space<vmem>>, vector<1280x128xf32>
    %add3A = arith.addf %get3A_4, %get3A_7 : vector<1280x128xf32>
    %add3A_8 = arith.constant 1.000000e+00 : f32
    %add3A_9 = vector.broadcast %add3A_8 : f32 to vector<1280x128xf32>
    %add3A_10 = arith.addf %add3A, %add3A_9 : vector<1280x128xf32>
    %rsqrt3A = math.rsqrt %add3A_10 : vector<1280x128xf32>
    %mul3A = arith.mulf %get3A_1, %rsqrt3A : vector<1280x128xf32>
    %swap3A = arith.constant 0 : index
    %swap3A_11 = arith.constant 0 : index
    %swap3A_12 = vector.load %arg2[%swap3A, %swap3A_11] : memref<1280x128xf32, #tpu.memory_space<vmem>>, vector<1280x128xf32>
    tpu.vector_store %arg2[%swap3A, %swap3A_11], %mul3A {strides = array<i32>} : memref<1280x128xf32, #tpu.memory_space<vmem>>, vector<1280x128xf32>,
    return
  }
}

module attributes {stable_mosaic.version = 14 : i64} {
  func.func @_mm_body(%arg0: memref<1250x8x128xf32, #tpu.memory_space<vmem>>, %arg1: memref<8x128x128xf32, #tpu.memory_space<vmem>>, %arg2: memref<1280x128xf32, #tpu.memory_space<vmem>>) attributes {dimension_semantics = [], scalar_prefetch = 0 : i64, scratch_operands = 0 : i64, tpu.core_type = #tpu.core_type<tc>} {
    %broadcast_in_dim3A = arith.constant 0.000000e+00 : f32
    %broadcast_in_dim3A_0 = vector.broadcast %broadcast_in_dim3A : f32 to vector<1250x128xf32>
    %get3A = arith.constant 0 : index
    %get3A_1 = arith.constant 0 : index
    %get3A_2 = arith.constant 0 : index
    %get3A_3 = vector.load %arg0[%get3A, %get3A_1, %get3A_2] : memref<1250x8x128xf32, #tpu.memory_space<vmem>>, vector<1250x1x128xf32>
    %get3A_4 = vector.shape_cast %get3A_3 : vector<1250x1x128xf32> to vector<1250x128xf32>
    %get3A_5 = arith.constant 0 : index
    %get3A_6 = arith.constant 0 : index
    %get3A_7 = arith.constant 0 : index
    %get3A_8 = vector.load %arg1[%get3A_5, %get3A_6, %get3A_7] : memref<8x128x128xf32, #tpu.memory_space<vmem>>, vector<1x128x128xf32>
    %get3A_9 = vector.shape_cast %get3A_8 : vector<1x128x128xf32> to vector<128x128xf32>
    %dot_general3A = arith.constant dense<0.000000e+00> : vector<1250x128xf32>
    %dot_general3A_10 = tpu.matmul %get3A_4, %get3A_9, %dot_general3A {dimension_numbers = #tpu.dot_dimension_numbers<[1], [0], [0], [1], [0, 0, 1, 1], [], []>, transpose_lhs_hint = false} : vector<1250x128xf32>, vector<128x128xf32>, vector<1250x128xf32> -> vector<1250x128xf32>
    %add3A = arith.addf %broadcast_in_dim3A_0, %dot_general3A_10 : vector<1250x128xf32>
    %get3A_11 = arith.constant 0 : index
    %get3A_12 = arith.constant 1 : index
    %get3A_13 = arith.constant 0 : index
    %get3A_14 = vector.load %arg0[%get3A_11, %get3A_12, %get3A_13] : memref<1250x8x128xf32, #tpu.memory_space<vmem>>, vector<1250x1x128xf32>
    %get3A_15 = vector.shape_cast %get3A_14 : vector<1250x1x128xf32> to vector<1250x128xf32>
    %get3A_16 = arith.constant 1 : index
    %get3A_17 = arith.constant 0 : index
    %get3A_18 = arith.constant 0 : index
    %get3A_19 = vector.load %arg1[%get3A_16, %get3A_17, %get3A_18] : memref<8x128x128xf32, #tpu.memory_space<vmem>>, vector<1x128x128xf32>
    %get3A_20 = vector.shape_cast %get3A_19 : vector<1x128x128xf32> to vector<128x128xf32>
    %dot_general3A_21 = arith.constant dense<0.000000e+00> : vector<1250x128xf32>
    %dot_general3A_22 = tpu.matmul %get3A_15, %get3A_20, %dot_general3A_21 {dimension_numbers = #tpu.dot_dimension_numbers<[1], [0], [0], [1], [0, 0, 1, 1], [], []>, transpose_lhs_hint = false} : vector<1250x128xf32>, vector<128x128xf32>, vector<1250x128xf32> -> vector<1250x128xf32>
    %add3A_23 = arith.addf %add3A, %dot_general3A_22 : vector<1250x128xf32>
    %get3A_24 = arith.constant 0 : index
    %get3A_25 = arith.constant 2 : index
    %get3A_26 = arith.constant 0 : index
    %get3A_27 = vector.load %arg0[%get3A_24, %get3A_25, %get3A_26] : memref<1250x8x128xf32, #tpu.memory_space<vmem>>, vector<1250x1x128xf32>
    %get3A_28 = vector.shape_cast %get3A_27 : vector<1250x1x128xf32> to vector<1250x128xf32>
    %get3A_29 = arith.constant 2 : index
    %get3A_30 = arith.constant 0 : index
    %get3A_31 = arith.constant 0 : index
    %get3A_32 = vector.load %arg1[%get3A_29, %get3A_30, %get3A_31] : memref<8x128x128xf32, #tpu.memory_space<vmem>>, vector<1x128x128xf32>
    %get3A_33 = vector.shape_cast %get3A_32 : vector<1x128x128xf32> to vector<128x128xf32>
    %dot_general3A_34 = arith.constant dense<0.000000e+00> : vector<1250x128xf32>
    %dot_general3A_35 = tpu.matmul %get3A_28, %get3A_33, %dot_general3A_34 {dimension_numbers = #tpu.dot_dimension_numbers<[1], [0], [0], [1], [0, 0, 1, 1], [], []>, transpose_lhs_hint = false} : vector<1250x128xf32>, vector<128x128xf32>, vector<1250x128xf32> -> vector<1250x128xf32>
    %add3A_36 = arith.addf %add3A_23, %dot_general3A_35 : vector<1250x128xf32>
    %get3A_37 = arith.constant 0 : index
    %get3A_38 = arith.constant 3 : index
    %get3A_39 = arith.constant 0 : index
    %get3A_40 = vector.load %arg0[%get3A_37, %get3A_38, %get3A_39] : memref<1250x8x128xf32, #tpu.memory_space<vmem>>, vector<1250x1x128xf32>
    %get3A_41 = vector.shape_cast %get3A_40 : vector<1250x1x128xf32> to vector<1250x128xf32>
    %get3A_42 = arith.constant 3 : index
    %get3A_43 = arith.constant 0 : index
    %get3A_44 = arith.constant 0 : index
    %get3A_45 = vector.load %arg1[%get3A_42, %get3A_43, %get3A_44] : memref<8x128x128xf32, #tpu.memory_space<vmem>>, vector<1x128x128xf32>
    %get3A_46 = vector.shape_cast %get3A_45 : vector<1x128x128xf32> to vector<128x128xf32>
    %dot_general3A_47 = arith.constant dense<0.000000e+00> : vector<1250x128xf32>
    %dot_general3A_48 = tpu.matmul %get3A_41, %get3A_46, %dot_general3A_47 {dimension_numbers = #tpu.dot_dimension_numbers<[1], [0], [0], [1], [0, 0, 1, 1], [], []>, transpose_lhs_hint = false} : vector<1250x128xf32>, vector<128x128xf32>, vector<1250x128xf32> -> vector<1250x128xf32>
    %add3A_49 = arith.addf %add3A_36, %dot_general3A_48 : vector<1250x128xf32>
    %get3A_50 = arith.constant 0 : index
    %get3A_51 = arith.constant 4 : index
    %get3A_52 = arith.constant 0 : index
    %get3A_53 = vector.load %arg0[%get3A_50, %get3A_51, %get3A_52] : memref<1250x8x128xf32, #tpu.memory_space<vmem>>, vector<1250x1x128xf32>
    %get3A_54 = vector.shape_cast %get3A_53 : vector<1250x1x128xf32> to vector<1250x128xf32>
    %get3A_55 = arith.constant 4 : index
    %get3A_56 = arith.constant 0 : index
    %get3A_57 = arith.constant 0 : index
    %get3A_58 = vector.load %arg1[%get3A_55, %get3A_56, %get3A_57] : memref<8x128x128xf32, #tpu.memory_space<vmem>>, vector<1x128x128xf32>
    %get3A_59 = vector.shape_cast %get3A_58 : vector<1x128x128xf32> to vector<128x128xf32>
    %dot_general3A_60 = arith.constant dense<0.000000e+00> : vector<1250x128xf32>
    %dot_general3A_61 = tpu.matmul %get3A_54, %get3A_59, %dot_general3A_60 {dimension_numbers = #tpu.dot_dimension_numbers<[1], [0], [0], [1], [0, 0, 1, 1], [], []>, transpose_lhs_hint = false} : vector<1250x128xf32>, vector<128x128xf32>, vector<1250x128xf32> -> vector<1250x128xf32>
    %add3A_62 = arith.addf %add3A_49, %dot_general3A_61 : vector<1250x128xf32>
    %get3A_63 = arith.constant 0 : index
    %get3A_64 = arith.constant 5 : index
    %get3A_65 = arith.constant 0 : index
    %get3A_66 = vector.load %arg0[%get3A_63, %get3A_64, %get3A_65] : memref<1250x8x128xf32, #tpu.memory_space<vmem>>, vector<1250x1x128xf32>
    %get3A_67 = vector.shape_cast %get3A_66 : vector<1250x1x128xf32> to vector<1250x128xf32>
    %get3A_68 = arith.constant 5 : index
    %get3A_69 = arith.constant 0 : index
    %get3A_70 = arith.constant 0 : index
    %get3A_71 = vector.load %arg1[%get3A_68, %get3A_69, %get3A_70] : memref<8x128x128xf32, #tpu.memory_space<vmem>>, vector<1x128x128xf32>
    %get3A_72 = vector.shape_cast %get3A_71 : vector<1x128x128xf32> to vector<128x128xf32>
    %dot_general3A_73 = arith.constant dense<0.000000e+00> : vector<1250x128xf32>
    %dot_general3A_74 = tpu.matmul %get3A_67, %get3A_72, %dot_general3A_73 {dimension_numbers = #tpu.dot_dimension_numbers<[1], [0], [0], [1], [0, 0, 1, 1], [], []>, transpose_lhs_hint = false} : vector<1250x128xf32>, vector<128x128xf32>, vector<1250x128xf32> -> vector<1250x128xf32>
    %add3A_75 = arith.addf %add3A_62, %dot_general3A_74 : vector<1250x128xf32>
    %get3A_76 = arith.constant 0 : index
    %get3A_77 = arith.constant 6 : index
    %get3A_78 = arith.constant 0 : index
    %get3A_79 = vector.load %arg0[%get3A_76, %get3A_77, %get3A_78] : memref<1250x8x128xf32, #tpu.memory_space<vmem>>, vector<1250x1x128xf32>
    %get3A_80 = vector.shape_cast %get3A_79 : vector<1250x1x128xf32> to vector<1250x128xf32>
    %get3A_81 = arith.constant 6 : index
    %get3A_82 = arith.constant 0 : index
    %get3A_83 = arith.constant 0 : index
    %get3A_84 = vector.load %arg1[%get3A_81, %get3A_82, %get3A_83] : memref<8x128x128xf32, #tpu.memory_space<vmem>>, vector<1x128x128xf32>
    %get3A_85 = vector.shape_cast %get3A_84 : vector<1x128x128xf32> to vector<128x128xf32>
    %dot_general3A_86 = arith.constant dense<0.000000e+00> : vector<1250x128xf32>
    %dot_general3A_87 = tpu.matmul %get3A_80, %get3A_85, %dot_general3A_86 {dimension_numbers = #tpu.dot_dimension_numbers<[1], [0], [0], [1], [0, 0, 1, 1], [], []>, transpose_lhs_hint = false} : vector<1250x128xf32>, vector<128x128xf32>, vector<1250x128xf32> -> vector<1250x128xf32>
    %add3A_88 = arith.addf %add3A_75, %dot_general3A_87 : vector<1250x128xf32>
    %get3A_89 = arith.constant 0 : index
    %get3A_90 = arith.constant 7 : index
    %get3A_91 = arith.constant 0 : index
    %get3A_92 = vector.load %arg0[%get3A_89, %get3A_90, %get3A_91] : memref<1250x8x128xf32, #tpu.memory_space<vmem>>, vector<1250x1x128xf32>
    %get3A_93 = vector.shape_cast %get3A_92 : vector<1250x1x128xf32> to vector<1250x128xf32>
    %get3A_94 = arith.constant 7 : index
    %get3A_95 = arith.constant 0 : index
    %get3A_96 = arith.constant 0 : index
    %get3A_97 = vector.load %arg1[%get3A_94, %get3A_95, %get3A_96] : memref<8x128x128xf32, #tpu.memory_space<vmem>>, vector<1x128x128xf32>
    %get3A_98 = vector.shape_cast %get3A_97 : vector<1x128x128xf32> to vector<128x128xf32>
    %dot_general3A_99 = arith.constant dense<0.000000e+00> : vector<1250x128xf32>
    %dot_general3A_100 = tpu.matmul %get3A_93, %get3A_98, %dot_general3A_99 {dimension_numbers = #tpu.dot_dimension_numbers<[1], [0], [0], [1], [0, 0, 1, 1], [], []>, transpose_lhs_hint = false} : vector<1250x128xf32>, vector<128x128xf32>, vector<1250x128xf32> -> vector<1250x128xf32>
    %add3A_101 = arith.addf %add3A_88, %dot_general3A_100 : vector<1250x128xf32>
    %swap3A = arith.constant 0 : index
    %swap3A_102 = arith.constant 0 : index
    %swap3A_103 = vector.load %arg2[%swap3A, %swap3A_102] : memref<1280x128xf32, #tpu.memory_space<vmem>>, vector<1250x128xf32>
    tpu.vector_store %arg2[%swap3A, %swap3A_102], %add3A_101 {strides = array<i32>} : memref<1280x128xf32, #tpu.memory_space<vmem>>, vector<1250x128xf32>,
    %broadcast_in_dim3A_104 = arith.constant 0.000000e+00 : f32
    %broadcast_in_dim3A_105 = vector.broadcast %broadcast_in_dim3A_104 : f32 to vector<30x128xf32>
    %swap3A_106 = arith.constant 1250 : index
    %swap3A_107 = arith.constant 0 : index
    %swap3A_108 = vector.load %arg2[%swap3A_106, %swap3A_107] : memref<1280x128xf32, #tpu.memory_space<vmem>>, vector<30x128xf32>
    tpu.vector_store %arg2[%swap3A_106, %swap3A_107], %broadcast_in_dim3A_105 {strides = array<i32>} : memref<1280x128xf32, #tpu.memory_space<vmem>>, vector<30x128xf32>,
    return
  }
}

module attributes {stable_mosaic.version = 14 : i64} {
  func.func @_head_body(%arg0: memref<2560x128xf32, #tpu.memory_space<vmem>>, %arg1: memref<2560x128xf32, #tpu.memory_space<vmem>>, %arg2: memref<128x512xf32, #tpu.memory_space<vmem>>, %arg3: memref<1x512xf32, #tpu.memory_space<vmem>>, %arg4: memref<512x8xf32, #tpu.memory_space<vmem>>, %arg5: memref<1x1xf32, #tpu.memory_space<vmem>>, %arg6: memref<1280x8xf32, #tpu.memory_space<vmem>>) attributes {dimension_semantics = [], scalar_prefetch = 0 : i64, scratch_operands = 0 : i64, tpu.core_type = #tpu.core_type<tc>} {
    %get3A = arith.constant 0 : index
    %get3A_0 = arith.constant 0 : index
    %get3A_1 = vector.load %arg1[%get3A, %get3A_0] : memref<2560x128xf32, #tpu.memory_space<vmem>>, vector<1280x128xf32>
    %get3A_2 = arith.constant 1280 : index
    %get3A_3 = arith.constant 0 : index
    %get3A_4 = vector.load %arg1[%get3A_2, %get3A_3] : memref<2560x128xf32, #tpu.memory_space<vmem>>, vector<1280x128xf32>
    %add3A = arith.addf %get3A_1, %get3A_4 : vector<1280x128xf32>
    %get3A_5 = arith.constant 0 : index
    %get3A_6 = arith.constant 0 : index
    %get3A_7 = vector.load %arg0[%get3A_5, %get3A_6] : memref<2560x128xf32, #tpu.memory_space<vmem>>, vector<1280x128xf32>
    %get3A_8 = arith.constant 1280 : index
    %get3A_9 = arith.constant 0 : index
    %get3A_10 = vector.load %arg0[%get3A_8, %get3A_9] : memref<2560x128xf32, #tpu.memory_space<vmem>>, vector<1280x128xf32>
    %add3A_11 = arith.addf %get3A_7, %get3A_10 : vector<1280x128xf32>
    %add3A_12 = arith.constant 1.000000e+00 : f32
    %add3A_13 = vector.broadcast %add3A_12 : f32 to vector<1280x128xf32>
    %add3A_14 = arith.addf %add3A_11, %add3A_13 : vector<1280x128xf32>
    %rsqrt3A = math.rsqrt %add3A_14 : vector<1280x128xf32>
    %mul3A = arith.mulf %add3A, %rsqrt3A : vector<1280x128xf32>
    %max3A = arith.constant 0.000000e+00 : f32
    %max3A_15 = vector.broadcast %max3A : f32 to vector<1280x128xf32>
    %max3A_16 = arith.maximumf %mul3A, %max3A_15 : vector<1280x128xf32>
    %get3A_17 = arith.constant 0 : index
    %get3A_18 = arith.constant 0 : index
    %get3A_19 = vector.load %arg2[%get3A_17, %get3A_18] : memref<128x512xf32, #tpu.memory_space<vmem>>, vector<128x512xf32>
    %dot_general3A = arith.constant dense<0.000000e+00> : vector<1280x512xf32>
    %dot_general3A_20 = tpu.matmul %max3A_16, %get3A_19, %dot_general3A {dimension_numbers = #tpu.dot_dimension_numbers<[1], [0], [0], [1], [0, 0, 1, 1], [], []>, transpose_lhs_hint = false} : vector<1280x128xf32>, vector<128x512xf32>, vector<1280x512xf32> -> vector<1280x512xf32>
    %get3A_21 = arith.constant 0 : index
    %get3A_22 = arith.constant 0 : index
    %get3A_23 = vector.load %arg3[%get3A_21, %get3A_22] : memref<1x512xf32, #tpu.memory_space<vmem>>, vector<1x512xf32>
    %add3A_24 = vector.broadcast %get3A_23 : vector<1x512xf32> to vector<1280x512xf32>
    %add3A_25 = arith.addf %dot_general3A_20, %add3A_24 : vector<1280x512xf32>
    %max3A_26 = arith.constant 0.000000e+00 : f32
    %max3A_27 = vector.broadcast %max3A_26 : f32 to vector<1280x512xf32>
    %max3A_28 = arith.maximumf %add3A_25, %max3A_27 : vector<1280x512xf32>
    %get3A_29 = arith.constant 0 : index
    %get3A_30 = arith.constant 0 : index
    %get3A_31 = vector.load %arg4[%get3A_29, %get3A_30] : memref<512x8xf32, #tpu.memory_space<vmem>>, vector<512x8xf32>
    %dot_general3A_32 = arith.constant dense<0.000000e+00> : vector<1280x8xf32>
    %dot_general3A_33 = tpu.matmul %max3A_28, %get3A_31, %dot_general3A_32 {dimension_numbers = #tpu.dot_dimension_numbers<[1], [0], [0], [1], [0, 0, 1, 1], [], []>, transpose_lhs_hint = false} : vector<1280x512xf32>, vector<512x8xf32>, vector<1280x8xf32> -> vector<1280x8xf32>
    %get3A_34 = arith.constant 0 : index
    %get3A_35 = arith.constant 0 : index
    %get3A_36 = vector.load %arg5[%get3A_34, %get3A_35] : memref<1x1xf32, #tpu.memory_space<vmem>>, vector<1x1xf32>
    %add3A_37 = vector.broadcast %get3A_36 : vector<1x1xf32> to vector<1280x8xf32>
    %add3A_38 = arith.addf %dot_general3A_33, %add3A_37 : vector<1280x8xf32>
    %swap3A = arith.constant 0 : index
    %swap3A_39 = arith.constant 0 : index
    %swap3A_40 = vector.load %arg6[%swap3A, %swap3A_39] : memref<1280x8xf32, #tpu.memory_space<vmem>>, vector<1280x8xf32>
    tpu.vector_store %arg6[%swap3A, %swap3A_39], %add3A_38 {strides = array<i32>} : memref<1280x8xf32, #tpu.memory_space<vmem>>, vector<1280x8xf32>,
    return
  }
}

</mosaic_0001>

<sc_bundles>
// kernel: kernel.10.cloned.1.call-start
scs
__scs_entry_jumppad:
0x0: {  	(pc) =	sbr.rel $0x88, $3  }
0x1: {  	(tag) =	ssettag $0x0;
	lr =	simm.s32 $0x1  }
0x2: {  	[smem:$0x3F9A] =	sst lr;
	_ =	strace $0xD0000000  }
0x3: {  	_ = 	snop  }
0x4: {  	_ = 	snop  }
0x5: {  	_ = 	snop  }
0x6: {  	_ = 	snop  }
0x7: {  	_ = 	snop  }
__scs_overlays_trampoline_lowered:
0x8: {  	[smem:$0x3FA9] =	sst s0  }
0x9: {  	[smem:$0x3FAA] =	sst s1  }
0xa: {  	[smem:$0x3FAB] =	sst s2  }
0xb: {  	[smem:$0x3FAC] =	sst s3  }
0xc: {  	[smem:$0x3FAD] =	sst s4  }
0xd: {  	[smem:$0x3FAE] =	sst s5  }
0xe: {  	[smem:$0x3FAF] =	sst s6  }
0xf: {  	[smem:$0x3FB0] =	sst s7  }
0x10: {  	[smem:$0x3FB1] =	sst s8  }
0x11: {  	[smem:$0x3FB2] =	sst s9;
	s0 =	simm.s32 @!p0 $0x0  }
0x12: {  	s1 =	sld [smem:$0x3F98];
	s0 =	simm.s32 @p0 $0x1  }
0x13: {  	[smem:$0x3FB3] =	sst s0;
	s0 =	simm.s32 @!p1 $0x0  }
0x14: {  	s2 =	sld [smem:$0x3F97];
	s0 =	simm.s32 @p1 $0x1  }
0x15: {  	[smem:$0x3FB4] =	sst s0;
	s0 =	simm.s32 @!p2 $0x0  }
0x16: {  	s3 =	sld [smem:$0x3FDB];
	s0 =	simm.s32 @p2 $0x1  }
0x17: {  	s4 =	simm.s32 $0x1BF5;
	[smem:$0x3FB6] =	sst s0  }
0x18: {  	s0 =	sld [smem:$0x3F99];
	_ =	swait.ge [sflag:s4], $0x0  }
0x19: {  	s7 =	sld [smem:$0x3F9A]  }
0x1a: {  	s8 =	sadd.s32 $0xFFFFE003, lr  }
0x1b: {  	s9 =	sadd.s32 $0xFFFFFEF7, lr;
	s5 =	simm.s32 $0xFFFFFFFF;
	p2 =	slt.u32 s8, $0xFFFFF086  }
0x1c: {  	p1 =	slt.u32 s9, $0xF7A;
	s5 =	simm.s32 @!p2 $0x0  }
0x1d: {  	s5 =	simm.s32 @p1 $0x1;
	p0 =	seq.s32 s7, s2  }
0x1e: {  	s7 =	smul.u32 @!p0 $0xF7A, s2;
	p2 =	seq.s32 @!p0 s5, $0x0  }
0x1f: {  	s9 =	smul.u32 $0xF7A, s1;
	s8 =	simm.s32 @!p0 $0x1BF5;
	p2 =	por !p2, p0  }
0x20: {  	[sflag:s8] =	ssyncset.s32 @!p0 $0xFFFFF086;
	s6 =	sadd.s32 @!p0 s3, s7;
	s7 =	simm.s32 @!p0 $0x108  }
0x21: {  	s3 =	sadd.s32 s3, s9;
	s6 =	sadd.s32 @!p0 $0x88, s6;
	s7 =	simm.s32 @p2 $0x1082  }
0x22: {  	[simem:s7], [sflag:s8] =	dma.local @!p0 [hbm:s6], $0xF7A  }
0x23: {  	s9 =	sor.u32 $0xD0000000, s2;
	s6 =	simm.s32 $0x108;
	_ =	swait.ge @!p0 [sflag:s8], $0x0  }
0x24: {  	s3 =	sadd.s32 $0x88, s3;
	s6 =	simm.s32 @!p1 $0x1082;
	[sflag:s4] =	ssyncset.s32 $0xFFFFF086  }
0x25: {  	[simem:s6], [sflag:s4] =	dma.local [hbm:s3], $0xF7A  }
0x26: {  	[smem:$0x3F9A] =	sst s1;
	(tag) =	ssettag s2;
	_ =	strace s9  }
0x27: {  	s1 =	sld [smem:$0x3FAA]  }
0x28: {  	s2 =	sld [smem:$0x3FAB]  }
0x29: {  	s4 =	sld [smem:$0x3FAD]  }
0x2a: {  	p0 =	seq.s32 s5, $0x0;
	s5 =	sld [smem:$0x3FAE]  }
0x2b: {  	s6 =	sld [smem:$0x3FAF]  }
0x2c: {  	s7 =	sld [smem:$0x3FB0]  }
0x2d: {  	s3 =	simm.s32 $0x108;
	s8 =	sld [smem:$0x3FB1]  }
0x2e: {  	s3 =	simm.s32 @!p0 $0x1082;
	s9 =	sld [smem:$0x3FB2]  }
0x2f: {  	lr =	sadd.s32 s0, s3;
	s0 =	sld [smem:$0x3FA9]  }
0x30: {  	s3 =	sld [smem:$0x3FAC]  }
0x31: {  	[smem:$0x3FB5] =	sst s10  }
0x32: {  	s10 =	sld [smem:$0x3FB3];
	_ =	sdelay $0x3  }
0x33: {  	p0 =	seq.s32 s10, $0x1;
	s10 =	sld [smem:$0x3FB5];
	_ =	sdelay $0x3  }
0x34: {  	[smem:$0x3FB5] =	sst s10  }
0x35: {  	s10 =	sld [smem:$0x3FB4];
	_ =	sdelay $0x3  }
0x36: {  	p1 =	seq.s32 s10, $0x1;
	s10 =	sld [smem:$0x3FB5];
	_ =	sdelay $0x3  }
0x37: {  	[smem:$0x3FB5] =	sst s10  }
0x38: {  	s10 =	sld [smem:$0x3FB6]  }
0x39: {  	_ = 	snop;
	(pc) =	sbr.ind lr, $3  }
0x3a: {  	_ = 	snop  }
0x3b: {  	_ = 	snop  }
0x3c: {  	p2 =	seq.s32 s10, $0x1;
	s10 =	sld [smem:$0x3FB5]  }
0x3d: {  	_ =	shalt  }
0x3e: {  	_ =	shalt  }
0x3f: {  	_ =	shalt  }
0x40: {  	_ =	shalt  }
0x41: {  	_ =	shalt  }
0x42: {  	_ =	shalt  }
0x43: {  	_ =	shalt  }
0x44: {  	_ =	shalt  }
0x45: {  	_ =	shalt  }
0x46: {  	_ =	shalt  }
0x47: {  	_ =	shalt  }
0x48: {  	_ =	shalt  }
0x49: {  	_ =	shalt  }
0x4a: {  	_ =	shalt  }
0x4b: {  	_ =	shalt  }
0x4c: {  	_ =	shalt  }
0x4d: {  	_ =	shalt  }
0x4e: {  	_ =	shalt  }
0x4f: {  	_ =	shalt  }
0x50: {  	_ =	shalt  }
0x51: {  	_ =	shalt  }
0x52: {  	_ =	shalt  }
0x53: {  	_ =	shalt  }
0x54: {  	_ =	shalt  }
0x55: {  	_ =	shalt  }
0x56: {  	_ =	shalt  }
0x57: {  	_ =	shalt  }
0x58: {  	_ =	shalt  }
0x59: {  	_ =	shalt  }
0x5a: {  	_ =	shalt  }
0x5b: {  	_ =	shalt  }
0x5c: {  	_ =	shalt  }
0x5d: {  	_ =	shalt  }
0x5e: {  	_ =	shalt  }
0x5f: {  	_ =	shalt  }
0x60: {  	_ =	shalt  }
0x61: {  	_ =	shalt  }
0x62: {  	_ =	shalt  }
0x63: {  	_ =	shalt  }
0x64: {  	_ =	shalt  }
0x65: {  	_ =	shalt  }
0x66: {  	_ =	shalt  }
0x67: {  	_ =	shalt  }
0x68: {  	_ =	shalt  }
0x69: {  	_ =	shalt  }
0x6a: {  	_ =	shalt  }
0x6b: {  	_ =	shalt  }
0x6c: {  	_ =	shalt  }
0x6d: {  	_ =	shalt  }
0x6e: {  	_ =	shalt  }
0x6f: {  	_ =	shalt  }
0x70: {  	_ =	shalt  }
0x71: {  	_ =	shalt  }
0x72: {  	_ =	shalt  }
0x73: {  	_ =	shalt  }
0x74: {  	_ =	shalt  }
0x75: {  	_ =	shalt  }
0x76: {  	_ =	shalt  }
0x77: {  	_ =	shalt  }
0x78: {  	_ =	shalt  }
0x79: {  	_ =	shalt  }
0x7a: {  	_ =	shalt  }
0x7b: {  	_ =	shalt  }
0x7c: {  	_ =	shalt  }
0x7d: {  	_ =	shalt  }
0x7e: {  	_ =	shalt  }
0x7f: {  	_ =	shalt  }
0x80: {  	_ =	shalt  }
0x81: {  	_ =	shalt  }
0x82: {  	_ =	shalt  }
0x83: {  	_ =	shalt  }
0x84: {  	_ =	shalt  }
0x85: {  	_ =	shalt  }
0x86: {  	_ =	shalt  }
0x87: {  	_ =	shalt  }
.Lfunc_end0:
.L_simem_size_0:
called_computation.1_lowered:
.L_overlay_start_0:
0x88: {  	s2 =	sld [smem:$0x3FD9]  }
0x89: {  	s3 =	sld [smem:$0x3FFE];
	_ =	sdelay $0x1  }
0x8a: {  	s1 =	srdreg.scid  }
0x8b: {  	s0 =	sand.u32 $0x1, s1  }
0x8c: {  	s16 =	sshll.u32 s0, $0xA;
	s2 =	sadd.s32 s3, s2  }
0x8d: {  	s2 =	sadd.s32 s2, s16  }
0x8e: {  	[smem:$0x3FC1] =	sst s2  }
0x8f: {  	_ = 	snop  }
0x90: {  	(tm) =	ssettm $0x1  }
0x91: {  	s17 =	sld [smem:$0x3FFB];
	_ =	sdelay $0x3  }
0x92: {  	_ =	strace s17  }
0x93: {  	s2 =	sld [smem:$0x3FFC];
	_ =	sdelay $0x3  }
0x94: {  	_ =	strace s2  }
0x95: {  	s2 =	sld [smem:$0x3FFD];
	_ =	sdelay $0x3  }
0x96: {  	_ =	strace s2  }
0x97: {  	_ =	strace $0x8FFFFFFF  }
0x98: {  	s18 =	sld [smem:$0x3FDB];
	_ =	sdelay $0x1  }
0x99: {  	s19 =	simm.s32 $_scs_section_size  }
0x9a: {  	s4 =	simm.s32 $_size__tile_overlayer_lowered;
	s5 =	simm.s32 $_tile_overlayer_lowered  }
0x9b: {  	s22 =	simm.s32 $0x1BFF;
	s21 =	sshll.u32 s5, $0x1;
	s2 =	sadd.s32 s19, s18  }
0x9c: {  	s6 =	simm.s32 $0x0;
	s20 =	sshll.u32 s4, $0x1;
	s4 =	sadd.s32 s21, s2  }
0x9d: {  	[timem:s6], [sflag:s22] =	dma.local [hbm:s4], s20  }
0x9e: {  	_ =	swait.ge [sflag:s22], s20  }
0x9f: {  	s3 =	ssub.s32 $0x0, s20;
	[sflag:s22] =	ssyncset.done $0x0  }
0xa0: {  	[sflag:s22] =	ssyncadd.s32 s3;
	_ =	sdelay $0x1  }
0xa1: {  	s23 =	simm.s32 $0x1B8B  }
0xa2: {  	_ =	swait.ge [sflag:s23], $0x1  }
0xa3: {  	[sflag:s23] =	ssyncset.done $0x0  }
0xa4: {  	s25 =	simm.s32 $0x1B8E;
	s24 =	sld [smem:$0x3FFE];
	[sflag:s23] =	ssyncadd.s32 $0xFFFFFFFF  }
0xa5: {  	s26 =	simm.s32 $execute0_lowered;
	[smem:$0x3FD2] =	sst s25  }
0xa6: {  	s4 =	sshll.u32 s26, $0x1;
	_ =	strace $0x80000049;
	[dreg:$0x1] =	wrdreg $0xFFFFFFFF  }
0xa7: {  	s28 =	simm.s32 $_size_execute0_lowered;
	s2 =	sadd.s32 s2, s4;
	[dreg:$0x0] =	wrdreg $0x0  }
0xa8: {  	s4 =	sshll.u32 s28, $0x1;
	[dreg:$0x2] =	wrdreg s2  }
0xa9: {  	[dreg:$0x3] =	wrdreg s4  }
0xaa: {  	[dreg:$0x4] =	wrdreg $0xC0  }
0xab: {  	_ =	task [dreg:s6], $0x5FFFF  }
0xac: {  	[dreg:$0x1] =	wrdreg $0xFFFFFFFF  }
0xad: {  	[dreg:$0x0] =	wrdreg $0x60  }
0xae: {  	[dreg:$0x2] =	wrdreg s24  }
0xaf: {  	[dreg:$0x3] =	wrdreg $0xBF000  }
0xb0: {  	[dreg:$0x4] =	wrdreg $0x97000  }
0xb1: {  	[dreg:$0x5] =	wrdreg $0x9  }
0xb2: {  	_ =	task.clear_ibuf [dreg:s6], $0x6FFFF;
	_ =	strace $0x90000049  }
0xb3: {  	s29 =	simm.s32 $0x9;
	_ =	strace $0x8000004B  }
0xb4: {  	_ =	swait.ge [sflag:s29], $0x1  }
0xb5: {  	[sflag:s29] =	ssyncadd.s32 $0xFFFFFFFF  }
0xb6: {  	_ =	strace $0x9000004B  }
0xb7: {  	_ =	sfence  }
0xb8: {  	s30 =	sld [smem:$0x0];
	_ =	sdelay $0x2  }
0xb9: {  	s31 =	sshll.u32 s1, $0xD;
	s1 =	sshrl.u32 s1, $0x2  }
0xba: {  	s3 =	sand.u32 $0x4000, s31;
	s1 =	sadd.s32 s1, s30  }
0xbb: {  	s0 =	sor.u32 s3, s0;
	s1 =	sshll.u32 s1, $0x11  }
0xbc: {  	s0 =	sor.u32 s1, s0  }
0xbd: {  	s0 =	sadd.s32 $0x8F2B, s0  }
0xbe: {  	[sflag:s0] =	ssyncadd.remote.s32 $0x1  }
0xbf: {  	_ =	sfence.sel $0xFFFF  }
0xc0: {  	[dreg:$0x0] =	wrdreg $0xFFFFFFFF;
	(pc) =	sbr.abs _section_cstart, $3  }
0xc1: {  	[dreg:$0x1] =	wrdreg $0xFFFFFFFF  }
0xc2: {  	_ =	task.clear_ibuf [dreg:s6], $0x2FFFF;
	_ =	strace $0x9FFFFFFF  }
0xc3: {  	(tm) =	ssettm $0x7FFFFFFF  }
tec
execute0_lowered:
.L_overlay_start_1:
0x0: {  	(tag) =	ssettag $0x1  }
0x1: {  	s0 =	rddreg [dreg:$0x0]  }
0x2: {  	s11 =	stileid.u32;
	s2 =	rddreg [dreg:$0x1]  }
0x3: {  	s1 =	srdreg.scid;
	s3 =	rddreg [dreg:$0x2];
	s6 =	simm.s32 $0x0  }
0x4: {  	s28 =	simm.s32 $0x4F00;
	s1 =	sand.u32 $0x1, s1;
	s5 =	smul.u32 $0x2800, s11  }
0x5: {  	s4 =	sshll.u32 s11, $0x1;
	[smem:$0x7FF] =	sst s6;
	s21 =	smul.u32 $0x280, s11  }
0x6: {  	s22 =	smul.u32 $0xA000, s11;
	s11 =	sshll.u32 s11, $0x6;
	s4 =	sor.u32 s1, s4  }
0x7: {  	_ =	strace $0x8000004A;
	s9 =	ssub.s32 $0x2, s1;
	s23 =	smul.u32 $0x2800, s1  }
0x8: {  	[dreg:$0x7] =	wrdreg s11;
	s11 =	sor.u32 $0x1C03, s11;
	p5 =	sne.s32 s1, $0x0  }
0x9: {  	s4 =	smul.u32 $0x9C4, s4;
	s19 =	sshrl.u32 s5, $0x3;
	s10 =	sshrl.u32 s9, $0x1  }
0xa: {  	[dreg:$0x8] =	wrdreg s11;
	s24 =	sadd.s32 $0x80, s21;
	s29 =	sadd.s32 $0x100, s21  }
0xb: {  	s30 =	sadd.s32 $0x180, s21;
	s11 =	simm.s32 $0x6F00;
	s6 =	sadd.s32 s19, s0  }
0xc: {  	s9 =	ssub.s32 s9, s10;
	s10 =	sshrl.u32 s22, $0x2;
	s25 =	sadd.s32 s23, s21  }
0xd: {  	s12 =	sadd.s32 s23, s24;
	s31 =	sadd.s32 s23, s29;
	s13 =	sadd.s32 s23, s30  }
0xe: {  	s17 =	sshll.u32 s24, $0x4;
	s19 =	sshll.u32 s29, $0x4;
	s7 =	sshrl.u32 s4, $0x5  }
0xf: {  	s4 =	sadd.s32 $0x9C4, s4;
	s14 =	sadd.s32 s10, s3;
	s10 =	sshll.u32 s25, $0x1  }
0x10: {  	s12 =	sshll.u32 s12, $0x1;
	s9 =	smax.u32 s9, $0x1;
	s13 =	sshll.u32 s13, $0x1  }
0x11: {  	s8 =	sshll.u32 s7, $0x4;
	s4 =	sshrl.u32 s4, $0x5;
	[dreg:$0xb] =	wrdreg s9  }
0x12: {  	s15 =	sadd.s32 $0x800, s14;
	s16 =	sadd.s32 $0x1000, s14;
	[dreg:$0x9] =	wrdreg s14  }
0x13: {  	s18 =	sadd.s32 $0x1800, s14;
	s9 =	simm.s32 $0x8;
	[dreg:$0x10] =	wrdreg s15  }
0x14: {  	s8 =	sadd.s32 s8, s0;
	s0 =	sadd.s32 $0x1A800, s0;
	[dreg:$0x11] =	wrdreg s16  }
0x15: {  	s4 =	ssub.s32 s4, s7;
	s7 =	sadd.s32 $0x200, s21;
	[dreg:$0x12] =	wrdreg s18  }
0x16: {  	s21 =	sshll.u32 s30, $0x4;
	s18 =	simm.s32 $0x4;
	s15 =	simm.s32 $0x7F00  }
0x17: {  	s16 =	simm.s32 $0xB;
	s20 =	sadd.s32 $0x1E00, s8;
	s8 =	sadd.s32 $0xBA40, s8  }
0x18: {  	s10 =	sadd.s32 s0, s10;
	s26 =	sadd.s32 s0, s12;
	s12 =	sshll.u32 s31, $0x1  }
0x19: {  	s13 =	sadd.s32 s0, s13;
	p4 =	seq.s32 s4, $0x49;
	p6 =	slt.u32 s4, $0x4D  }
0x1a: {  	p1 =	slt.s32 s4, $0x49;
	s22 =	sshll.u32 s7, $0x4;
	[dreg:$0x4] =	wrdreg s20  }
0x1b: {  	s31 =	sadd.s32 $0x2000, s14;
	s14 =	simm.s32 $0xA;
	[dreg:$0x5] =	wrdreg s8  }
0x1c: {  	s8 =	sadd.s32 s5, s2;
	s20 =	sadd.s32 $0x15800, s6;
	[dreg:$0xa] =	wrdreg s10  }
0x1d: {  	s5 =	sadd.s32 s5, s3;
	[dreg:$0xc] =	wrdreg s26;
	s6 =	sadd.s32 s23, s7  }
0x1e: {  	s12 =	sadd.s32 s0, s12;
	[dreg:$0xe] =	wrdreg s13;
	p0 =	slt.u32 @!p4 s4, $0x4B  }
0x1f: {  	s1 =	simm.s32 @!p1 $0x0;
	[dreg:$0x19] =	wrdreg s31;
	s13 =	simm.s32 $0x7700  }
0x20: {  	s6 =	sshll.u32 s6, $0x1;
	[dreg:$0xd] =	wrdreg s12;
	p2 =	por p4, p0  }
0x21: {  	p0 =	seq.s32 @!p6 s4, $0x4D;
	s1 =	simm.s32 @p1 $0x1;
	[dreg:$0x6] =	wrdreg s20  }
0x22: {  	s23 =	sshrl.u32 s8, $0x3;
	s5 =	sshrl.u32 s5, $0x3;
	[smem:$0x7F2] =	sst s1  }
0x23: {  	s12 =	simm.s32 $0x9;
	s8 =	simm.s32 $0x0;
	[dreg:$0x13] =	wrdreg s23  }
0x24: {  	s0 =	sadd.s32 s0, s6;
	p1 =	seq.s32 @!p2 s4, $0x4B;
	[dreg:$0x14] =	wrdreg s5  }
0x25: {  	s6 =	sadd.s32 s22, s3;
	s23 =	simm.s32 $0x14;
	[dreg:$0xf] =	wrdreg s0  }
0x26: {  	s1 =	simm.s32 @!p1 $0x0;
	s0 =	sadd.s32 s17, s3;
	s30 =	sshrl.u32 s6, $0x3  }
0x27: {  	s17 =	simm.s32 $0x8700;
	s1 =	simm.s32 @p1 $0x1;
	p1 =	por p0, p6  }
0x28: {  	s0 =	sshrl.u32 s0, $0x3;
	[smem:$0x7F4] =	sst s1;
	s1 =	simm.s32 @!p1 $0x0  }
0x29: {  	[dreg:$0x18] =	wrdreg s30;
	s1 =	simm.s32 @p1 $0x1;
	p1 =	slt.u32 @!p1 s4, $0x4F  }
0x2a: {  	s6 =	simm.s32 $0x6700;
	[dreg:$0x15] =	wrdreg s0;
	p3 =	por @!p6 p1, p0  }
0x2b: {  	s0 =	simm.s32 $0x80;
	s24 =	sld [smem:$0x7F4];
	s5 =	simm.s32 @!p3 $0x0  }
0x2c: {  	s4 =	sadd.s32 s21, s3;
	[smem:$0x7F3] =	sst s1;
	s5 =	simm.s32 @p3 $0x1  }
0x2d: {  	s21 =	simm.s32 $0x5700;
	s1 =	sadd.s32 s19, s3;
	[smem:$0x7F6] =	sst s5  }
0x2e: {  	p1 =	por @!p6 !p1, p0;
	p3 =	seq.s32 s24, $0x1;
	s25 =	sld [smem:$0x7F6]  }
0x2f: {  	p0 =	por !p0, p6;
	s29 =	sshrl.u32 s4, $0x3;
	p3 =	por p2, p3  }
0x30: {  	s19 =	simm.s32 $0x5;
	s4 =	simm.s32 $0x5F00;
	s5 =	simm.s32 @!p3 $0x0  }
0x31: {  	s26 =	sshrl.u32 s1, $0x3;
	s5 =	simm.s32 @p3 $0x1;
	p3 =	seq.s32 s25, $0x1  }
0x32: {  	[dreg:$0x17] =	wrdreg s29;
	s1 =	simm.s32 @!p5 $0x0;
	p3 =	por p3, p6  }
0x33: {  	s1 =	simm.s32 @p5 $0x1;
	[smem:$0x7F5] =	sst s5;
	s5 =	simm.s32 @!p3 $0x0  }
0x34: {  	p1 =	por !p1, p6;
	[smem:$0x7FB] =	sst s1;
	s5 =	simm.s32 @p3 $0x1  }
0x35: {  	s1 =	simm.s32 @!p2 $0x0;
	[smem:$0x7F7] =	sst s5;
	s5 =	simm.s32 @!p1 $0x0  }
0x36: {  	[dreg:$0x16] =	wrdreg s26;
	s1 =	simm.s32 @p2 $0x1;
	s5 =	simm.s32 @p1 $0x1  }
.Ltmp0:
0x37: {  	[smem:$0x7F8] =	sst s5;
	s5 =	simm.s32 @!p6 $0x0;
	(pc) =	sbr.rel .LBB2_1-.Ltmp0, $4  }
0x38: {  	[smem:$0x7FC] =	sst s1;
	s1 =	simm.s32 @!p4 $0x0;
	s5 =	simm.s32 @p6 $0x1  }
0x39: {  	s1 =	simm.s32 @p4 $0x1;
	[smem:$0x7F9] =	sst s5;
	s5 =	simm.s32 @!p0 $0x0  }
0x3a: {  	s26 =	simm.s32 $0x6;
	[smem:$0x7FD] =	sst s1;
	s5 =	simm.s32 @p0 $0x1  }
0x3b: {  	v0 =	vimm.f32 $0.0e+00;
	p1 =	por p4, p4;
	[smem:$0x7FA] =	sst s5;
	s5 =	simm.s32 $0x7  }
.LBB2_23:
0x3c: {  	_ =	swait.ge [sflag:s14], $0x800  }
0x3d: {  	[sflag:s14] =	ssyncset.done $0x0  }
0x3e: {  	s1 =	simm.s32 $0x4E80;
	[sflag:s14] =	ssyncadd.s32 $0xFFFFF800  }
0x3f: {  	[spmem:s3] =	stream.indirect.scatter.add.f32 [tilespmem:s15], [sflag:$0x12], $0x10, s1, s0, $0xb8;
	[tilespmem:$0xE700] =	vst v63  }
.LBB2_24:
0x40: {  	s1 =	simm.s32 $0xC  }
0x41: {  	_ =	swait.ge [sflag:s1], $0x800  }
0x42: {  	[sflag:s1] =	ssyncset.done $0x0  }
0x43: {  	s30 =	simm.s32 $0xD;
	[sflag:s1] =	ssyncadd.s32 $0xFFFFF800  }
0x44: {  	_ =	swait.ge [sflag:s30], $0x800  }
0x45: {  	[sflag:s30] =	ssyncset.done $0x0  }
0x46: {  	s31 =	simm.s32 $0xE;
	[sflag:s30] =	ssyncadd.s32 $0xFFFFF800  }
0x47: {  	_ =	swait.ge [sflag:s31], $0x800  }
0x48: {  	[sflag:s31] =	ssyncset.done $0x0  }
0x49: {  	s7 =	simm.s32 $0xF;
	[sflag:s31] =	ssyncadd.s32 $0xFFFFF800  }
0x4a: {  	_ =	swait.ge [sflag:s7], $0x800  }
0x4b: {  	[sflag:s7] =	ssyncset.done $0x0  }
0x4c: {  	s10 =	simm.s32 $0x10;
	[sflag:s7] =	ssyncadd.s32 $0xFFFFF800  }
0x4d: {  	_ =	swait.ge [sflag:s10], $0x800  }
0x4e: {  	[sflag:s10] =	ssyncset.done $0x0  }
0x4f: {  	s22 =	simm.s32 $0x11;
	[sflag:s10] =	ssyncadd.s32 $0xFFFFF800  }
0x50: {  	_ =	swait.ge [sflag:s22], $0x800  }
0x51: {  	[sflag:s22] =	ssyncset.done $0x0  }
0x52: {  	s24 =	simm.s32 $0x12;
	[sflag:s22] =	ssyncadd.s32 $0xFFFFF800  }
0x53: {  	_ =	swait.ge [sflag:s24], $0x800  }
0x54: {  	[sflag:s24] =	ssyncset.done $0x0  }
0x55: {  	s25 =	simm.s32 $0x13;
	[sflag:s24] =	ssyncadd.s32 $0xFFFFF800  }
0x56: {  	_ =	swait.ge [sflag:s25], $0x800  }
0x57: {  	[sflag:s25] =	ssyncset.done $0x0  }
0x58: {  	[sflag:s25] =	ssyncadd.s32 $0xFFFFF800  }
0x59: {  	[bflag:$0x0] =	sbarrier.arrive $0xFFFF  }
0x5a: {  	s29 =	rddreg [dreg:$0x9]  }
0x5b: {  	s7 =	rddreg [dreg:$0xa]  }
0x5c: {  	s10 =	rddreg [dreg:$0x1b];
	s1 =	sshrl.u32 s29, $0x3  }
0x5d: {  	[hbm:s7], [sflag:s10] =	dma.local [spmem:s1], $0x100  }
0x5e: {  	_ =	swait.ge [sflag:s23], $0x100  }
0x5f: {  	[sflag:s23] =	ssyncset.done $0x0;
	s30 =	rddreg [dreg:$0xc]  }
0x60: {  	s31 =	rddreg [dreg:$0x15];
	[sflag:s23] =	ssyncadd.s32 $0xFFFFFF00  }
0x61: {  	[hbm:s30], [sflag:s10] =	dma.local [spmem:s31], $0x100  }
0x62: {  	_ =	swait.ge [sflag:s23], $0x100  }
0x63: {  	[sflag:s23] =	ssyncset.done $0x0;
	s7 =	rddreg [dreg:$0xd]  }
0x64: {  	s22 =	rddreg [dreg:$0x16];
	[sflag:s23] =	ssyncadd.s32 $0xFFFFFF00  }
0x65: {  	[hbm:s7], [sflag:s10] =	dma.local [spmem:s22], $0x100  }
0x66: {  	_ =	swait.ge [sflag:s23], $0x100  }
0x67: {  	[sflag:s23] =	ssyncset.done $0x0;
	s24 =	rddreg [dreg:$0xe]  }
0x68: {  	s25 =	rddreg [dreg:$0x17];
	[sflag:s23] =	ssyncadd.s32 $0xFFFFFF00  }
0x69: {  	[hbm:s24], [sflag:s10] =	dma.local [spmem:s25], $0x100  }
0x6a: {  	_ =	swait.ge [sflag:s23], $0x100  }
0x6b: {  	[sflag:s23] =	ssyncset.done $0x0;
	s29 =	rddreg [dreg:$0xf]  }
0x6c: {  	s30 =	rddreg [dreg:$0x18];
	[sflag:s23] =	ssyncadd.s32 $0xFFFFFF00  }
0x6d: {  	[hbm:s29], [sflag:s10] =	dma.local [spmem:s30], $0x100  }
0x6e: {  	_ =	swait.ge [sflag:s23], $0x100  }
0x6f: {  	s8 =	sadd.s32 $0x1, s8;
	s31 =	rddreg [dreg:$0xb]  }
0x70: {  	p0 =	sne.s32 s8, s31  }
.Ltmp1:
0x71: {  	_ = 	snop;
	(pc) =	sbr.rel @!p0 .LBB2_25-.Ltmp1, $3  }
0x72: {  	_ =	sdelay $0x1  }
0x73: {  	[sflag:s23] =	ssyncset.done $0x0  }
0x74: {  	[sflag:s23] =	ssyncadd.s32 $0xFFFFFF00  }
.LBB2_1:
0x75: {  	[dreg:$0x1a] =	wrdreg s8  }
0x76: {  	s7 =	rddreg [dreg:$0x4]  }
0x77: {  	s1 =	simm.s32 $0x0;
	s25 =	rddreg [dreg:$0x5]  }
0x78: {  	[tilespmem:s1], [sflag:$0x1] =	stream.linear.gather [hbm4b:s7+s1], $0x2780, $0x38;
	[tilespmem:$0xE700] =	vst v63  }
0x79: {  	s29 =	simm.s32 $0x2780;
	s30 =	rddreg [dreg:$0x8]  }
0x7a: {  	[tilespmem:s29], [sflag:$0x2] =	stream.linear.gather [hbm4b:s25+s1], $0x2780, $0x38;
	[tilespmem:$0xE700] =	vst v63  }
.Ltmp2:
0x7b: {  	s31 =	rddreg [dreg:$0x13];
	(pc) =	sbr.rel @p5 .LBB2_3-.Ltmp2, $4  }
0x7c: {  	[spmem:s31], [sflag:s30] =	dma.local [hbm:s20], $0x500  }
0x7d: {  	s1 =	rddreg [dreg:$0x7]  }
0x7e: {  	s7 =	sor.u32 $0x1C14, s1  }
0x7f: {  	[dreg:$0x1b] =	wrdreg s7  }
.Ltmp3:
0x80: {  	s1 =	rddreg [dreg:$0x14];
	(pc) =	sbr.rel .LBB2_6-.Ltmp3, $4  }
0x81: {  	[spmem:s1], [sflag:s7] =	dma.local [hbm:s20], $0x500  }
0x82: {  	_ =	swait.ge [sflag:s23], $0x500  }
0x83: {  	[sflag:s23] =	ssyncset.done $0x0  }
0x84: {  	[sflag:s23] =	ssyncadd.s32 $0xFFFFFB00  }
.LBB2_3:
0x85: {  	s10 =	simm.s32 $0x40;
	s22 =	simm.s32 $0x0  }
.LBB2_4:
0x86: {  	p0 =	seq.s32 s10, $0x1FC0;
	[tilespmem:s22+$0x8F00] =	vst v0;
	s22 =	smov.u32 s10;
	s10 =	sadd.s32 $0x40, s10  }
.Ltmp4:
0x87: {  	(pc) =	sbr.rel @!p0 .LBB2_4-.Ltmp4, $2  }
0x88: {  	_ =	sdelay $0x2  }
0x89: {  	s22 =	sshra.s32 s22, $0x2  }
0x8a: {  	[tilespmem:s22+$0x8F00] =	vst v0;
	s1 =	rddreg [dreg:$0x9];
	s7 =	simm.s32 $0x8F00  }
0x8b: {  	[spmem:s1] =	stream.linear.scatter [tilespmem:s7], [sflag:$0x14], $0x800, $0x38;
	[tilespmem:$0xE700] =	vst v63  }
0x8c: {  	_ =	swait.ge [sflag:s23], $0x800  }
0x8d: {  	[sflag:s23] =	ssyncset.done $0x0  }
0x8e: {  	s25 =	rddreg [dreg:$0x10];
	[sflag:s23] =	ssyncadd.s32 $0xFFFFF800  }
0x8f: {  	[spmem:s25] =	stream.linear.scatter [tilespmem:s7], [sflag:$0x14], $0x800, $0x38;
	[tilespmem:$0xE700] =	vst v63  }
0x90: {  	_ =	swait.ge [sflag:s23], $0x800  }
0x91: {  	[sflag:s23] =	ssyncset.done $0x0  }
0x92: {  	s29 =	rddreg [dreg:$0x11];
	[sflag:s23] =	ssyncadd.s32 $0xFFFFF800  }
0x93: {  	[spmem:s29] =	stream.linear.scatter [tilespmem:s7], [sflag:$0x14], $0x800, $0x38;
	[tilespmem:$0xE700] =	vst v63  }
0x94: {  	_ =	swait.ge [sflag:s23], $0x800  }
0x95: {  	[sflag:s23] =	ssyncset.done $0x0  }
0x96: {  	s30 =	rddreg [dreg:$0x12];
	[sflag:s23] =	ssyncadd.s32 $0xFFFFF800  }
0x97: {  	[spmem:s30] =	stream.linear.scatter [tilespmem:s7], [sflag:$0x14], $0x800, $0x38;
	[tilespmem:$0xE700] =	vst v63  }
0x98: {  	_ =	swait.ge [sflag:s23], $0x800  }
0x99: {  	[sflag:s23] =	ssyncset.done $0x0  }
0x9a: {  	s31 =	rddreg [dreg:$0x19];
	[sflag:s23] =	ssyncadd.s32 $0xFFFFF800  }
0x9b: {  	[spmem:s31] =	stream.linear.scatter [tilespmem:s7], [sflag:$0x14], $0x800, $0x38;
	[tilespmem:$0xE700] =	vst v63  }
0x9c: {  	_ =	swait.ge [sflag:s23], $0x800  }
0x9d: {  	[sflag:s23] =	ssyncset.done $0x0  }
0x9e: {  	[sflag:s23] =	ssyncadd.s32 $0xFFFFF800  }
.LBB2_6:
0x9f: {  	s1 =	simm.s32 $0x3  }
0xa0: {  	_ =	swait.ge [sflag:s1], $0x500  }
0xa1: {  	[sflag:s1] =	ssyncset.done $0x0  }
0xa2: {  	[sflag:s1] =	ssyncadd.s32 $0xFFFFFB00  }
0xa3: {  	s29 =	simm.s32 $0x1;
	[bflag:$0x0] =	sbarrier.arrive $0xFFFF  }
0xa4: {  	_ =	swait.ge [sflag:s29], $0x2780  }
0xa5: {  	[sflag:s29] =	ssyncset.done $0x0  }
0xa6: {  	s30 =	simm.s32 $0x2;
	[sflag:s29] =	ssyncadd.s32 $0xFFFFD880  }
0xa7: {  	_ =	swait.ge [sflag:s30], $0x2780  }
0xa8: {  	p0 =	por $0x0, $0x0;
	[sflag:s30] =	ssyncset.done $0x0  }
0xa9: {  	s10 =	simm.s32 @p0 $0xC;
	[sflag:s30] =	ssyncadd.s32 $0xFFFFD880  }
0xaa: {  	_ =	swait.ge @p0 [sflag:s10], $0x800  }
0xab: {  	s22 =	simm.s32 @p0 $0x4F00;
	s23 =	simm.s32 @p0 $0xD;
	[sflag:s10] =	ssyncset.done @p0 $0x0  }
0xac: {  	s24 =	simm.s32 @p0 $0x80;
	[sflag:s10] =	ssyncadd.s32 @p0 $0xFFFFF800;
	s10 =	simm.s32 @p0 $0x0  }
0xad: {  	[tilespmem:s22], [sflag:$0x4] =	stream.indirect.gather @p0 [spmem:s2], $0x10, s10, s24, $0xb8;
	[tilespmem:$0xE700] =	vst v63  }
0xae: {  	_ =	swait.ge @p0 [sflag:s23], $0x800  }
0xaf: {  	s10 =	simm.s32 @p0 $0x80;
	[sflag:s23] =	ssyncset.done @p0 $0x0  }
0xb0: {  	s22 =	simm.s32 @p0 $0x5700;
	[sflag:s23] =	ssyncadd.s32 @p0 $0xFFFFF800;
	s23 =	simm.s32 @p0 $0xE  }
0xb1: {  	[tilespmem:s22], [sflag:$0x5] =	stream.indirect.gather @p0 [spmem:s2], $0x10, s10, s24, $0xb8;
	[tilespmem:$0xE700] =	vst v63  }
0xb2: {  	_ =	swait.ge @p0 [sflag:s23], $0x800  }
0xb3: {  	s10 =	simm.s32 @p0 $0x100;
	[sflag:s23] =	ssyncset.done @p0 $0x0  }
0xb4: {  	s22 =	simm.s32 @p0 $0x5F00;
	[sflag:s23] =	ssyncadd.s32 @p0 $0xFFFFF800;
	s23 =	simm.s32 @p0 $0xF  }
0xb5: {  	[tilespmem:s22], [sflag:$0x6] =	stream.indirect.gather @p0 [spmem:s2], $0x10, s10, s24, $0xb8;
	[tilespmem:$0xE700] =	vst v63  }
0xb6: {  	_ =	swait.ge @p0 [sflag:s23], $0x800  }
0xb7: {  	s10 =	simm.s32 @p0 $0x180;
	[sflag:s23] =	ssyncset.done @p0 $0x0  }
0xb8: {  	s22 =	simm.s32 @p0 $0x6700;
	[sflag:s23] =	ssyncadd.s32 @p0 $0xFFFFF800;
	s23 =	simm.s32 @p0 $0x10  }
0xb9: {  	[tilespmem:s22], [sflag:$0x7] =	stream.indirect.gather @p0 [spmem:s2], $0x10, s10, s24, $0xb8;
	[tilespmem:$0xE700] =	vst v63  }
0xba: {  	_ =	swait.ge @p0 [sflag:s23], $0x800  }
0xbb: {  	s10 =	simm.s32 @p0 $0x200;
	[sflag:s23] =	ssyncset.done @p0 $0x0  }
0xbc: {  	s22 =	simm.s32 @p0 $0x6F00;
	[sflag:s23] =	ssyncadd.s32 @p0 $0xFFFFF800;
	s23 =	simm.s32 @p0 $0x11  }
0xbd: {  	[tilespmem:s22], [sflag:$0x8] =	stream.indirect.gather @p0 [spmem:s2], $0x10, s10, s24, $0xb8;
	[tilespmem:$0xE700] =	vst v63  }
0xbe: {  	_ =	swait.ge @p0 [sflag:s23], $0x800  }
0xbf: {  	s10 =	simm.s32 @p0 $0x280;
	[sflag:s23] =	ssyncset.done @p0 $0x0  }
0xc0: {  	s22 =	simm.s32 @p0 $0x7700;
	[sflag:s23] =	ssyncadd.s32 @p0 $0xFFFFF800;
	s23 =	simm.s32 @p0 $0x12  }
0xc1: {  	[tilespmem:s22], [sflag:$0x9] =	stream.indirect.gather @p0 [spmem:s2], $0x10, s10, s24, $0xb8;
	[tilespmem:$0xE700] =	vst v63  }
0xc2: {  	_ =	swait.ge @p0 [sflag:s23], $0x800  }
0xc3: {  	s10 =	simm.s32 @p0 $0x300;
	[sflag:s23] =	ssyncset.done @p0 $0x0  }
0xc4: {  	s22 =	simm.s32 @p0 $0x7F00;
	[sflag:s23] =	ssyncadd.s32 @p0 $0xFFFFF800;
	s23 =	simm.s32 @p0 $0x13  }
0xc5: {  	[tilespmem:s22], [sflag:$0xA] =	stream.indirect.gather @p0 [spmem:s2], $0x10, s10, s24, $0xb8;
	[tilespmem:$0xE700] =	vst v63  }
0xc6: {  	_ =	swait.ge @p0 [sflag:s23], $0x800  }
0xc7: {  	s10 =	simm.s32 @!p0 $0x4F00;
	[sflag:s23] =	ssyncset.done @p0 $0x0  }
0xc8: {  	s22 =	simm.s32 @!p0 $0x0;
	[sflag:s23] =	ssyncadd.s32 @p0 $0xFFFFF800;
	s23 =	simm.s32 @!p0 $0x80  }
0xc9: {  	[tilespmem:s10], [sflag:$0x4] =	stream.indirect.gather @!p0 [spmem:s2], $0x10, s22, s23, $0xb8;
	[tilespmem:$0xE700] =	vst v63  }
0xca: {  	s10 =	simm.s32 @!p0 $0x5700  }
0xcb: {  	[tilespmem:s10], [sflag:$0x5] =	stream.indirect.gather @!p0 [spmem:s2], $0x10, s23, s23, $0xb8;
	[tilespmem:$0xE700] =	vst v63  }
0xcc: {  	s22 =	simm.s32 @!p0 $0x5F00;
	s10 =	simm.s32 @!p0 $0x100  }
0xcd: {  	[tilespmem:s22], [sflag:$0x6] =	stream.indirect.gather @!p0 [spmem:s2], $0x10, s10, s23, $0xb8;
	[tilespmem:$0xE700] =	vst v63  }
0xce: {  	s10 =	simm.s32 @!p0 $0x180;
	s22 =	simm.s32 @!p0 $0x6700  }
0xcf: {  	[tilespmem:s22], [sflag:$0x7] =	stream.indirect.gather @!p0 [spmem:s2], $0x10, s10, s23, $0xb8;
	[tilespmem:$0xE700] =	vst v63  }
0xd0: {  	s10 =	simm.s32 @!p0 $0x200;
	s22 =	simm.s32 @!p0 $0x6F00  }
0xd1: {  	[tilespmem:s22], [sflag:$0x8] =	stream.indirect.gather @!p0 [spmem:s2], $0x10, s10, s23, $0xb8;
	[tilespmem:$0xE700] =	vst v63  }
0xd2: {  	s10 =	simm.s32 @!p0 $0x280;
	s22 =	simm.s32 @!p0 $0x7700  }
0xd3: {  	[tilespmem:s22], [sflag:$0x9] =	stream.indirect.gather @!p0 [spmem:s2], $0x10, s10, s23, $0xb8;
	[tilespmem:$0xE700] =	vst v63  }
0xd4: {  	s24 =	simm.s32 @!p0 $0x7F00;
	s10 =	simm.s32 $0x380;
	s22 =	simm.s32 @!p0 $0x300  }
0xd5: {  	[tilespmem:s24], [sflag:$0xA] =	stream.indirect.gather @!p0 [spmem:s2], $0x10, s22, s23, $0xb8;
	[tilespmem:$0xE700] =	vst v63  }
0xd6: {  	s10 =	simm.s32 @!p0 $0x380  }
0xd7: {  	[tilespmem:s17], [sflag:$0xB] =	stream.indirect.gather [spmem:s2], $0x10, s10, s0, $0xb8;
	[tilespmem:$0xE700] =	vst v63  }
0xd8: {  	_ =	swait.ge [sflag:s18], $0x800  }
0xd9: {  	[sflag:s18] =	ssyncset.done $0x0  }
0xda: {  	s31 =	simm.s32 $0x2780;
	[sflag:s18] =	ssyncadd.s32 $0xFFFFF800  }
0xdb: {  	[spmem:s3] =	stream.indirect.scatter.add.f32 [tilespmem:s28], [sflag:$0xC], $0x10, s31, s0, $0xb8;
	[tilespmem:$0xE700] =	vst v63  }
0xdc: {  	s22 =	simm.s32 @p0 $0x80;
	_ =	swait.ge [sflag:s19], $0x800  }
0xdd: {  	s22 =	simm.s32 @!p0 $0x80;
	[sflag:s19] =	ssyncset.done $0x0  }
0xde: {  	s22 =	sadd.s32 $0x2780, s22;
	[sflag:s19] =	ssyncadd.s32 $0xFFFFF800  }
0xdf: {  	[spmem:s3] =	stream.indirect.scatter.add.f32 [tilespmem:s21], [sflag:$0xD], $0x10, s22, s0, $0xb8;
	[tilespmem:$0xE700] =	vst v63  }
0xe0: {  	s22 =	simm.s32 @p0 $0x100;
	_ =	swait.ge [sflag:s26], $0x800  }
0xe1: {  	s22 =	simm.s32 @!p0 $0x100;
	[sflag:s26] =	ssyncset.done $0x0  }
0xe2: {  	s22 =	sadd.s32 $0x2780, s22;
	[sflag:s26] =	ssyncadd.s32 $0xFFFFF800  }
0xe3: {  	[spmem:s3] =	stream.indirect.scatter.add.f32 [tilespmem:s4], [sflag:$0xE], $0x10, s22, s0, $0xb8;
	[tilespmem:$0xE700] =	vst v63  }
0xe4: {  	s22 =	simm.s32 @p0 $0x180;
	_ =	swait.ge [sflag:s5], $0x800  }
0xe5: {  	s22 =	simm.s32 @!p0 $0x180;
	[sflag:s5] =	ssyncset.done $0x0  }
0xe6: {  	s22 =	sadd.s32 $0x2780, s22;
	[sflag:s5] =	ssyncadd.s32 $0xFFFFF800  }
0xe7: {  	[spmem:s3] =	stream.indirect.scatter.add.f32 [tilespmem:s6], [sflag:$0xF], $0x10, s22, s0, $0xb8;
	[tilespmem:$0xE700] =	vst v63  }
0xe8: {  	s22 =	simm.s32 @p0 $0x200;
	_ =	swait.ge [sflag:s9], $0x800  }
0xe9: {  	s22 =	simm.s32 @!p0 $0x200;
	[sflag:s9] =	ssyncset.done $0x0  }
0xea: {  	s22 =	sadd.s32 $0x2780, s22;
	[sflag:s9] =	ssyncadd.s32 $0xFFFFF800  }
0xeb: {  	[spmem:s3] =	stream.indirect.scatter.add.f32 [tilespmem:s11], [sflag:$0x10], $0x10, s22, s0, $0xb8;
	[tilespmem:$0xE700] =	vst v63  }
0xec: {  	s22 =	simm.s32 @p0 $0x280;
	_ =	swait.ge [sflag:s12], $0x800  }
0xed: {  	s22 =	simm.s32 @!p0 $0x280;
	[sflag:s12] =	ssyncset.done $0x0  }
0xee: {  	s22 =	sadd.s32 $0x2780, s22;
	[sflag:s12] =	ssyncadd.s32 $0xFFFFF800  }
0xef: {  	[spmem:s3] =	stream.indirect.scatter.add.f32 [tilespmem:s13], [sflag:$0x11], $0x10, s22, s0, $0xb8;
	[tilespmem:$0xE700] =	vst v63  }
0xf0: {  	s23 =	simm.s32 @p0 $0x300;
	_ =	swait.ge [sflag:s14], $0x800  }
0xf1: {  	s23 =	simm.s32 @!p0 $0x300;
	[sflag:s14] =	ssyncset.done $0x0  }
0xf2: {  	s25 =	simm.s32 $0x780;
	s23 =	sadd.s32 $0x2780, s23;
	[sflag:s14] =	ssyncadd.s32 $0xFFFFF800  }
0xf3: {  	[spmem:s3] =	stream.indirect.scatter.add.f32 [tilespmem:s15], [sflag:$0x12], $0x10, s23, s0, $0xb8;
	[tilespmem:$0xE700] =	vst v63  }
0xf4: {  	s10 =	sadd.s32 $0x2780, s10;
	p0 =	por $0x1, $0x1;
	_ =	swait.ge [sflag:s16], $0x800  }
0xf5: {  	s22 =	simm.s32 $0x1000;
	s23 =	simm.s32 $0x2000;
	[sflag:s16] =	ssyncset.done $0x0  }
.LBB2_7:
0xf6: {  	s7 =	simm.s32 @p0 $0xC  }
0xf7: {  	[sflag:s16] =	ssyncadd.s32 $0xFFFFF800;
	s24 =	smov.u32 s23;
	s23 =	sadd.s32 $0x1000, s23  }
0xf8: {  	[spmem:s3] =	stream.indirect.scatter.add.f32 [tilespmem:s17], [sflag:$0x13], $0x10, s10, s0, $0xb8;
	[tilespmem:$0xE700] =	vst v63  }
0xf9: {  	p4 =	sne.s32 s23, $0x9000;
	_ =	swait.ge @p0 [sflag:s7], $0x800  }
0xfa: {  	s30 =	simm.s32 @p0 $0x4F00;
	s20 =	simm.s32 @p0 $0xD;
	[sflag:s7] =	ssyncset.done @p0 $0x0  }
0xfb: {  	s10 =	simm.s32 @p0 $0x80;
	[sflag:s7] =	ssyncadd.s32 @p0 $0xFFFFF800;
	s7 =	sshra.s32 @p0 s22, $0x2  }
0xfc: {  	[tilespmem:s30], [sflag:$0x4] =	stream.indirect.gather @p0 [spmem:s2], $0x10, s7, s10, $0xb8;
	[tilespmem:$0xE700] =	vst v63  }
0xfd: {  	s30 =	sadd.s32 @p0 $0x80, s7;
	s8 =	sadd.s32 @p0 $0x100, s7;
	_ =	swait.ge @p0 [sflag:s20], $0x800  }
0xfe: {  	s1 =	sadd.s32 @p0 $0x180, s7;
	s31 =	sadd.s32 @p0 $0x200, s7;
	[sflag:s20] =	ssyncset.done @p0 $0x0  }
0xff: {  	s29 =	simm.s32 @p0 $0xE;
	[sflag:s20] =	ssyncadd.s32 @p0 $0xFFFFF800;
	s20 =	simm.s32 @p0 $0x5700  }
0x100: {  	[tilespmem:s20], [sflag:$0x5] =	stream.indirect.gather @p0 [spmem:s2], $0x10, s30, s10, $0xb8;
	[tilespmem:$0xE700] =	vst v63  }
0x101: {  	s20 =	sadd.s32 @p0 $0x280, s7;
	s7 =	sadd.s32 @p0 $0x300, s7;
	_ =	swait.ge @p0 [sflag:s29], $0x800  }
0x102: {  	[sflag:s29] =	ssyncset.done @p0 $0x0  }
0x103: {  	s30 =	simm.s32 @p0 $0xF;
	[sflag:s29] =	ssyncadd.s32 @p0 $0xFFFFF800;
	s29 =	simm.s32 @p0 $0x5F00  }
0x104: {  	[tilespmem:s29], [sflag:$0x6] =	stream.indirect.gather @p0 [spmem:s2], $0x10, s8, s10, $0xb8;
	[tilespmem:$0xE700] =	vst v63  }
0x105: {  	_ =	swait.ge @p0 [sflag:s30], $0x800  }
0x106: {  	[sflag:s30] =	ssyncset.done @p0 $0x0  }
0x107: {  	s8 =	simm.s32 @p0 $0x6700;
	s29 =	simm.s32 @p0 $0x10;
	[sflag:s30] =	ssyncadd.s32 @p0 $0xFFFFF800  }
0x108: {  	[tilespmem:s8], [sflag:$0x7] =	stream.indirect.gather @p0 [spmem:s2], $0x10, s1, s10, $0xb8;
	[tilespmem:$0xE700] =	vst v63  }
0x109: {  	_ =	swait.ge @p0 [sflag:s29], $0x800  }
0x10a: {  	[sflag:s29] =	ssyncset.done @p0 $0x0  }
0x10b: {  	s1 =	simm.s32 @p0 $0x6F00;
	s8 =	simm.s32 @p0 $0x11;
	[sflag:s29] =	ssyncadd.s32 @p0 $0xFFFFF800  }
0x10c: {  	[tilespmem:s1], [sflag:$0x8] =	stream.indirect.gather @p0 [spmem:s2], $0x10, s31, s10, $0xb8;
	[tilespmem:$0xE700] =	vst v63  }
0x10d: {  	_ =	swait.ge @p0 [sflag:s8], $0x800  }
0x10e: {  	[sflag:s8] =	ssyncset.done @p0 $0x0  }
0x10f: {  	s1 =	simm.s32 @p0 $0x7700;
	[sflag:s8] =	ssyncadd.s32 @p0 $0xFFFFF800;
	s8 =	simm.s32 @p0 $0x12  }
0x110: {  	[tilespmem:s1], [sflag:$0x9] =	stream.indirect.gather @p0 [spmem:s2], $0x10, s20, s10, $0xb8;
	[tilespmem:$0xE700] =	vst v63  }
0x111: {  	_ =	swait.ge @p0 [sflag:s8], $0x800  }
0x112: {  	[sflag:s8] =	ssyncset.done @p0 $0x0  }
0x113: {  	s1 =	simm.s32 @p0 $0x7F00;
	[sflag:s8] =	ssyncadd.s32 @p0 $0xFFFFF800;
	s8 =	simm.s32 @p0 $0x13  }
0x114: {  	[tilespmem:s1], [sflag:$0xA] =	stream.indirect.gather @p0 [spmem:s2], $0x10, s7, s10, $0xb8;
	[tilespmem:$0xE700] =	vst v63  }
0x115: {  	_ =	swait.ge @p0 [sflag:s8], $0x800  }
0x116: {  	s1 =	simm.s32 @!p0 $0x4F00;
	[sflag:s8] =	ssyncset.done @p0 $0x0  }
0x117: {  	s7 =	sshra.s32 @!p0 s22, $0x2;
	[sflag:s8] =	ssyncadd.s32 @p0 $0xFFFFF800;
	s8 =	simm.s32 @!p0 $0x80  }
0x118: {  	[tilespmem:s1], [sflag:$0x4] =	stream.indirect.gather @!p0 [spmem:s2], $0x10, s7, s8, $0xb8;
	[tilespmem:$0xE700] =	vst v63  }
0x119: {  	s1 =	simm.s32 @!p0 $0x5700  }
0x11a: {  	[tilespmem:s1], [sflag:$0x5] =	stream.indirect.gather @!p0 [spmem:s2], $0x10, s8, s8, $0xb8;
	[tilespmem:$0xE700] =	vst v63  }
0x11b: {  	s7 =	simm.s32 @!p0 $0x5F00;
	s1 =	simm.s32 @!p0 $0x100  }
0x11c: {  	[tilespmem:s7], [sflag:$0x6] =	stream.indirect.gather @!p0 [spmem:s2], $0x10, s1, s8, $0xb8;
	[tilespmem:$0xE700] =	vst v63  }
0x11d: {  	s1 =	simm.s32 @!p0 $0x180;
	s7 =	simm.s32 @!p0 $0x6700  }
0x11e: {  	[tilespmem:s7], [sflag:$0x7] =	stream.indirect.gather @!p0 [spmem:s2], $0x10, s1, s8, $0xb8;
	[tilespmem:$0xE700] =	vst v63  }
0x11f: {  	s1 =	simm.s32 @!p0 $0x200;
	s7 =	simm.s32 @!p0 $0x6F00  }
0x120: {  	[tilespmem:s7], [sflag:$0x8] =	stream.indirect.gather @!p0 [spmem:s2], $0x10, s1, s8, $0xb8;
	[tilespmem:$0xE700] =	vst v63  }
0x121: {  	s1 =	simm.s32 @!p0 $0x280;
	s7 =	simm.s32 @!p0 $0x7700  }
0x122: {  	[tilespmem:s7], [sflag:$0x9] =	stream.indirect.gather @!p0 [spmem:s2], $0x10, s1, s8, $0xb8;
	[tilespmem:$0xE700] =	vst v63  }
0x123: {  	s10 =	smov.u32 s25;
	s1 =	simm.s32 @!p0 $0x300;
	s7 =	simm.s32 @!p0 $0x7F00  }
0x124: {  	[tilespmem:s7], [sflag:$0xA] =	stream.indirect.gather @!p0 [spmem:s2], $0x10, s1, s8, $0xb8;
	[tilespmem:$0xE700] =	vst v63  }
0x125: {  	s10 =	simm.s32 @!p0 $0x380  }
0x126: {  	[tilespmem:s17], [sflag:$0xB] =	stream.indirect.gather [spmem:s2], $0x10, s10, s0, $0xb8;
	[tilespmem:$0xE700] =	vst v63  }
0x127: {  	_ =	swait.ge [sflag:s18], $0x800  }
0x128: {  	s1 =	sshra.s32 s22, $0x2;
	s22 =	smov.u32 s24;
	[sflag:s18] =	ssyncset.done $0x0  }
0x129: {  	s1 =	sadd.s32 $0x2780, s1;
	[sflag:s18] =	ssyncadd.s32 $0xFFFFF800  }
0x12a: {  	[spmem:s3] =	stream.indirect.scatter.add.f32 [tilespmem:s28], [sflag:$0xC], $0x10, s1, s0, $0xb8;
	[tilespmem:$0xE700] =	vst v63  }
0x12b: {  	s1 =	sadd.s32 @p0 $0xFFFFFD00, s25;
	_ =	swait.ge [sflag:s19], $0x800  }
0x12c: {  	s1 =	simm.s32 @!p0 $0x80;
	[sflag:s19] =	ssyncset.done $0x0  }
0x12d: {  	s1 =	sadd.s32 $0x2780, s1;
	[sflag:s19] =	ssyncadd.s32 $0xFFFFF800  }
0x12e: {  	[spmem:s3] =	stream.indirect.scatter.add.f32 [tilespmem:s21], [sflag:$0xD], $0x10, s1, s0, $0xb8;
	[tilespmem:$0xE700] =	vst v63  }
0x12f: {  	s1 =	sadd.s32 @p0 $0xFFFFFD80, s25;
	_ =	swait.ge [sflag:s26], $0x800  }
0x130: {  	s1 =	simm.s32 @!p0 $0x100;
	[sflag:s26] =	ssyncset.done $0x0  }
0x131: {  	s1 =	sadd.s32 $0x2780, s1;
	[sflag:s26] =	ssyncadd.s32 $0xFFFFF800  }
0x132: {  	[spmem:s3] =	stream.indirect.scatter.add.f32 [tilespmem:s4], [sflag:$0xE], $0x10, s1, s0, $0xb8;
	[tilespmem:$0xE700] =	vst v63  }
0x133: {  	s1 =	sadd.s32 @p0 $0xFFFFFE00, s25;
	_ =	swait.ge [sflag:s5], $0x800  }
0x134: {  	s1 =	simm.s32 @!p0 $0x180;
	[sflag:s5] =	ssyncset.done $0x0  }
0x135: {  	s1 =	sadd.s32 $0x2780, s1;
	[sflag:s5] =	ssyncadd.s32 $0xFFFFF800  }
0x136: {  	[spmem:s3] =	stream.indirect.scatter.add.f32 [tilespmem:s6], [sflag:$0xF], $0x10, s1, s0, $0xb8;
	[tilespmem:$0xE700] =	vst v63  }
0x137: {  	s1 =	sadd.s32 @p0 $0xFFFFFE80, s25;
	_ =	swait.ge [sflag:s9], $0x800  }
0x138: {  	s1 =	simm.s32 @!p0 $0x200;
	[sflag:s9] =	ssyncset.done $0x0  }
0x139: {  	s1 =	sadd.s32 $0x2780, s1;
	[sflag:s9] =	ssyncadd.s32 $0xFFFFF800  }
0x13a: {  	[spmem:s3] =	stream.indirect.scatter.add.f32 [tilespmem:s11], [sflag:$0x10], $0x10, s1, s0, $0xb8;
	[tilespmem:$0xE700] =	vst v63  }
0x13b: {  	s1 =	sadd.s32 @p0 $0xFFFFFF00, s25;
	_ =	swait.ge [sflag:s12], $0x800  }
0x13c: {  	s1 =	simm.s32 @!p0 $0x280;
	[sflag:s12] =	ssyncset.done $0x0  }
0x13d: {  	s1 =	sadd.s32 $0x2780, s1;
	[sflag:s12] =	ssyncadd.s32 $0xFFFFF800  }
0x13e: {  	[spmem:s3] =	stream.indirect.scatter.add.f32 [tilespmem:s13], [sflag:$0x11], $0x10, s1, s0, $0xb8;
	[tilespmem:$0xE700] =	vst v63  }
0x13f: {  	s1 =	sadd.s32 @p0 $0xFFFFFF80, s25;
	_ =	swait.ge [sflag:s14], $0x800  }
.Ltmp5:
0x140: {  	s1 =	simm.s32 @!p0 $0x300;
	[sflag:s14] =	ssyncset.done $0x0;
	(pc) =	sbr.rel @p4 .LBB2_7-.Ltmp5, $4  }
0x141: {  	s1 =	sadd.s32 $0x2780, s1;
	[sflag:s14] =	ssyncadd.s32 $0xFFFFF800  }
0x142: {  	[spmem:s3] =	stream.indirect.scatter.add.f32 [tilespmem:s15], [sflag:$0x12], $0x10, s1, s0, $0xb8;
	[tilespmem:$0xE700] =	vst v63  }
0x143: {  	s25 =	sadd.s32 $0x400, s25;
	_ =	swait.ge [sflag:s16], $0x800  }
0x144: {  	s10 =	sadd.s32 $0x2780, s10;
	p0 =	sne.s32 s22, $0x0;
	[sflag:s16] =	ssyncset.done $0x0  }
0x145: {  	s1 =	simm.s32 @p0 $0xC;
	[sflag:s16] =	ssyncadd.s32 $0xFFFFF800  }
0x146: {  	[spmem:s3] =	stream.indirect.scatter.add.f32 [tilespmem:s17], [sflag:$0x13], $0x10, s10, s0, $0xb8;
	[tilespmem:$0xE700] =	vst v63  }
0x147: {  	_ =	swait.ge @p0 [sflag:s1], $0x800  }
0x148: {  	s7 =	simm.s32 @p0 $0x4F00;
	s8 =	simm.s32 @p0 $0xD;
	[sflag:s1] =	ssyncset.done @p0 $0x0  }
0x149: {  	s10 =	simm.s32 @p0 $0x80;
	[sflag:s1] =	ssyncadd.s32 @p0 $0xFFFFF800;
	s1 =	sshra.s32 @p0 s22, $0x2  }
0x14a: {  	[tilespmem:s7], [sflag:$0x4] =	stream.indirect.gather @p0 [spmem:s2], $0x10, s1, s10, $0xb8;
	[tilespmem:$0xE700] =	vst v63  }
0x14b: {  	_ =	swait.ge @p0 [sflag:s8], $0x800  }
0x14c: {  	[sflag:s8] =	ssyncset.done @p0 $0x0  }
0x14d: {  	s7 =	sadd.s32 @p0 $0x80, s1;
	[sflag:s8] =	ssyncadd.s32 @p0 $0xFFFFF800;
	s8 =	simm.s32 @p0 $0x5700  }
0x14e: {  	[tilespmem:s8], [sflag:$0x5] =	stream.indirect.gather @p0 [spmem:s2], $0x10, s7, s10, $0xb8;
	[tilespmem:$0xE700] =	vst v63  }
0x14f: {  	s7 =	simm.s32 @p0 $0xE  }
0x150: {  	_ =	swait.ge @p0 [sflag:s7], $0x800  }
0x151: {  	[sflag:s7] =	ssyncset.done @p0 $0x0  }
0x152: {  	s8 =	sadd.s32 @p0 $0x100, s1;
	[sflag:s7] =	ssyncadd.s32 @p0 $0xFFFFF800;
	s7 =	simm.s32 @p0 $0x5F00  }
0x153: {  	[tilespmem:s7], [sflag:$0x6] =	stream.indirect.gather @p0 [spmem:s2], $0x10, s8, s10, $0xb8;
	[tilespmem:$0xE700] =	vst v63  }
0x154: {  	s7 =	simm.s32 @p0 $0xF  }
0x155: {  	_ =	swait.ge @p0 [sflag:s7], $0x800  }
0x156: {  	[sflag:s7] =	ssyncset.done @p0 $0x0  }
0x157: {  	s8 =	sadd.s32 @p0 $0x180, s1;
	[sflag:s7] =	ssyncadd.s32 @p0 $0xFFFFF800;
	s7 =	simm.s32 @p0 $0x6700  }
0x158: {  	[tilespmem:s7], [sflag:$0x7] =	stream.indirect.gather @p0 [spmem:s2], $0x10, s8, s10, $0xb8;
	[tilespmem:$0xE700] =	vst v63  }
0x159: {  	s7 =	simm.s32 @p0 $0x10  }
0x15a: {  	_ =	swait.ge @p0 [sflag:s7], $0x800  }
0x15b: {  	[sflag:s7] =	ssyncset.done @p0 $0x0  }
0x15c: {  	s8 =	sadd.s32 @p0 $0x200, s1;
	[sflag:s7] =	ssyncadd.s32 @p0 $0xFFFFF800;
	s7 =	simm.s32 @p0 $0x6F00  }
0x15d: {  	[tilespmem:s7], [sflag:$0x8] =	stream.indirect.gather @p0 [spmem:s2], $0x10, s8, s10, $0xb8;
	[tilespmem:$0xE700] =	vst v63  }
0x15e: {  	s7 =	simm.s32 @p0 $0x11  }
0x15f: {  	_ =	swait.ge @p0 [sflag:s7], $0x800  }
0x160: {  	[sflag:s7] =	ssyncset.done @p0 $0x0  }
0x161: {  	s8 =	sadd.s32 @p0 $0x280, s1;
	[sflag:s7] =	ssyncadd.s32 @p0 $0xFFFFF800;
	s7 =	simm.s32 @p0 $0x7700  }
0x162: {  	[tilespmem:s7], [sflag:$0x9] =	stream.indirect.gather @p0 [spmem:s2], $0x10, s8, s10, $0xb8;
	[tilespmem:$0xE700] =	vst v63  }
0x163: {  	s7 =	simm.s32 @p0 $0x12  }
0x164: {  	_ =	swait.ge @p0 [sflag:s7], $0x800  }
0x165: {  	[sflag:s7] =	ssyncset.done @p0 $0x0  }
0x166: {  	s1 =	sadd.s32 @p0 $0x300, s1;
	[sflag:s7] =	ssyncadd.s32 @p0 $0xFFFFF800;
	s7 =	simm.s32 @p0 $0x7F00  }
0x167: {  	[tilespmem:s7], [sflag:$0xA] =	stream.indirect.gather @p0 [spmem:s2], $0x10, s1, s10, $0xb8;
	[tilespmem:$0xE700] =	vst v63  }
0x168: {  	s1 =	simm.s32 @p0 $0x13  }
0x169: {  	_ =	swait.ge @p0 [sflag:s1], $0x800  }
0x16a: {  	s8 =	simm.s32 @!p0 $0x80;
	[sflag:s1] =	ssyncset.done @p0 $0x0  }
0x16b: {  	s7 =	simm.s32 @!p0 $0x4F00;
	[sflag:s1] =	ssyncadd.s32 @p0 $0xFFFFF800;
	s1 =	sshra.s32 @!p0 s22, $0x2  }
0x16c: {  	[tilespmem:s7], [sflag:$0x4] =	stream.indirect.gather @!p0 [spmem:s2], $0x10, s1, s8, $0xb8;
	[tilespmem:$0xE700] =	vst v63  }
0x16d: {  	s1 =	simm.s32 @!p0 $0x5700  }
0x16e: {  	[tilespmem:s1], [sflag:$0x5] =	stream.indirect.gather @!p0 [spmem:s2], $0x10, s8, s8, $0xb8;
	[tilespmem:$0xE700] =	vst v63  }
0x16f: {  	s7 =	simm.s32 @!p0 $0x5F00;
	s1 =	simm.s32 @!p0 $0x100  }
0x170: {  	[tilespmem:s7], [sflag:$0x6] =	stream.indirect.gather @!p0 [spmem:s2], $0x10, s1, s8, $0xb8;
	[tilespmem:$0xE700] =	vst v63  }
0x171: {  	s1 =	simm.s32 @!p0 $0x180;
	s7 =	simm.s32 @!p0 $0x6700  }
0x172: {  	[tilespmem:s7], [sflag:$0x7] =	stream.indirect.gather @!p0 [spmem:s2], $0x10, s1, s8, $0xb8;
	[tilespmem:$0xE700] =	vst v63  }
0x173: {  	s1 =	simm.s32 @!p0 $0x200;
	s7 =	simm.s32 @!p0 $0x6F00  }
0x174: {  	[tilespmem:s7], [sflag:$0x8] =	stream.indirect.gather @!p0 [spmem:s2], $0x10, s1, s8, $0xb8;
	[tilespmem:$0xE700] =	vst v63  }
0x175: {  	s1 =	simm.s32 @!p0 $0x280;
	s7 =	simm.s32 @!p0 $0x7700  }
0x176: {  	[tilespmem:s7], [sflag:$0x9] =	stream.indirect.gather @!p0 [spmem:s2], $0x10, s1, s8, $0xb8;
	[tilespmem:$0xE700] =	vst v63  }
0x177: {  	s1 =	simm.s32 @!p0 $0x300;
	s7 =	simm.s32 @!p0 $0x7F00  }
0x178: {  	[tilespmem:s7], [sflag:$0xA] =	stream.indirect.gather @!p0 [spmem:s2], $0x10, s1, s8, $0xb8;
	[tilespmem:$0xE700] =	vst v63  }
0x179: {  	s1 =	smov.u32 s25  }
0x17a: {  	s1 =	simm.s32 @!p0 $0x380  }
0x17b: {  	[tilespmem:s17], [sflag:$0xB] =	stream.indirect.gather [spmem:s2], $0x10, s1, s0, $0xb8;
	[tilespmem:$0xE700] =	vst v63  }
0x17c: {  	_ =	swait.ge [sflag:s18], $0x800  }
0x17d: {  	s30 =	sshra.s32 s22, $0x2;
	[sflag:s18] =	ssyncset.done $0x0  }
0x17e: {  	s7 =	sadd.s32 $0x2780, s30;
	[sflag:s18] =	ssyncadd.s32 $0xFFFFF800  }
0x17f: {  	[spmem:s3] =	stream.indirect.scatter.add.f32 [tilespmem:s28], [sflag:$0xC], $0x10, s7, s0, $0xb8;
	[tilespmem:$0xE700] =	vst v63  }
0x180: {  	s7 =	sadd.s32 @p0 $0xFFFFFD00, s25;
	_ =	swait.ge [sflag:s19], $0x800  }
0x181: {  	s7 =	simm.s32 @!p0 $0x80;
	[sflag:s19] =	ssyncset.done $0x0  }
0x182: {  	s7 =	sadd.s32 $0x2780, s7;
	[sflag:s19] =	ssyncadd.s32 $0xFFFFF800  }
0x183: {  	[spmem:s3] =	stream.indirect.scatter.add.f32 [tilespmem:s21], [sflag:$0xD], $0x10, s7, s0, $0xb8;
	[tilespmem:$0xE700] =	vst v63  }
0x184: {  	s7 =	sadd.s32 @p0 $0xFFFFFD80, s25;
	_ =	swait.ge [sflag:s26], $0x800  }
0x185: {  	s7 =	simm.s32 @!p0 $0x100;
	[sflag:s26] =	ssyncset.done $0x0  }
0x186: {  	s7 =	sadd.s32 $0x2780, s7;
	[sflag:s26] =	ssyncadd.s32 $0xFFFFF800  }
0x187: {  	[spmem:s3] =	stream.indirect.scatter.add.f32 [tilespmem:s4], [sflag:$0xE], $0x10, s7, s0, $0xb8;
	[tilespmem:$0xE700] =	vst v63  }
0x188: {  	s7 =	sadd.s32 @p0 $0xFFFFFE00, s25;
	_ =	swait.ge [sflag:s5], $0x800  }
0x189: {  	s7 =	simm.s32 @!p0 $0x180;
	[sflag:s5] =	ssyncset.done $0x0  }
0x18a: {  	s7 =	sadd.s32 $0x2780, s7;
	[sflag:s5] =	ssyncadd.s32 $0xFFFFF800  }
0x18b: {  	[spmem:s3] =	stream.indirect.scatter.add.f32 [tilespmem:s6], [sflag:$0xF], $0x10, s7, s0, $0xb8;
	[tilespmem:$0xE700] =	vst v63  }
0x18c: {  	s7 =	sadd.s32 @p0 $0xFFFFFE80, s25;
	_ =	swait.ge [sflag:s9], $0x800  }
0x18d: {  	s7 =	simm.s32 @!p0 $0x200;
	[sflag:s9] =	ssyncset.done $0x0  }
0x18e: {  	s7 =	sadd.s32 $0x2780, s7;
	[sflag:s9] =	ssyncadd.s32 $0xFFFFF800  }
0x18f: {  	[spmem:s3] =	stream.indirect.scatter.add.f32 [tilespmem:s11], [sflag:$0x10], $0x10, s7, s0, $0xb8;
	[tilespmem:$0xE700] =	vst v63  }
0x190: {  	s7 =	sadd.s32 @p0 $0xFFFFFF00, s25;
	_ =	swait.ge [sflag:s12], $0x800  }
0x191: {  	s7 =	simm.s32 @!p0 $0x280;
	[sflag:s12] =	ssyncset.done $0x0  }
0x192: {  	s7 =	sadd.s32 $0x2780, s7;
	[sflag:s12] =	ssyncadd.s32 $0xFFFFF800  }
0x193: {  	[spmem:s3] =	stream.indirect.scatter.add.f32 [tilespmem:s13], [sflag:$0x11], $0x10, s7, s0, $0xb8;
	[tilespmem:$0xE700] =	vst v63  }
0x194: {  	s7 =	sadd.s32 @p0 $0xFFFFFF80, s25;
	_ =	swait.ge [sflag:s14], $0x800  }
0x195: {  	s7 =	simm.s32 @!p0 $0x300;
	[sflag:s14] =	ssyncset.done $0x0  }
0x196: {  	s7 =	sadd.s32 $0x2780, s7;
	[sflag:s14] =	ssyncadd.s32 $0xFFFFF800  }
0x197: {  	[spmem:s3] =	stream.indirect.scatter.add.f32 [tilespmem:s15], [sflag:$0x12], $0x10, s7, s0, $0xb8;
	[tilespmem:$0xE700] =	vst v63  }
0x198: {  	_ =	swait.ge [sflag:s16], $0x800  }
0x199: {  	s31 =	sld [smem:$0x7F2];
	_ =	sdelay $0x2  }
0x19a: {  	p0 =	seq.s32 s31, $0x1  }
.Ltmp6:
0x19b: {  	_ = 	snop;
	(pc) =	sbr.rel @p0 .LBB2_24-.Ltmp6, $4  }
0x19c: {  	_ = 	snop  }
0x19d: {  	s23 =	simm.s32 $0x14;
	[sflag:s16] =	ssyncset.done $0x0;
	s20 =	rddreg [dreg:$0x6]  }
0x19e: {  	s1 =	sadd.s32 $0x2780, s1;
	s8 =	rddreg [dreg:$0x1a];
	[sflag:s16] =	ssyncadd.s32 $0xFFFFF800  }
0x19f: {  	[spmem:s3] =	stream.indirect.scatter.add.f32 [tilespmem:s17], [sflag:$0x13], $0x10, s1, s0, $0xb8;
	[tilespmem:$0xE700] =	vst v63  }
0x1a0: {  	s1 =	simm.s32 $0xC  }
0x1a1: {  	_ =	swait.ge [sflag:s1], $0x800  }
0x1a2: {  	[sflag:s1] =	ssyncset.done $0x0  }
0x1a3: {  	s30 =	simm.s32 $0x2400;
	[sflag:s1] =	ssyncadd.s32 $0xFFFFF800;
	s1 =	simm.s32 @!p1 $0xD  }
0x1a4: {  	[tilespmem:s28], [sflag:$0x4] =	stream.indirect.gather [spmem:s2], $0x10, s30, s0, $0xb8;
	[tilespmem:$0xE700] =	vst v63  }
0x1a5: {  	_ =	swait.ge @!p1 [sflag:s1], $0x800  }
0x1a6: {  	s7 =	simm.s32 @!p1 $0x2480;
	[sflag:s1] =	ssyncset.done @!p1 $0x0  }
0x1a7: {  	s8 =	simm.s32 @!p1 $0x5700;
	[sflag:s1] =	ssyncadd.s32 @!p1 $0xFFFFF800;
	s1 =	simm.s32 @!p1 $0x80  }
0x1a8: {  	[tilespmem:s8], [sflag:$0x5] =	stream.indirect.gather @!p1 [spmem:s2], $0x10, s7, s1, $0xb8;
	[tilespmem:$0xE700] =	vst v63  }
0x1a9: {  	s1 =	simm.s32 @!p2 $0xE  }
0x1aa: {  	_ =	swait.ge @!p2 [sflag:s1], $0x800  }
0x1ab: {  	s31 =	sld [smem:$0x7F5];
	_ =	sdelay $0x2  }
0x1ac: {  	p0 =	seq.s32 s31, $0x1  }
.Ltmp7:
0x1ad: {  	_ = 	snop;
	(pc) =	sbr.rel @!p0 .LBB2_11-.Ltmp7, $4  }
0x1ae: {  	_ = 	snop  }
0x1af: {  	s7 =	simm.s32 @!p2 $0x2500;
	[sflag:s1] =	ssyncset.done @!p2 $0x0  }
0x1b0: {  	s8 =	simm.s32 @!p2 $0x5F00;
	[sflag:s1] =	ssyncadd.s32 @!p2 $0xFFFFF800;
	s1 =	simm.s32 @!p2 $0x80  }
0x1b1: {  	[tilespmem:s8], [sflag:$0x6] =	stream.indirect.gather @!p2 [spmem:s2], $0x10, s7, s1, $0xb8;
	[tilespmem:$0xE700] =	vst v63  }
0x1b2: {  	p0 =	por @!p1 $0x0, $0x0;
	p4 =	por $0x0, $0x0  }
0x1b3: {  	p4 =	por @!p1 p0, p0  }
.Ltmp8:
0x1b4: {  	p1 =	por @!p2 $0x0, $0x0;
	p0 =	por p4, p4;
	(pc) =	sbr.rel .LBB2_12-.Ltmp8, $4  }
0x1b5: {  	p3 =	por @!p2 $0x1, $0x1;
	p5 =	por p4, p4;
	p0 =	por @!p2 p1, p1  }
0x1b6: {  	p6 =	por p4, p4;
	p5 =	por @!p2 p1, p1;
	s1 =	simm.s32 @!p0 $0x0  }
0x1b7: {  	p6 =	por @!p2 p1, p1;
	s1 =	simm.s32 @p0 $0x1;
	p0 =	por p4, p4  }
0x1b8: {  	p4 =	por @!p2 p1, p1;
	[smem:$0x7F1] =	sst s1;
	p0 =	por @!p2 p3, p3  }
.LBB2_11:
0x1b9: {  	s1 =	simm.s32 $0xF  }
0x1ba: {  	_ =	swait.ge [sflag:s1], $0x800  }
0x1bb: {  	[sflag:s1] =	ssyncset.done $0x0;
	s22 =	sld [smem:$0x7F9]  }
0x1bc: {  	s10 =	simm.s32 $0x2580;
	[sflag:s1] =	ssyncadd.s32 $0xFFFFF800  }
0x1bd: {  	[tilespmem:s6], [sflag:$0x7] =	stream.indirect.gather [spmem:s2], $0x10, s10, s0, $0xb8;
	[tilespmem:$0xE700] =	vst v63  }
0x1be: {  	p2 =	seq.s32 s22, $0x1  }
0x1bf: {  	s1 =	simm.s32 @!p2 $0x10  }
0x1c0: {  	_ =	swait.ge @!p2 [sflag:s1], $0x800  }
0x1c1: {  	s7 =	simm.s32 @!p2 $0x2600;
	[sflag:s1] =	ssyncset.done @!p2 $0x0;
	s24 =	sld [smem:$0x7F3]  }
0x1c2: {  	s8 =	simm.s32 @!p2 $0x6F00;
	[sflag:s1] =	ssyncadd.s32 @!p2 $0xFFFFF800;
	s1 =	simm.s32 @!p2 $0x80  }
0x1c3: {  	[tilespmem:s8], [sflag:$0x8] =	stream.indirect.gather @!p2 [spmem:s2], $0x10, s7, s1, $0xb8;
	[tilespmem:$0xE700] =	vst v63  }
0x1c4: {  	p3 =	seq.s32 s24, $0x1  }
0x1c5: {  	s1 =	simm.s32 @!p3 $0x11  }
0x1c6: {  	_ =	swait.ge @!p3 [sflag:s1], $0x800  }
0x1c7: {  	s7 =	simm.s32 @!p3 $0x2680;
	[sflag:s1] =	ssyncset.done @!p3 $0x0;
	s25 =	sld [smem:$0x7F7]  }
0x1c8: {  	s8 =	simm.s32 @!p3 $0x7700;
	[sflag:s1] =	ssyncadd.s32 @!p3 $0xFFFFF800;
	s1 =	simm.s32 @!p3 $0x80  }
0x1c9: {  	[tilespmem:s8], [sflag:$0x9] =	stream.indirect.gather @!p3 [spmem:s2], $0x10, s7, s1, $0xb8;
	[tilespmem:$0xE700] =	vst v63  }
0x1ca: {  	p5 =	por @!p2 $0x1, $0x1;
	p0 =	seq.s32 s25, $0x1  }
0x1cb: {  	p4 =	por @!p2 $0x0, $0x0;
	p1 =	por @!p3 $0x1, $0x1;
	s1 =	simm.s32 @!p0 $0x12  }
0x1cc: {  	p3 =	por @!p3 $0x0, $0x0;
	s7 =	simm.s32 @!p0 $0x2700;
	_ =	swait.ge @!p0 [sflag:s1], $0x800  }
0x1cd: {  	s8 =	simm.s32 @!p0 $0x7F00;
	[sflag:s1] =	ssyncset.done @!p0 $0x0;
	s29 =	sld [smem:$0x7F8]  }
0x1ce: {  	s30 =	sld [smem:$0x7FA];
	[sflag:s1] =	ssyncadd.s32 @!p0 $0xFFFFF800;
	s1 =	simm.s32 @!p0 $0x80  }
0x1cf: {  	[tilespmem:s8], [sflag:$0xA] =	stream.indirect.gather @!p0 [spmem:s2], $0x10, s7, s1, $0xb8;
	[tilespmem:$0xE700] =	vst v63  }
0x1d0: {  	s31 =	sld [smem:$0x7FC];
	p0 =	por @!p0 $0x1, $0x1;
	p6 =	seq.s32 s29, $0x1  }
0x1d1: {  	p1 =	por @!p6 p0, p0;
	p3 =	por @!p6 p0, p0;
	p6 =	seq.s32 s30, $0x1  }
0x1d2: {  	p0 =	por p1, p1;
	p1 =	por @!p6 p5, p5;
	p3 =	por @!p6 p4, p4  }
0x1d3: {  	p5 =	por $0x1, $0x1;
	p0 =	por @!p6 p4, p4;
	p4 =	por $0x0, $0x0  }
0x1d4: {  	p5 =	por @!p2 p1, p1;
	p6 =	por $0x0, $0x0;
	p4 =	por @!p2 p0, p0  }
0x1d5: {  	p0 =	por $0x1, $0x1;
	p6 =	por @!p2 p1, p1;
	s1 =	simm.s32 @!p4 $0x0  }
0x1d6: {  	p0 =	por @!p2 p1, p1;
	s1 =	simm.s32 @p4 $0x1;
	p4 =	por $0x0, $0x0  }
0x1d7: {  	[smem:$0x7F1] =	sst s1;
	p4 =	por @!p2 p3, p3;
	p2 =	seq.s32 s31, $0x1  }
.LBB2_12:
0x1d8: {  	_ =	swait.ge [sflag:s18], $0x800  }
0x1d9: {  	s31 =	sld [smem:$0x7FD];
	_ =	sdelay $0x2  }
0x1da: {  	p1 =	seq.s32 s31, $0x1  }
.Ltmp9:
0x1db: {  	_ = 	snop;
	(pc) =	sbr.rel @!p1 .LBB2_13-.Ltmp9, $4  }
0x1dc: {  	_ = 	snop  }
0x1dd: {  	[sflag:s18] =	ssyncset.done $0x0  }
0x1de: {  	s1 =	simm.s32 $0x4B80;
	[sflag:s18] =	ssyncadd.s32 $0xFFFFF800  }
0x1df: {  	[spmem:s3] =	stream.indirect.scatter.add.f32 [tilespmem:s28], [sflag:$0xC], $0x10, s1, s0, $0xb8;
	[tilespmem:$0xE700] =	vst v63  }
.Ltmp10:
0x1e0: {  	(pc) =	sbr.rel @p0 .LBB2_19-.Ltmp10, $1  }
0x1e1: {  	_ =	sdelay $0x3  }
.LBB2_14:
.Ltmp11:
0x1e2: {  	(pc) =	sbr.rel @!p5 .LBB2_15-.Ltmp11, $1  }
0x1e3: {  	_ =	sdelay $0x3  }
.LBB2_20:
.Ltmp12:
0x1e4: {  	(pc) =	sbr.rel @p6 .LBB2_21-.Ltmp12, $4  }
0x1e5: {  	_ =	swait.ge [sflag:s5], $0x800  }
0x1e6: {  	[sflag:s5] =	ssyncset.done $0x0  }
0x1e7: {  	s1 =	simm.s32 $0x4D00;
	[sflag:s5] =	ssyncadd.s32 $0xFFFFF800  }
0x1e8: {  	[spmem:s3] =	stream.indirect.scatter.add.f32 [tilespmem:s6], [sflag:$0xF], $0x10, s1, s0, $0xb8;
	[tilespmem:$0xE700] =	vst v63  }
.LBB2_16:
0x1e9: {  	s31 =	sld [smem:$0x7F1];
	_ =	sdelay $0x2  }
0x1ea: {  	p0 =	seq.s32 s31, $0x1  }
.Ltmp13:
0x1eb: {  	_ = 	snop;
	(pc) =	sbr.rel @!p0 .LBB2_17-.Ltmp13, $2  }
0x1ec: {  	s1 =	sld [smem:$0x7FB];
	_ =	sdelay $0x2  }
0x1ed: {  	p5 =	seq.s32 s1, $0x1  }
.LBB2_22:
.Ltmp14:
0x1ee: {  	(pc) =	sbr.rel @!p4 .LBB2_24-.Ltmp14, $4  }
.Ltmp15:
0x1ef: {  	_ =	swait.ge [sflag:s12], $0x800;
	(pc) =	sbr.rel @p4 .LBB2_23-.Ltmp15, $4  }
0x1f0: {  	[sflag:s12] =	ssyncset.done $0x0  }
0x1f1: {  	s1 =	simm.s32 $0x4E00;
	s8 =	rddreg [dreg:$0x1a];
	[sflag:s12] =	ssyncadd.s32 $0xFFFFF800  }
0x1f2: {  	[spmem:s3] =	stream.indirect.scatter.add.f32 [tilespmem:s13], [sflag:$0x11], $0x10, s1, s0, $0xb8;
	[tilespmem:$0xE700] =	vst v63  }
0x1f3: {  	_ = 	snop  }
.LBB2_13:
.Ltmp16:
0x1f4: {  	(pc) =	sbr.rel @!p0 .LBB2_14-.Ltmp16, $4  }
0x1f5: {  	_ =	swait.ge [sflag:s19], $0x800  }
0x1f6: {  	[sflag:s19] =	ssyncset.done $0x0  }
0x1f7: {  	s1 =	simm.s32 $0x4C00;
	[sflag:s19] =	ssyncadd.s32 $0xFFFFF800  }
0x1f8: {  	[spmem:s3] =	stream.indirect.scatter.add.f32 [tilespmem:s21], [sflag:$0xD], $0x10, s1, s0, $0xb8;
	[tilespmem:$0xE700] =	vst v63  }
.LBB2_19:
.Ltmp17:
0x1f9: {  	(pc) =	sbr.rel @p5 .LBB2_20-.Ltmp17, $4  }
0x1fa: {  	_ =	swait.ge [sflag:s26], $0x800  }
0x1fb: {  	[sflag:s26] =	ssyncset.done $0x0  }
0x1fc: {  	s1 =	simm.s32 $0x4C80;
	[sflag:s26] =	ssyncadd.s32 $0xFFFFF800  }
0x1fd: {  	[spmem:s3] =	stream.indirect.scatter.add.f32 [tilespmem:s4], [sflag:$0xE], $0x10, s1, s0, $0xb8;
	[tilespmem:$0xE700] =	vst v63  }
.LBB2_15:
.Ltmp18:
0x1fe: {  	(pc) =	sbr.rel @!p6 .LBB2_16-.Ltmp18, $1  }
0x1ff: {  	_ =	sdelay $0x3  }
.LBB2_21:
0x200: {  	_ =	swait.ge [sflag:s9], $0x800  }
0x201: {  	s31 =	sld [smem:$0x7F1];
	_ =	sdelay $0x2  }
0x202: {  	p0 =	seq.s32 s31, $0x1  }
.Ltmp19:
0x203: {  	_ = 	snop;
	(pc) =	sbr.rel @p0 .LBB2_22-.Ltmp19, $4  }
0x204: {  	[sflag:s9] =	ssyncset.done $0x0;
	s30 =	sld [smem:$0x7FB]  }
0x205: {  	s1 =	simm.s32 $0x4D80;
	[sflag:s9] =	ssyncadd.s32 $0xFFFFF800  }
0x206: {  	[spmem:s3] =	stream.indirect.scatter.add.f32 [tilespmem:s11], [sflag:$0x10], $0x10, s1, s0, $0xb8;
	[tilespmem:$0xE700] =	vst v63  }
0x207: {  	p5 =	seq.s32 s30, $0x1  }
.LBB2_17:
.Ltmp20:
0x208: {  	(pc) =	sbr.rel @!p4 .LBB2_24-.Ltmp20, $4  }
.Ltmp21:
0x209: {  	(pc) =	sbr.rel @p4 .LBB2_23-.Ltmp21, $4  }
0x20a: {  	_ = 	snop  }
0x20b: {  	_ = 	snop  }
0x20c: {  	s8 =	rddreg [dreg:$0x1a]  }
0x20d: {  	_ = 	snop  }
.LBB2_25:
0x20e: {  	_ =	sfence.sel $0x180000  }
0x20f: {  	[bflag:$0x0] =	sbarrier.arrive $0xFFFF  }
0x210: {  	_ =	strace $0x9000004A  }
0x211: {  	s0 =	stileid.u32;
	[bflag:$0x2] =	sbarrier.arrive $0xFFFF  }
0x212: {  	p0 =	sne.s32 s0, $0x0;
	s0 =	rddreg [dreg:$0x3]  }
0x213: {  	s0 =	sadd.s32 @!p0 $0x100000, s0  }
0x214: {  	[sflag:s0] =	ssyncadd.tile.s32 @!p0 $0x1;
	_ =	shalt  }
.Lfunc_end2:
_tile_overlayer_lowered:
.L_overlay_start_2:
0x215: {  	(tag) =	ssettag $0x2  }
0x216: {  	s0 =	rddreg [dreg:$0x0];
	s2 =	stileid.u32  }
0x217: {  	s1 =	rddreg [dreg:$0x1];
	p0 =	sne.s32 s2, $0x0  }
0x218: {  	s3 =	rddreg [dreg:$0x2];
	[bflag:$0x3] =	sbarrier.arrive $0xFFFF;
	s2 =	simm.s32 @!p0 $0x1C14  }
0x219: {  	[timem:s3], [sflag:s2] =	dma.local @!p0 [hbm:s0], s1  }
0x21a: {  	s0 =	simm.s32 @!p0 $0x14  }
0x21b: {  	_ =	swait.ge @!p0 [sflag:s0], s1  }
0x21c: {  	s1 =	ssub.s32 @!p0 $0x0, s1;
	[sflag:s0] =	ssyncset.done @!p0 $0x0  }
0x21d: {  	[sflag:s0] =	ssyncadd.s32 @!p0 s1  }
0x21e: {  	[bflag:$0x3] =	sbarrier.arrive $0xFFFF  }
0x21f: {  	_ =	shalt  }

// kernel: kernel.7.cloned.1.call-start
scs
__scs_entry_jumppad:
0x0: {  	(pc) =	sbr.rel $0x88, $3  }
0x1: {  	(tag) =	ssettag $0x0;
	lr =	simm.s32 $0x1  }
0x2: {  	[smem:$0x3F9A] =	sst lr;
	_ =	strace $0xD0000000  }
0x3: {  	_ = 	snop  }
0x4: {  	_ = 	snop  }
0x5: {  	_ = 	snop  }
0x6: {  	_ = 	snop  }
0x7: {  	_ = 	snop  }
__scs_overlays_trampoline_lowered:
0x8: {  	[smem:$0x3FA9] =	sst s0  }
0x9: {  	[smem:$0x3FAA] =	sst s1  }
0xa: {  	[smem:$0x3FAB] =	sst s2  }
0xb: {  	[smem:$0x3FAC] =	sst s3  }
0xc: {  	[smem:$0x3FAD] =	sst s4  }
0xd: {  	[smem:$0x3FAE] =	sst s5  }
0xe: {  	[smem:$0x3FAF] =	sst s6  }
0xf: {  	[smem:$0x3FB0] =	sst s7  }
0x10: {  	[smem:$0x3FB1] =	sst s8  }
0x11: {  	[smem:$0x3FB2] =	sst s9;
	s0 =	simm.s32 @!p0 $0x0  }
0x12: {  	s1 =	sld [smem:$0x3F98];
	s0 =	simm.s32 @p0 $0x1  }
0x13: {  	[smem:$0x3FB3] =	sst s0;
	s0 =	simm.s32 @!p1 $0x0  }
0x14: {  	s2 =	sld [smem:$0x3F97];
	s0 =	simm.s32 @p1 $0x1  }
0x15: {  	[smem:$0x3FB4] =	sst s0;
	s0 =	simm.s32 @!p2 $0x0  }
0x16: {  	s3 =	sld [smem:$0x3FDB];
	s0 =	simm.s32 @p2 $0x1  }
0x17: {  	s4 =	simm.s32 $0x1BF5;
	[smem:$0x3FB6] =	sst s0  }
0x18: {  	s0 =	sld [smem:$0x3F99];
	_ =	swait.ge [sflag:s4], $0x0  }
0x19: {  	s7 =	sld [smem:$0x3F9A]  }
0x1a: {  	s8 =	sadd.s32 $0xFFFFE003, lr  }
0x1b: {  	s9 =	sadd.s32 $0xFFFFFEF7, lr;
	s5 =	simm.s32 $0xFFFFFFFF;
	p2 =	slt.u32 s8, $0xFFFFF086  }
0x1c: {  	p1 =	slt.u32 s9, $0xF7A;
	s5 =	simm.s32 @!p2 $0x0  }
0x1d: {  	s5 =	simm.s32 @p1 $0x1;
	p0 =	seq.s32 s7, s2  }
0x1e: {  	s7 =	smul.u32 @!p0 $0xF7A, s2;
	p2 =	seq.s32 @!p0 s5, $0x0  }
0x1f: {  	s9 =	smul.u32 $0xF7A, s1;
	s8 =	simm.s32 @!p0 $0x1BF5;
	p2 =	por !p2, p0  }
0x20: {  	[sflag:s8] =	ssyncset.s32 @!p0 $0xFFFFF086;
	s6 =	sadd.s32 @!p0 s3, s7;
	s7 =	simm.s32 @!p0 $0x108  }
0x21: {  	s3 =	sadd.s32 s3, s9;
	s6 =	sadd.s32 @!p0 $0x88, s6;
	s7 =	simm.s32 @p2 $0x1082  }
0x22: {  	[simem:s7], [sflag:s8] =	dma.local @!p0 [hbm:s6], $0xF7A  }
0x23: {  	s9 =	sor.u32 $0xD0000000, s2;
	s6 =	simm.s32 $0x108;
	_ =	swait.ge @!p0 [sflag:s8], $0x0  }
0x24: {  	s3 =	sadd.s32 $0x88, s3;
	s6 =	simm.s32 @!p1 $0x1082;
	[sflag:s4] =	ssyncset.s32 $0xFFFFF086  }
0x25: {  	[simem:s6], [sflag:s4] =	dma.local [hbm:s3], $0xF7A  }
0x26: {  	[smem:$0x3F9A] =	sst s1;
	(tag) =	ssettag s2;
	_ =	strace s9  }
0x27: {  	s1 =	sld [smem:$0x3FAA]  }
0x28: {  	s2 =	sld [smem:$0x3FAB]  }
0x29: {  	s4 =	sld [smem:$0x3FAD]  }
0x2a: {  	p0 =	seq.s32 s5, $0x0;
	s5 =	sld [smem:$0x3FAE]  }
0x2b: {  	s6 =	sld [smem:$0x3FAF]  }
0x2c: {  	s7 =	sld [smem:$0x3FB0]  }
0x2d: {  	s3 =	simm.s32 $0x108;
	s8 =	sld [smem:$0x3FB1]  }
0x2e: {  	s3 =	simm.s32 @!p0 $0x1082;
	s9 =	sld [smem:$0x3FB2]  }
0x2f: {  	lr =	sadd.s32 s0, s3;
	s0 =	sld [smem:$0x3FA9]  }
0x30: {  	s3 =	sld [smem:$0x3FAC]  }
0x31: {  	[smem:$0x3FB5] =	sst s10  }
0x32: {  	s10 =	sld [smem:$0x3FB3];
	_ =	sdelay $0x3  }
0x33: {  	p0 =	seq.s32 s10, $0x1;
	s10 =	sld [smem:$0x3FB5];
	_ =	sdelay $0x3  }
0x34: {  	[smem:$0x3FB5] =	sst s10  }
0x35: {  	s10 =	sld [smem:$0x3FB4];
	_ =	sdelay $0x3  }
0x36: {  	p1 =	seq.s32 s10, $0x1;
	s10 =	sld [smem:$0x3FB5];
	_ =	sdelay $0x3  }
0x37: {  	[smem:$0x3FB5] =	sst s10  }
0x38: {  	s10 =	sld [smem:$0x3FB6]  }
0x39: {  	_ = 	snop;
	(pc) =	sbr.ind lr, $3  }
0x3a: {  	_ = 	snop  }
0x3b: {  	_ = 	snop  }
0x3c: {  	p2 =	seq.s32 s10, $0x1;
	s10 =	sld [smem:$0x3FB5]  }
0x3d: {  	_ =	shalt  }
0x3e: {  	_ =	shalt  }
0x3f: {  	_ =	shalt  }
0x40: {  	_ =	shalt  }
0x41: {  	_ =	shalt  }
0x42: {  	_ =	shalt  }
0x43: {  	_ =	shalt  }
0x44: {  	_ =	shalt  }
0x45: {  	_ =	shalt  }
0x46: {  	_ =	shalt  }
0x47: {  	_ =	shalt  }
0x48: {  	_ =	shalt  }
0x49: {  	_ =	shalt  }
0x4a: {  	_ =	shalt  }
0x4b: {  	_ =	shalt  }
0x4c: {  	_ =	shalt  }
0x4d: {  	_ =	shalt  }
0x4e: {  	_ =	shalt  }
0x4f: {  	_ =	shalt  }
0x50: {  	_ =	shalt  }
0x51: {  	_ =	shalt  }
0x52: {  	_ =	shalt  }
0x53: {  	_ =	shalt  }
0x54: {  	_ =	shalt  }
0x55: {  	_ =	shalt  }
0x56: {  	_ =	shalt  }
0x57: {  	_ =	shalt  }
0x58: {  	_ =	shalt  }
0x59: {  	_ =	shalt  }
0x5a: {  	_ =	shalt  }
0x5b: {  	_ =	shalt  }
0x5c: {  	_ =	shalt  }
0x5d: {  	_ =	shalt  }
0x5e: {  	_ =	shalt  }
0x5f: {  	_ =	shalt  }
0x60: {  	_ =	shalt  }
0x61: {  	_ =	shalt  }
0x62: {  	_ =	shalt  }
0x63: {  	_ =	shalt  }
0x64: {  	_ =	shalt  }
0x65: {  	_ =	shalt  }
0x66: {  	_ =	shalt  }
0x67: {  	_ =	shalt  }
0x68: {  	_ =	shalt  }
0x69: {  	_ =	shalt  }
0x6a: {  	_ =	shalt  }
0x6b: {  	_ =	shalt  }
0x6c: {  	_ =	shalt  }
0x6d: {  	_ =	shalt  }
0x6e: {  	_ =	shalt  }
0x6f: {  	_ =	shalt  }
0x70: {  	_ =	shalt  }
0x71: {  	_ =	shalt  }
0x72: {  	_ =	shalt  }
0x73: {  	_ =	shalt  }
0x74: {  	_ =	shalt  }
0x75: {  	_ =	shalt  }
0x76: {  	_ =	shalt  }
0x77: {  	_ =	shalt  }
0x78: {  	_ =	shalt  }
0x79: {  	_ =	shalt  }
0x7a: {  	_ =	shalt  }
0x7b: {  	_ =	shalt  }
0x7c: {  	_ =	shalt  }
0x7d: {  	_ =	shalt  }
0x7e: {  	_ =	shalt  }
0x7f: {  	_ =	shalt  }
0x80: {  	_ =	shalt  }
0x81: {  	_ =	shalt  }
0x82: {  	_ =	shalt  }
0x83: {  	_ =	shalt  }
0x84: {  	_ =	shalt  }
0x85: {  	_ =	shalt  }
0x86: {  	_ =	shalt  }
0x87: {  	_ =	shalt  }
.Lfunc_end0:
.L_simem_size_0:
called_computation_lowered:
.L_overlay_start_0:
0x88: {  	s2 =	sld [smem:$0x3FD9]  }
0x89: {  	s3 =	sld [smem:$0x3FFE];
	_ =	sdelay $0x1  }
0x8a: {  	s1 =	srdreg.scid  }
0x8b: {  	s0 =	sand.u32 $0x1, s1  }
0x8c: {  	s16 =	sshll.u32 s0, $0xA;
	s2 =	sadd.s32 s3, s2  }
0x8d: {  	s2 =	sadd.s32 s2, s16  }
0x8e: {  	[smem:$0x3FC1] =	sst s2  }
0x8f: {  	_ = 	snop  }
0x90: {  	(tm) =	ssettm $0x1  }
0x91: {  	s17 =	sld [smem:$0x3FFB];
	_ =	sdelay $0x3  }
0x92: {  	_ =	strace s17  }
0x93: {  	s2 =	sld [smem:$0x3FFC];
	_ =	sdelay $0x3  }
0x94: {  	_ =	strace s2  }
0x95: {  	s2 =	sld [smem:$0x3FFD];
	_ =	sdelay $0x3  }
0x96: {  	_ =	strace s2  }
0x97: {  	_ =	strace $0x8FFFFFFF  }
0x98: {  	s18 =	sld [smem:$0x3FDB];
	_ =	sdelay $0x1  }
0x99: {  	s19 =	simm.s32 $_scs_section_size  }
0x9a: {  	s4 =	simm.s32 $_size__tile_overlayer_lowered;
	s5 =	simm.s32 $_tile_overlayer_lowered  }
0x9b: {  	s22 =	simm.s32 $0x1BFF;
	s21 =	sshll.u32 s5, $0x1;
	s2 =	sadd.s32 s19, s18  }
0x9c: {  	s6 =	simm.s32 $0x0;
	s20 =	sshll.u32 s4, $0x1;
	s4 =	sadd.s32 s21, s2  }
0x9d: {  	[timem:s6], [sflag:s22] =	dma.local [hbm:s4], s20  }
0x9e: {  	_ =	swait.ge [sflag:s22], s20  }
0x9f: {  	s3 =	ssub.s32 $0x0, s20;
	[sflag:s22] =	ssyncset.done $0x0  }
0xa0: {  	[sflag:s22] =	ssyncadd.s32 s3;
	_ =	sdelay $0x1  }
0xa1: {  	s23 =	simm.s32 $0x1B8B  }
0xa2: {  	_ =	swait.ge [sflag:s23], $0x1  }
0xa3: {  	[sflag:s23] =	ssyncset.done $0x0  }
0xa4: {  	s25 =	simm.s32 $0x1B8E;
	s24 =	sld [smem:$0x3FFE];
	[sflag:s23] =	ssyncadd.s32 $0xFFFFFFFF  }
0xa5: {  	s26 =	simm.s32 $execute0_lowered;
	[smem:$0x3FD2] =	sst s25  }
0xa6: {  	s4 =	sshll.u32 s26, $0x1;
	_ =	strace $0x80000046;
	[dreg:$0x1] =	wrdreg $0xFFFFFFFF  }
0xa7: {  	s28 =	simm.s32 $_size_execute0_lowered;
	s2 =	sadd.s32 s2, s4;
	[dreg:$0x0] =	wrdreg $0x0  }
0xa8: {  	s4 =	sshll.u32 s28, $0x1;
	[dreg:$0x2] =	wrdreg s2  }
0xa9: {  	[dreg:$0x3] =	wrdreg s4  }
0xaa: {  	[dreg:$0x4] =	wrdreg $0xC0  }
0xab: {  	_ =	task [dreg:s6], $0x5FFFF  }
0xac: {  	[dreg:$0x1] =	wrdreg $0xFFFFFFFF  }
0xad: {  	[dreg:$0x0] =	wrdreg $0x60  }
0xae: {  	[dreg:$0x2] =	wrdreg s24  }
0xaf: {  	[dreg:$0x3] =	wrdreg $0x37800  }
0xb0: {  	[dreg:$0x4] =	wrdreg $0x9  }
0xb1: {  	_ =	task.clear_ibuf [dreg:s6], $0x5FFFF;
	_ =	strace $0x90000046  }
0xb2: {  	s29 =	simm.s32 $0x9;
	_ =	strace $0x80000048  }
0xb3: {  	_ =	swait.ge [sflag:s29], $0x1  }
0xb4: {  	[sflag:s29] =	ssyncadd.s32 $0xFFFFFFFF  }
0xb5: {  	_ =	strace $0x90000048  }
0xb6: {  	_ =	sfence  }
0xb7: {  	s30 =	sld [smem:$0x0];
	_ =	sdelay $0x2  }
0xb8: {  	s31 =	sshll.u32 s1, $0xD;
	s1 =	sshrl.u32 s1, $0x2  }
0xb9: {  	s3 =	sand.u32 $0x4000, s31;
	s1 =	sadd.s32 s1, s30  }
0xba: {  	s0 =	sor.u32 s3, s0;
	s1 =	sshll.u32 s1, $0x11  }
0xbb: {  	s0 =	sor.u32 s1, s0  }
0xbc: {  	s0 =	sadd.s32 $0x8F2B, s0  }
0xbd: {  	[sflag:s0] =	ssyncadd.remote.s32 $0x1  }
0xbe: {  	_ =	sfence.sel $0xFFFF  }
0xbf: {  	[dreg:$0x0] =	wrdreg $0xFFFFFFFF;
	(pc) =	sbr.abs _section_cstart, $3  }
0xc0: {  	[dreg:$0x1] =	wrdreg $0xFFFFFFFF  }
0xc1: {  	_ =	task.clear_ibuf [dreg:s6], $0x2FFFF;
	_ =	strace $0x9FFFFFFF  }
0xc2: {  	(tm) =	ssettm $0x7FFFFFFF  }
0xc3: {  	_ =	shalt  }
tec
execute0_lowered:
.L_overlay_start_1:
0x0: {  	(tag) =	ssettag $0x1  }
0x1: {  	s0 =	srdreg.scid  }
0x2: {  	s9 =	stileid.u32;
	s3 =	rddreg [dreg:$0x0]  }
0x3: {  	s2 =	rddreg [dreg:$0x1];
	s5 =	simm.s32 $0x0;
	s17 =	simm.s32 $0xA  }
0x4: {  	s18 =	simm.s32 $0x1;
	s28 =	simm.s32 $0x7;
	s29 =	simm.s32 $0x8  }
0x5: {  	s30 =	simm.s32 $0x9;
	s0 =	sand.u32 $0x1, s0;
	s6 =	smul.u32 $0x280, s9  }
0x6: {  	s1 =	sshll.u32 s9, $0x1;
	[smem:$0x7FF] =	sst s5;
	s9 =	smul.u32 $0xA000, s9  }
0x7: {  	s1 =	sor.u32 s0, s1;
	s7 =	ssub.s32 $0x2, s0;
	s0 =	smul.u32 $0x2800, s0  }
0x8: {  	s31 =	simm.s32 $0x0;
	_ =	strace $0x80000047;
	s1 =	smul.u32 $0x9C4, s1  }
0x9: {  	s8 =	sshrl.u32 s7, $0x1;
	s21 =	sshrl.u32 s9, $0x2;
	s24 =	sadd.s32 $0x80, s6  }
0xa: {  	s14 =	sadd.s32 $0x100, s6;
	s15 =	sadd.s32 $0x180, s6;
	s7 =	ssub.s32 s7, s8  }
0xb: {  	s20 =	sadd.s32 s0, s6;
	s12 =	sadd.s32 s0, s24;
	s13 =	sadd.s32 s0, s14  }
0xc: {  	s14 =	sshll.u32 s14, $0x4;
	s16 =	sadd.s32 s0, s15;
	s6 =	sadd.s32 $0x200, s6  }
0xd: {  	s15 =	sshll.u32 s15, $0x4;
	s4 =	sshrl.u32 s1, $0x5;
	s1 =	sadd.s32 $0x9C4, s1  }
0xe: {  	s8 =	sshll.u32 s20, $0x1;
	s23 =	smax.u32 s7, $0x1;
	s12 =	sshll.u32 s12, $0x1  }
0xf: {  	s13 =	sshll.u32 s13, $0x1;
	s25 =	sshll.u32 s16, $0x1;
	s0 =	sadd.s32 s0, s6  }
0x10: {  	s26 =	sshll.u32 s6, $0x4;
	s16 =	simm.s32 $0x2F80;
	s20 =	simm.s32 $0x2780  }
0x11: {  	s19 =	sshll.u32 s4, $0x4;
	s1 =	sshrl.u32 s1, $0x5;
	[dreg:$0x5] =	wrdreg s23  }
0x12: {  	s0 =	sshll.u32 s0, $0x1;
	s5 =	sadd.s32 s19, s3;
	s3 =	sadd.s32 $0x15800, s3  }
0x13: {  	s1 =	ssub.s32 s1, s4;
	s4 =	sshll.u32 s24, $0x4;
	s24 =	sadd.s32 s15, s2  }
0x14: {  	s19 =	simm.s32 $0x80;
	s5 =	sadd.s32 $0xBA40, s5;
	s22 =	sadd.s32 s3, s8  }
0x15: {  	s12 =	sadd.s32 s3, s12;
	s4 =	sadd.s32 s4, s2;
	p0 =	seq.s32 s1, $0x4B  }
0x16: {  	s13 =	sadd.s32 s3, s13;
	s15 =	sadd.s32 s3, s0;
	p5 =	slt.u32 @!p0 s1, $0x4D  }
0x17: {  	s0 =	sadd.s32 s26, s2;
	p3 =	slt.s32 s1, $0x49;
	p1 =	por p5, p0  }
0x18: {  	s24 =	sshrl.u32 s24, $0x3;
	s26 =	simm.s32 $0x6;
	p4 =	seq.s32 @!p1 s1, $0x4D  }
0x19: {  	[dreg:$0x3] =	wrdreg s5;
	s5 =	sadd.s32 s21, s2;
	p2 =	por @!p0 p4, p5  }
0x1a: {  	[dreg:$0x4] =	wrdreg s22;
	s21 =	sadd.s32 s14, s2;
	p2 =	por p2, p0  }
0x1b: {  	s14 =	sadd.s32 s3, s25;
	s22 =	sshrl.u32 s4, $0x3;
	p6 =	slt.u32 @!p2 s1, $0x4F  }
0x1c: {  	s25 =	sshrl.u32 s0, $0x3;
	p6 =	por @!p1 p6, p4;
	p4 =	seq.s32 @!p3 s1, $0x49  }
0x1d: {  	s3 =	simm.s32 $0x3;
	s0 =	simm.s32 $0x4;
	p4 =	por p3, p4  }
.Ltmp0:
0x1e: {  	p5 =	por @!p0 p6, p5;
	p6 =	slt.u32 @!p4 s1, $0x4B;
	(pc) =	sbr.rel .LBB2_1-.Ltmp0, $4  }
0x1f: {  	s8 =	sadd.s32 $0x800, s5;
	s9 =	sadd.s32 $0x1000, s5;
	p6 =	por p4, p6  }
0x20: {  	s10 =	sadd.s32 $0x1800, s5;
	s11 =	sadd.s32 $0x2000, s5;
	s1 =	simm.s32 @!p6 $0x0  }
0x21: {  	s23 =	sshrl.u32 s21, $0x3;
	s21 =	simm.s32 $0x5;
	s1 =	simm.s32 @p6 $0x1  }
0x22: {  	v0 =	vimm.f32 $1.000000000e+00;
	v1 =	vimm.f32 $0.0e+00;
	p6 =	por p5, p0;
	[smem:$0x7FD] =	sst s1;
	s1 =	simm.s32 $0x2  }
.LBB2_7:
0x23: {  	_ =	swait.ge [sflag:s1], $0x800  }
0x24: {  	[sflag:s1] =	ssyncset.done $0x0  }
0x25: {  	[sflag:s1] =	ssyncadd.s32 $0xFFFFF800  }
0x26: {  	_ =	swait.ge [sflag:s3], $0x800  }
0x27: {  	[sflag:s3] =	ssyncset.done $0x0  }
0x28: {  	[sflag:s3] =	ssyncadd.s32 $0xFFFFF800  }
0x29: {  	_ =	swait.ge [sflag:s0], $0x800  }
0x2a: {  	[sflag:s0] =	ssyncset.done $0x0  }
0x2b: {  	[sflag:s0] =	ssyncadd.s32 $0xFFFFF800  }
0x2c: {  	_ =	swait.ge [sflag:s21], $0x800  }
0x2d: {  	[sflag:s21] =	ssyncset.done $0x0  }
0x2e: {  	[sflag:s21] =	ssyncadd.s32 $0xFFFFF800  }
0x2f: {  	_ =	swait.ge [sflag:s26], $0x800  }
0x30: {  	[sflag:s26] =	ssyncset.done $0x0  }
0x31: {  	[sflag:s26] =	ssyncadd.s32 $0xFFFFF800  }
0x32: {  	_ =	swait.ge [sflag:s28], $0x800  }
0x33: {  	[sflag:s28] =	ssyncset.done $0x0  }
0x34: {  	[sflag:s28] =	ssyncadd.s32 $0xFFFFF800  }
0x35: {  	_ =	swait.ge [sflag:s29], $0x800  }
0x36: {  	[sflag:s29] =	ssyncset.done $0x0  }
0x37: {  	[sflag:s29] =	ssyncadd.s32 $0xFFFFF800  }
0x38: {  	_ =	swait.ge [sflag:s30], $0x800  }
0x39: {  	[sflag:s30] =	ssyncset.done $0x0  }
0x3a: {  	s4 =	stileid.u32;
	[sflag:s30] =	ssyncadd.s32 $0xFFFFF800  }
0x3b: {  	s4 =	sshll.u32 s4, $0x6;
	[bflag:$0x0] =	sbarrier.arrive $0xFFFF  }
0x3c: {  	s6 =	sshrl.u32 s5, $0x3;
	s4 =	sor.u32 $0x1C0A, s4;
	s7 =	rddreg [dreg:$0x4]  }
0x3d: {  	[hbm:s7], [sflag:s4] =	dma.local [spmem:s6], $0x100  }
0x3e: {  	_ =	swait.ge [sflag:s17], $0x100  }
0x3f: {  	[sflag:s17] =	ssyncset.done $0x0  }
0x40: {  	[sflag:s17] =	ssyncadd.s32 $0xFFFFFF00  }
0x41: {  	[hbm:s12], [sflag:s4] =	dma.local [spmem:s22], $0x100  }
0x42: {  	_ =	swait.ge [sflag:s17], $0x100  }
0x43: {  	[sflag:s17] =	ssyncset.done $0x0  }
0x44: {  	[sflag:s17] =	ssyncadd.s32 $0xFFFFFF00  }
0x45: {  	[hbm:s13], [sflag:s4] =	dma.local [spmem:s23], $0x100  }
0x46: {  	_ =	swait.ge [sflag:s17], $0x100  }
0x47: {  	[sflag:s17] =	ssyncset.done $0x0  }
0x48: {  	[sflag:s17] =	ssyncadd.s32 $0xFFFFFF00  }
0x49: {  	[hbm:s14], [sflag:s4] =	dma.local [spmem:s24], $0x100  }
0x4a: {  	_ =	swait.ge [sflag:s17], $0x100  }
0x4b: {  	[sflag:s17] =	ssyncset.done $0x0  }
0x4c: {  	[sflag:s17] =	ssyncadd.s32 $0xFFFFFF00  }
0x4d: {  	[hbm:s15], [sflag:s4] =	dma.local [spmem:s25], $0x100  }
0x4e: {  	_ =	swait.ge [sflag:s17], $0x100  }
0x4f: {  	s31 =	sadd.s32 $0x1, s31;
	s7 =	rddreg [dreg:$0x5]  }
0x50: {  	p5 =	sne.s32 s31, s7  }
.Ltmp1:
0x51: {  	_ = 	snop;
	(pc) =	sbr.rel @!p5 .LBB2_8-.Ltmp1, $3  }
0x52: {  	_ =	sdelay $0x1  }
0x53: {  	[sflag:s17] =	ssyncset.done $0x0  }
0x54: {  	[sflag:s17] =	ssyncadd.s32 $0xFFFFFF00  }
.LBB2_1:
0x55: {  	s4 =	simm.s32 $0x0;
	s6 =	rddreg [dreg:$0x3]  }
0x56: {  	[tilespmem:s4], [sflag:$0x1] =	stream.linear.gather [hbm4b:s6+s4], $0x2780, $0x38;
	[tilespmem:$0x5F80] =	vst v63  }
0x57: {  	s4 =	simm.s32 $0x40;
	s6 =	simm.s32 $0x0  }
.LBB2_2:
0x58: {  	p5 =	sne.s32 s4, $0x1FC0;
	[tilespmem:s6+$0x2780] =	vst v0;
	s7 =	smov.u32 s4;
	s4 =	sadd.s32 $0x40, s4  }
.Ltmp2:
0x59: {  	[tilespmem:s6+$0x2F80] =	vst v1;
	(pc) =	sbr.rel @p5 .LBB2_2-.Ltmp2, $2  }
0x5a: {  	_ =	sdelay $0x2  }
0x5b: {  	s6 =	sshra.s32 s7, $0x2  }
0x5c: {  	[tilespmem:s6+$0x2780] =	vst v0  }
0x5d: {  	[tilespmem:s6+$0x2F80] =	vst v1  }
0x5e: {  	[spmem:s5] =	stream.linear.scatter [tilespmem:s16], [sflag:$0xA], $0x800, $0x38;
	[tilespmem:$0x5F80] =	vst v63  }
0x5f: {  	_ =	swait.ge [sflag:s17], $0x800  }
0x60: {  	[sflag:s17] =	ssyncset.done $0x0  }
0x61: {  	[sflag:s17] =	ssyncadd.s32 $0xFFFFF800  }
0x62: {  	[spmem:s8] =	stream.linear.scatter [tilespmem:s16], [sflag:$0xA], $0x800, $0x38;
	[tilespmem:$0x5F80] =	vst v63  }
0x63: {  	_ =	swait.ge [sflag:s17], $0x800  }
0x64: {  	[sflag:s17] =	ssyncset.done $0x0  }
0x65: {  	[sflag:s17] =	ssyncadd.s32 $0xFFFFF800  }
0x66: {  	[spmem:s9] =	stream.linear.scatter [tilespmem:s16], [sflag:$0xA], $0x800, $0x38;
	[tilespmem:$0x5F80] =	vst v63  }
0x67: {  	_ =	swait.ge [sflag:s17], $0x800  }
0x68: {  	[sflag:s17] =	ssyncset.done $0x0  }
0x69: {  	[sflag:s17] =	ssyncadd.s32 $0xFFFFF800  }
0x6a: {  	[spmem:s10] =	stream.linear.scatter [tilespmem:s16], [sflag:$0xA], $0x800, $0x38;
	[tilespmem:$0x5F80] =	vst v63  }
0x6b: {  	_ =	swait.ge [sflag:s17], $0x800  }
0x6c: {  	[sflag:s17] =	ssyncset.done $0x0  }
0x6d: {  	[sflag:s17] =	ssyncadd.s32 $0xFFFFF800  }
0x6e: {  	[spmem:s11] =	stream.linear.scatter [tilespmem:s16], [sflag:$0xA], $0x800, $0x38;
	[tilespmem:$0x5F80] =	vst v63  }
0x6f: {  	_ =	swait.ge [sflag:s17], $0x800  }
0x70: {  	[sflag:s17] =	ssyncset.done $0x0  }
0x71: {  	[sflag:s17] =	ssyncadd.s32 $0xFFFFF800  }
0x72: {  	[bflag:$0x0] =	sbarrier.arrive $0xFFFF  }
0x73: {  	_ =	swait.ge [sflag:s18], $0x2780  }
0x74: {  	[sflag:s18] =	ssyncset.done $0x0  }
0x75: {  	s4 =	simm.s32 $0x0;
	[sflag:s18] =	ssyncadd.s32 $0xFFFFD880  }
0x76: {  	[spmem:s2] =	stream.indirect.scatter.add.f32 [tilespmem:s20], [sflag:$0x2], $0x10, s4, s19, $0xb8;
	[tilespmem:$0x5F80] =	vst v63  }
0x77: {  	_ = 	snop  }
0x78: {  	[spmem:s2] =	stream.indirect.scatter.add.f32 [tilespmem:s20], [sflag:$0x3], $0x10, s19, s19, $0xb8;
	[tilespmem:$0x5F80] =	vst v63  }
0x79: {  	s7 =	simm.s32 $0x100  }
0x7a: {  	[spmem:s2] =	stream.indirect.scatter.add.f32 [tilespmem:s20], [sflag:$0x4], $0x10, s7, s19, $0xb8;
	[tilespmem:$0x5F80] =	vst v63  }
0x7b: {  	s6 =	simm.s32 $0x180  }
0x7c: {  	[spmem:s2] =	stream.indirect.scatter.add.f32 [tilespmem:s20], [sflag:$0x5], $0x10, s6, s19, $0xb8;
	[tilespmem:$0x5F80] =	vst v63  }
0x7d: {  	s7 =	simm.s32 $0x200  }
0x7e: {  	[spmem:s2] =	stream.indirect.scatter.add.f32 [tilespmem:s20], [sflag:$0x6], $0x10, s7, s19, $0xb8;
	[tilespmem:$0x5F80] =	vst v63  }
0x7f: {  	s6 =	simm.s32 $0x280  }
0x80: {  	[spmem:s2] =	stream.indirect.scatter.add.f32 [tilespmem:s20], [sflag:$0x7], $0x10, s6, s19, $0xb8;
	[tilespmem:$0x5F80] =	vst v63  }
0x81: {  	s7 =	simm.s32 $0x300  }
0x82: {  	[spmem:s2] =	stream.indirect.scatter.add.f32 [tilespmem:s20], [sflag:$0x8], $0x10, s7, s19, $0xb8;
	[tilespmem:$0x5F80] =	vst v63  }
0x83: {  	s6 =	simm.s32 $0x380  }
0x84: {  	[spmem:s2] =	stream.indirect.scatter.add.f32 [tilespmem:s20], [sflag:$0x9], $0x10, s6, s19, $0xb8;
	[tilespmem:$0x5F80] =	vst v63  }
0x85: {  	_ =	swait.ge [sflag:s1], $0x800  }
0x86: {  	[sflag:s1] =	ssyncset.done $0x0  }
0x87: {  	s7 =	simm.s32 $0x400;
	[sflag:s1] =	ssyncadd.s32 $0xFFFFF800  }
0x88: {  	[spmem:s2] =	stream.indirect.scatter.add.f32 [tilespmem:s20], [sflag:$0x2], $0x10, s7, s19, $0xb8;
	[tilespmem:$0x5F80] =	vst v63  }
0x89: {  	_ =	swait.ge [sflag:s3], $0x800  }
0x8a: {  	[sflag:s3] =	ssyncset.done $0x0  }
0x8b: {  	s6 =	simm.s32 $0x480;
	[sflag:s3] =	ssyncadd.s32 $0xFFFFF800  }
0x8c: {  	[spmem:s2] =	stream.indirect.scatter.add.f32 [tilespmem:s20], [sflag:$0x3], $0x10, s6, s19, $0xb8;
	[tilespmem:$0x5F80] =	vst v63  }
0x8d: {  	_ =	swait.ge [sflag:s0], $0x800  }
0x8e: {  	[sflag:s0] =	ssyncset.done $0x0  }
0x8f: {  	s7 =	simm.s32 $0x500;
	[sflag:s0] =	ssyncadd.s32 $0xFFFFF800  }
0x90: {  	[spmem:s2] =	stream.indirect.scatter.add.f32 [tilespmem:s20], [sflag:$0x4], $0x10, s7, s19, $0xb8;
	[tilespmem:$0x5F80] =	vst v63  }
0x91: {  	_ =	swait.ge [sflag:s21], $0x800  }
0x92: {  	[sflag:s21] =	ssyncset.done $0x0  }
0x93: {  	s6 =	simm.s32 $0x580;
	[sflag:s21] =	ssyncadd.s32 $0xFFFFF800  }
0x94: {  	[spmem:s2] =	stream.indirect.scatter.add.f32 [tilespmem:s20], [sflag:$0x5], $0x10, s6, s19, $0xb8;
	[tilespmem:$0x5F80] =	vst v63  }
0x95: {  	_ =	swait.ge [sflag:s26], $0x800  }
0x96: {  	[sflag:s26] =	ssyncset.done $0x0  }
0x97: {  	s7 =	simm.s32 $0x600;
	[sflag:s26] =	ssyncadd.s32 $0xFFFFF800  }
0x98: {  	[spmem:s2] =	stream.indirect.scatter.add.f32 [tilespmem:s20], [sflag:$0x6], $0x10, s7, s19, $0xb8;
	[tilespmem:$0x5F80] =	vst v63  }
0x99: {  	_ =	swait.ge [sflag:s28], $0x800  }
0x9a: {  	[sflag:s28] =	ssyncset.done $0x0  }
0x9b: {  	s6 =	simm.s32 $0x680;
	[sflag:s28] =	ssyncadd.s32 $0xFFFFF800  }
0x9c: {  	[spmem:s2] =	stream.indirect.scatter.add.f32 [tilespmem:s20], [sflag:$0x7], $0x10, s6, s19, $0xb8;
	[tilespmem:$0x5F80] =	vst v63  }
0x9d: {  	_ =	swait.ge [sflag:s29], $0x800  }
0x9e: {  	[sflag:s29] =	ssyncset.done $0x0  }
0x9f: {  	s7 =	simm.s32 $0x700;
	[sflag:s29] =	ssyncadd.s32 $0xFFFFF800  }
0xa0: {  	[spmem:s2] =	stream.indirect.scatter.add.f32 [tilespmem:s20], [sflag:$0x8], $0x10, s7, s19, $0xb8;
	[tilespmem:$0x5F80] =	vst v63  }
0xa1: {  	_ =	swait.ge [sflag:s30], $0x800  }
0xa2: {  	[sflag:s30] =	ssyncset.done $0x0  }
0xa3: {  	s4 =	simm.s32 $0x1000;
	s6 =	simm.s32 $0x780;
	[sflag:s30] =	ssyncadd.s32 $0xFFFFF800  }
.LBB2_4:
0xa4: {  	[spmem:s2] =	stream.indirect.scatter.add.f32 [tilespmem:s20], [sflag:$0x9], $0x10, s6, s19, $0xb8;
	[tilespmem:$0x5F80] =	vst v63  }
0xa5: {  	s6 =	smov.u32 s4  }
0xa6: {  	p5 =	sne.s32 s4, $0x7000;
	s4 =	sadd.s32 $0x1000, s4;
	_ =	swait.ge [sflag:s1], $0x800  }
0xa7: {  	s6 =	sshra.s32 s6, $0x2;
	[sflag:s1] =	ssyncset.done $0x0  }
0xa8: {  	s7 =	sadd.s32 $0x400, s6;
	[sflag:s1] =	ssyncadd.s32 $0xFFFFF800  }
0xa9: {  	[spmem:s2] =	stream.indirect.scatter.add.f32 [tilespmem:s20], [sflag:$0x2], $0x10, s7, s19, $0xb8;
	[tilespmem:$0x5F80] =	vst v63  }
0xaa: {  	_ =	swait.ge [sflag:s3], $0x800  }
0xab: {  	[sflag:s3] =	ssyncset.done $0x0  }
0xac: {  	s7 =	sadd.s32 $0x480, s6;
	[sflag:s3] =	ssyncadd.s32 $0xFFFFF800  }
0xad: {  	[spmem:s2] =	stream.indirect.scatter.add.f32 [tilespmem:s20], [sflag:$0x3], $0x10, s7, s19, $0xb8;
	[tilespmem:$0x5F80] =	vst v63  }
0xae: {  	_ =	swait.ge [sflag:s0], $0x800  }
0xaf: {  	[sflag:s0] =	ssyncset.done $0x0  }
0xb0: {  	s7 =	sadd.s32 $0x500, s6;
	[sflag:s0] =	ssyncadd.s32 $0xFFFFF800  }
0xb1: {  	[spmem:s2] =	stream.indirect.scatter.add.f32 [tilespmem:s20], [sflag:$0x4], $0x10, s7, s19, $0xb8;
	[tilespmem:$0x5F80] =	vst v63  }
0xb2: {  	_ =	swait.ge [sflag:s21], $0x800  }
0xb3: {  	[sflag:s21] =	ssyncset.done $0x0  }
0xb4: {  	s7 =	sadd.s32 $0x580, s6;
	[sflag:s21] =	ssyncadd.s32 $0xFFFFF800  }
0xb5: {  	[spmem:s2] =	stream.indirect.scatter.add.f32 [tilespmem:s20], [sflag:$0x5], $0x10, s7, s19, $0xb8;
	[tilespmem:$0x5F80] =	vst v63  }
0xb6: {  	_ =	swait.ge [sflag:s26], $0x800  }
0xb7: {  	[sflag:s26] =	ssyncset.done $0x0  }
0xb8: {  	s7 =	sadd.s32 $0x600, s6;
	[sflag:s26] =	ssyncadd.s32 $0xFFFFF800  }
0xb9: {  	[spmem:s2] =	stream.indirect.scatter.add.f32 [tilespmem:s20], [sflag:$0x6], $0x10, s7, s19, $0xb8;
	[tilespmem:$0x5F80] =	vst v63  }
0xba: {  	_ =	swait.ge [sflag:s28], $0x800  }
0xbb: {  	[sflag:s28] =	ssyncset.done $0x0  }
0xbc: {  	s7 =	sadd.s32 $0x680, s6;
	[sflag:s28] =	ssyncadd.s32 $0xFFFFF800  }
0xbd: {  	[spmem:s2] =	stream.indirect.scatter.add.f32 [tilespmem:s20], [sflag:$0x7], $0x10, s7, s19, $0xb8;
	[tilespmem:$0x5F80] =	vst v63  }
0xbe: {  	_ =	swait.ge [sflag:s29], $0x800  }
0xbf: {  	[sflag:s29] =	ssyncset.done $0x0  }
.Ltmp3:
0xc0: {  	s7 =	sadd.s32 $0x700, s6;
	[sflag:s29] =	ssyncadd.s32 $0xFFFFF800;
	(pc) =	sbr.rel @p5 .LBB2_4-.Ltmp3, $4  }
0xc1: {  	[spmem:s2] =	stream.indirect.scatter.add.f32 [tilespmem:s20], [sflag:$0x8], $0x10, s7, s19, $0xb8;
	[tilespmem:$0x5F80] =	vst v63  }
0xc2: {  	_ =	swait.ge [sflag:s30], $0x800  }
0xc3: {  	[sflag:s30] =	ssyncset.done $0x0  }
0xc4: {  	s6 =	sadd.s32 $0x780, s6;
	[sflag:s30] =	ssyncadd.s32 $0xFFFFF800  }
0xc5: {  	[spmem:s2] =	stream.indirect.scatter.add.f32 [tilespmem:s20], [sflag:$0x9], $0x10, s6, s19, $0xb8;
	[tilespmem:$0x5F80] =	vst v63  }
0xc6: {  	s4 =	simm.s32 @!p3 $0x2  }
0xc7: {  	_ =	swait.ge @!p3 [sflag:s4], $0x800  }
0xc8: {  	s6 =	simm.s32 @!p3 $0x2400;
	[sflag:s4] =	ssyncset.done @!p3 $0x0  }
0xc9: {  	s7 =	simm.s32 @!p3 $0x2780;
	[sflag:s4] =	ssyncadd.s32 @!p3 $0xFFFFF800;
	s4 =	simm.s32 @!p3 $0x80  }
0xca: {  	[spmem:s2] =	stream.indirect.scatter.add.f32 @!p3 [tilespmem:s7], [sflag:$0x2], $0x10, s6, s4, $0xb8;
	[tilespmem:$0x5F80] =	vst v63  }
0xcb: {  	s4 =	simm.s32 @!p4 $0x3  }
0xcc: {  	_ =	swait.ge @!p4 [sflag:s4], $0x800  }
0xcd: {  	s6 =	simm.s32 @!p4 $0x2480;
	[sflag:s4] =	ssyncset.done @!p4 $0x0  }
0xce: {  	s7 =	simm.s32 @!p4 $0x2780;
	[sflag:s4] =	ssyncadd.s32 @!p4 $0xFFFFF800;
	s4 =	simm.s32 @!p4 $0x80  }
0xcf: {  	[spmem:s2] =	stream.indirect.scatter.add.f32 @!p4 [tilespmem:s7], [sflag:$0x3], $0x10, s6, s4, $0xb8;
	[tilespmem:$0x5F80] =	vst v63  }
0xd0: {  	s7 =	sld [smem:$0x7FD];
	_ =	sdelay $0x2  }
0xd1: {  	p5 =	seq.s32 s7, $0x1  }
.Ltmp4:
0xd2: {  	_ = 	snop;
	(pc) =	sbr.rel @p5 .LBB2_7-.Ltmp4, $1  }
0xd3: {  	_ =	sdelay $0x3  }
0xd4: {  	_ =	swait.ge [sflag:s0], $0x800  }
0xd5: {  	[sflag:s0] =	ssyncset.done $0x0  }
0xd6: {  	s4 =	simm.s32 $0x2500;
	[sflag:s0] =	ssyncadd.s32 $0xFFFFF800  }
0xd7: {  	[spmem:s2] =	stream.indirect.scatter.add.f32 [tilespmem:s20], [sflag:$0x4], $0x10, s4, s19, $0xb8;
	[tilespmem:$0x5F80] =	vst v63  }
0xd8: {  	s4 =	simm.s32 @!p0 $0x5  }
0xd9: {  	_ =	swait.ge @!p0 [sflag:s4], $0x800  }
0xda: {  	s6 =	simm.s32 @!p0 $0x2580;
	[sflag:s4] =	ssyncset.done @!p0 $0x0  }
0xdb: {  	s7 =	simm.s32 @!p0 $0x2780;
	[sflag:s4] =	ssyncadd.s32 @!p0 $0xFFFFF800;
	s4 =	simm.s32 @!p0 $0x80  }
0xdc: {  	[spmem:s2] =	stream.indirect.scatter.add.f32 @!p0 [tilespmem:s7], [sflag:$0x5], $0x10, s6, s4, $0xb8;
	[tilespmem:$0x5F80] =	vst v63  }
0xdd: {  	s4 =	simm.s32 @!p1 $0x6  }
0xde: {  	_ =	swait.ge @!p1 [sflag:s4], $0x800  }
0xdf: {  	s6 =	simm.s32 @!p1 $0x2600;
	[sflag:s4] =	ssyncset.done @!p1 $0x0  }
0xe0: {  	s7 =	simm.s32 @!p1 $0x2780;
	[sflag:s4] =	ssyncadd.s32 @!p1 $0xFFFFF800;
	s4 =	simm.s32 @!p1 $0x80  }
0xe1: {  	[spmem:s2] =	stream.indirect.scatter.add.f32 @!p1 [tilespmem:s7], [sflag:$0x6], $0x10, s6, s4, $0xb8;
	[tilespmem:$0x5F80] =	vst v63  }
0xe2: {  	s4 =	simm.s32 @!p2 $0x7  }
0xe3: {  	_ =	swait.ge @!p2 [sflag:s4], $0x800  }
0xe4: {  	s6 =	simm.s32 @!p2 $0x2680;
	[sflag:s4] =	ssyncset.done @!p2 $0x0  }
0xe5: {  	s7 =	simm.s32 @!p2 $0x2780;
	[sflag:s4] =	ssyncadd.s32 @!p2 $0xFFFFF800;
	s4 =	simm.s32 @!p2 $0x80  }
0xe6: {  	[spmem:s2] =	stream.indirect.scatter.add.f32 @!p2 [tilespmem:s7], [sflag:$0x7], $0x10, s6, s4, $0xb8;
	[tilespmem:$0x5F80] =	vst v63  }
.Ltmp5:
0xe7: {  	s4 =	simm.s32 @!p6 $0x8;
	(pc) =	sbr.rel .LBB2_7-.Ltmp5, $4  }
0xe8: {  	_ =	swait.ge @!p6 [sflag:s4], $0x800  }
0xe9: {  	s6 =	simm.s32 @!p6 $0x2700;
	[sflag:s4] =	ssyncset.done @!p6 $0x0  }
0xea: {  	s7 =	simm.s32 @!p6 $0x2780;
	[sflag:s4] =	ssyncadd.s32 @!p6 $0xFFFFF800;
	s4 =	simm.s32 @!p6 $0x80  }
0xeb: {  	[spmem:s2] =	stream.indirect.scatter.add.f32 @!p6 [tilespmem:s7], [sflag:$0x8], $0x10, s6, s4, $0xb8;
	[tilespmem:$0x5F80] =	vst v63  }
.LBB2_8:
0xec: {  	_ =	sfence.sel $0x180000  }
0xed: {  	[bflag:$0x0] =	sbarrier.arrive $0xFFFF  }
0xee: {  	_ =	strace $0x90000047  }
0xef: {  	s0 =	stileid.u32;
	[bflag:$0x2] =	sbarrier.arrive $0xFFFF  }
0xf0: {  	p0 =	sne.s32 s0, $0x0;
	s0 =	rddreg [dreg:$0x2]  }
0xf1: {  	s0 =	sadd.s32 @!p0 $0x100000, s0  }
0xf2: {  	[sflag:s0] =	ssyncadd.tile.s32 @!p0 $0x1;
	_ =	shalt  }
.Lfunc_end2:
_tile_overlayer_lowered:
.L_overlay_start_2:
0xf3: {  	(tag) =	ssettag $0x2  }
0xf4: {  	s0 =	rddreg [dreg:$0x0];
	s2 =	stileid.u32  }
0xf5: {  	s1 =	rddreg [dreg:$0x1];
	p0 =	sne.s32 s2, $0x0  }
0xf6: {  	s3 =	rddreg [dreg:$0x2];
	[bflag:$0x3] =	sbarrier.arrive $0xFFFF;
	s2 =	simm.s32 @!p0 $0x1C0A  }
0xf7: {  	[timem:s3], [sflag:s2] =	dma.local @!p0 [hbm:s0], s1  }
0xf8: {  	s0 =	simm.s32 @!p0 $0xA  }
0xf9: {  	_ =	swait.ge @!p0 [sflag:s0], s1  }
0xfa: {  	s1 =	ssub.s32 @!p0 $0x0, s1;
	[sflag:s0] =	ssyncset.done @!p0 $0x0  }
0xfb: {  	[sflag:s0] =	ssyncadd.s32 @!p0 s1  }
0xfc: {  	[bflag:$0x3] =	sbarrier.arrive $0xFFFF  }
0xfd: {  	_ =	shalt  }

</sc_bundles>
